<compile_context>
chip_gen: v7x
topology: tpu7x:2x2x1
jax: 0.10.2.dev20260603
libtpu: 0.0.44.dev20260713+nightly
codegen_flags: <defaults>
</compile_context>

<pallas_src>
import functools

import jax
import jax.numpy as jnp
from jax import lax
from jax.experimental import pallas as pl
from jax.experimental.pallas import tpu as pltpu
from jax.experimental.pallas import tpu_sc as plsc

_N = 100000
_K = 64
_L = 16
_NBLK = _N // _L


def _body(nw, blk_per_w, extra, y_hbm, w_hbm, ids_hbm, out_hbm,
          y_v, ids_v, w_v, stage_v):
    nc = nw // _L
    c = lax.axis_index("c")
    s = lax.axis_index("s")
    wid = s * nc + c
    nblk = blk_per_w + jnp.where(wid < extra, 1, 0)
    base_blk = wid * blk_per_w + jnp.minimum(wid, extra)

    pltpu.sync_copy(y_hbm, y_v)

    def msum(i, acc):
        a = acc
        for j in range(10):
            a = a + y_v[pl.ds((i * 10 + j) * _L, _L)]
        return a
    sv = lax.fori_loop(0, _NBLK // 10, msum, jnp.zeros((_L,), jnp.float32))
    m = jnp.sum(sv) * jnp.float32(1.0 / _N)

    iota = lax.iota(jnp.int32, _L)
    zeros = jnp.zeros((_L,), jnp.float32)

    def block_body(b, sumabs):
        row0 = (base_blk + b) * _L
        pltpu.sync_copy(ids_hbm.at[pl.ds(row0, _L), :], ids_v)
        pltpu.sync_copy(w_hbm.at[pl.ds(row0, _L), :], w_v)
        accB = zeros
        accC = zeros
        for k in range(_K):
            kv = jnp.full((_L,), k, jnp.int32)
            idv = plsc.load_gather(ids_v, [iota, kv])
            wv = plsc.load_gather(w_v, [iota, kv])
            gv = plsc.load_gather(y_v, [idv])
            z = gv - m
            t = wv * z
            accB = accB + t
            accC = accC + t * z
        yv = y_v[pl.ds(row0, _L)]
        ivec = (yv - m) * jnp.float32(_K - 1) * accB / accC
        return sumabs + jnp.abs(ivec)

    sumabs = lax.fori_loop(0, nblk, block_body, zeros)
    stage_v[...] = sumabs
    pltpu.sync_copy(stage_v, out_hbm.at[wid])


def kernel(y, neighbor_weights, neighbor_ids):
    ids32 = neighbor_ids.astype(jnp.int32)
    info = plsc.get_sparse_core_info()
    nw = info.num_cores * info.num_subcores
    blk_per_w = _NBLK // nw
    extra = _NBLK - blk_per_w * nw
    mesh = plsc.VectorSubcoreMesh(core_axis_name="c", subcore_axis_name="s")
    partials = pl.kernel(
        functools.partial(_body, nw, blk_per_w, extra),
        mesh=mesh,
        compiler_params=pltpu.CompilerParams(needs_layout_passes=False),
        out_type=jax.ShapeDtypeStruct((nw, _L), jnp.float32),
        scratch_types=[
            pltpu.VMEM((_N,), jnp.float32),
            pltpu.VMEM((_L, _K), jnp.int32),
            pltpu.VMEM((_L, _K), jnp.float32),
            pltpu.VMEM((_L,), jnp.float32),
        ],
    )(y, neighbor_weights, ids32)
    return jnp.sum(partials) / jnp.float32(_N)

# --- scband reference (transcript-rebuilt; emitter-appended) ---
"""Pipeline reference for scband-local-moran-index-523986010463 (READ-ONLY COPY).

The authoritative reference and input builder live on the scoring server;
editing this copy changes nothing except your own understanding.
"""

import jax, jax.numpy as jnp
import numpy as np

N = 100000
K = 64

def setup_inputs(seed: int = 0) -> dict:
    key = jax.random.key(seed)
    k1, k2, k3 = jax.random.split(key, 3)
    y = jax.random.normal(k1, (N,), dtype=jnp.float32)
    neighbor_weights = jax.random.uniform(k2, (N, K), dtype=jnp.float32)
    neighbor_ids = jax.random.randint(k3, (N, K), 0, N, dtype=jnp.int64)
    return {"y": y, "neighbor_weights": neighbor_weights, "neighbor_ids": neighbor_ids}

def reference(y, neighbor_weights, neighbor_ids):
    # Equal-length neighbor lists: pad_sequence(...).T is identity reshape to [N, K];
    # valid_len is K for every row.
    valid_len = jnp.full((y.shape[0],), neighbor_weights.shape[1], dtype=jnp.float32)
    y_mean = jnp.mean(y)
    Z = jnp.take(y, neighbor_ids, axis=0) - y_mean
    S2 = jnp.sum(neighbor_weights * Z ** 2, axis=1) / (valid_len - 1.0)
    I = (y - y_mean) * jnp.sum(neighbor_weights * Z, axis=1) / S2
    return jnp.mean(jnp.abs(I))

if __name__ == "__main__":
    import jax
    _d = setup_inputs()
    print(jax.jit(kernel)(*tuple(_d.values())))

</pallas_src>

<mosaic_0001>
#map = affine_map<(d0, d1) -> (0)>
#map1 = affine_map<(d0, d1) -> (0, 0)>
module attributes {stable_mosaic.version = 14 : i64} {
  func.func @_body(%arg0: i32, %arg1: i32, %arg2: memref<100000xf32, #tpu.memory_space<hbm>>, %arg3: memref<100000x64xf32, #tpu.memory_space<hbm>>, %arg4: memref<100000x64xi32, #tpu.memory_space<hbm>>, %arg5: memref<32x16xf32, #tpu.memory_space<hbm>>, %arg6: memref<100000xf32, #tpu.memory_space<vmem>>, %arg7: memref<16x64xi32, #tpu.memory_space<vmem>>, %arg8: memref<16x64xf32, #tpu.memory_space<vmem>>, %arg9: memref<16xf32, #tpu.memory_space<vmem>>) attributes {dimension_semantics = [#tpu.dimension_semantics<core_parallel>, #tpu.dimension_semantics<subcore_parallel>], iteration_bounds = array<i64: 2, 16>, scalar_prefetch = 0 : i64, scratch_operands = 4 : i64, tpu.core_type = #tpu.core_type<sc_vector_subcore>, window_params = [{transform_indices = #map}, {transform_indices = #map1}, {transform_indices = #map1}, {transform_indices = #map1}]} {
    %mul3A = arith.constant 2 : i32
    %mul3A_0 = arith.muli %arg1, %mul3A : i32
    %add3A = arith.addi %mul3A_0, %arg0 : i32
    %lt3A = arith.constant 10 : i32
    %lt3A_1 = arith.cmpi slt, %add3A, %lt3A : i32
    %jit3A = arith.constant 1 : i32
    %jit3A_2 = arith.constant 0 : i32
    %select_n3A = arith.select %lt3A_1, %jit3A, %jit3A_2 : i32
    %add3A_3 = arith.constant 195 : i32
    %add3A_4 = arith.addi %add3A_3, %select_n3A : i32
    %mul3A_5 = arith.constant 195 : i32
    %mul3A_6 = arith.muli %add3A, %mul3A_5 : i32
    %min3A = arith.constant 10 : i32
    %min3A_7 = arith.minsi %add3A, %min3A : i32
    %add3A_8 = arith.addi %mul3A_6, %min3A_7 : i32
    "tpu.region"() ({
      %run_scoped3A = tpu.sem_alloc : memref<!tpu.dma_semaphore, #tpu.memory_space<semaphore_mem>>
      tpu.enqueue_dma source(%arg2 : memref<100000xf32, #tpu.memory_space<hbm>>) target(%arg6 : memref<100000xf32, #tpu.memory_space<vmem>>) target_semaphore(%run_scoped3A : memref<!tpu.dma_semaphore, #tpu.memory_space<semaphore_mem>>)
      tpu.wait_dma2 semaphore(%run_scoped3A : memref<!tpu.dma_semaphore, #tpu.memory_space<semaphore_mem>>) src(%arg2 : memref<100000xf32, #tpu.memory_space<hbm>>) dst(%arg6 : memref<100000xf32, #tpu.memory_space<vmem>>)
      tpu.yield
    }) : () -> ()
    %broadcast_in_dim3A = arith.constant 0.000000e+00 : f32
    %broadcast_in_dim3A_9 = vector.broadcast %broadcast_in_dim3A : f32 to vector<16xf32>
    %scan3A = arith.constant 0 : i32
    %scan3A_10 = arith.constant 625 : i32
    %scan3A_11 = arith.addi %scan3A, %scan3A_10 : i32
    %scan3A_12 = arith.constant 1 : i32
    %scan3A_13 = scf.for %scan3A_33 = %scan3A to %scan3A_11 step %scan3A_12 iter_args(%scan3A_34 = %broadcast_in_dim3A_9) -> (vector<16xf32>)  : i32 {
      %mul3A_35 = arith.constant 10 : i32
      %mul3A_36 = arith.muli %scan3A_33, %mul3A_35 : i32
      %add3A_37 = arith.constant 0 : i32
      %add3A_38 = arith.addi %mul3A_36, %add3A_37 : i32
      %mul3A_39 = arith.constant 16 : i32
      %mul3A_40 = arith.muli %add3A_38, %mul3A_39 : i32
      %get3A = arith.index_cast %mul3A_40 : i32 to index
      %get3A_41 = tpu.vector_load %arg6[%get3A] {strides = array<i32>} : memref<100000xf32, #tpu.memory_space<vmem>>, vector<16xf32>,
      %add3A_42 = arith.addf %scan3A_34, %get3A_41 : vector<16xf32>
      %mul3A_43 = arith.constant 10 : i32
      %mul3A_44 = arith.muli %scan3A_33, %mul3A_43 : i32
      %add3A_45 = arith.constant 1 : i32
      %add3A_46 = arith.addi %mul3A_44, %add3A_45 : i32
      %mul3A_47 = arith.constant 16 : i32
      %mul3A_48 = arith.muli %add3A_46, %mul3A_47 : i32
      %get3A_49 = arith.index_cast %mul3A_48 : i32 to index
      %get3A_50 = tpu.vector_load %arg6[%get3A_49] {strides = array<i32>} : memref<100000xf32, #tpu.memory_space<vmem>>, vector<16xf32>,
      %add3A_51 = arith.addf %add3A_42, %get3A_50 : vector<16xf32>
      %mul3A_52 = arith.constant 10 : i32
      %mul3A_53 = arith.muli %scan3A_33, %mul3A_52 : i32
      %add3A_54 = arith.constant 2 : i32
      %add3A_55 = arith.addi %mul3A_53, %add3A_54 : i32
      %mul3A_56 = arith.constant 16 : i32
      %mul3A_57 = arith.muli %add3A_55, %mul3A_56 : i32
      %get3A_58 = arith.index_cast %mul3A_57 : i32 to index
      %get3A_59 = tpu.vector_load %arg6[%get3A_58] {strides = array<i32>} : memref<100000xf32, #tpu.memory_space<vmem>>, vector<16xf32>,
      %add3A_60 = arith.addf %add3A_51, %get3A_59 : vector<16xf32>
      %mul3A_61 = arith.constant 10 : i32
      %mul3A_62 = arith.muli %scan3A_33, %mul3A_61 : i32
      %add3A_63 = arith.constant 3 : i32
      %add3A_64 = arith.addi %mul3A_62, %add3A_63 : i32
      %mul3A_65 = arith.constant 16 : i32
      %mul3A_66 = arith.muli %add3A_64, %mul3A_65 : i32
      %get3A_67 = arith.index_cast %mul3A_66 : i32 to index
      %get3A_68 = tpu.vector_load %arg6[%get3A_67] {strides = array<i32>} : memref<100000xf32, #tpu.memory_space<vmem>>, vector<16xf32>,
      %add3A_69 = arith.addf %add3A_60, %get3A_68 : vector<16xf32>
      %mul3A_70 = arith.constant 10 : i32
      %mul3A_71 = arith.muli %scan3A_33, %mul3A_70 : i32
      %add3A_72 = arith.constant 4 : i32
      %add3A_73 = arith.addi %mul3A_71, %add3A_72 : i32
      %mul3A_74 = arith.constant 16 : i32
      %mul3A_75 = arith.muli %add3A_73, %mul3A_74 : i32
      %get3A_76 = arith.index_cast %mul3A_75 : i32 to index
      %get3A_77 = tpu.vector_load %arg6[%get3A_76] {strides = array<i32>} : memref<100000xf32, #tpu.memory_space<vmem>>, vector<16xf32>,
      %add3A_78 = arith.addf %add3A_69, %get3A_77 : vector<16xf32>
      %mul3A_79 = arith.constant 10 : i32
      %mul3A_80 = arith.muli %scan3A_33, %mul3A_79 : i32
      %add3A_81 = arith.constant 5 : i32
      %add3A_82 = arith.addi %mul3A_80, %add3A_81 : i32
      %mul3A_83 = arith.constant 16 : i32
      %mul3A_84 = arith.muli %add3A_82, %mul3A_83 : i32
      %get3A_85 = arith.index_cast %mul3A_84 : i32 to index
      %get3A_86 = tpu.vector_load %arg6[%get3A_85] {strides = array<i32>} : memref<100000xf32, #tpu.memory_space<vmem>>, vector<16xf32>,
      %add3A_87 = arith.addf %add3A_78, %get3A_86 : vector<16xf32>
      %mul3A_88 = arith.constant 10 : i32
      %mul3A_89 = arith.muli %scan3A_33, %mul3A_88 : i32
      %add3A_90 = arith.constant 6 : i32
      %add3A_91 = arith.addi %mul3A_89, %add3A_90 : i32
      %mul3A_92 = arith.constant 16 : i32
      %mul3A_93 = arith.muli %add3A_91, %mul3A_92 : i32
      %get3A_94 = arith.index_cast %mul3A_93 : i32 to index
      %get3A_95 = tpu.vector_load %arg6[%get3A_94] {strides = array<i32>} : memref<100000xf32, #tpu.memory_space<vmem>>, vector<16xf32>,
      %add3A_96 = arith.addf %add3A_87, %get3A_95 : vector<16xf32>
      %mul3A_97 = arith.constant 10 : i32
      %mul3A_98 = arith.muli %scan3A_33, %mul3A_97 : i32
      %add3A_99 = arith.constant 7 : i32
      %add3A_100 = arith.addi %mul3A_98, %add3A_99 : i32
      %mul3A_101 = arith.constant 16 : i32
      %mul3A_102 = arith.muli %add3A_100, %mul3A_101 : i32
      %get3A_103 = arith.index_cast %mul3A_102 : i32 to index
      %get3A_104 = tpu.vector_load %arg6[%get3A_103] {strides = array<i32>} : memref<100000xf32, #tpu.memory_space<vmem>>, vector<16xf32>,
      %add3A_105 = arith.addf %add3A_96, %get3A_104 : vector<16xf32>
      %mul3A_106 = arith.constant 10 : i32
      %mul3A_107 = arith.muli %scan3A_33, %mul3A_106 : i32
      %add3A_108 = arith.constant 8 : i32
      %add3A_109 = arith.addi %mul3A_107, %add3A_108 : i32
      %mul3A_110 = arith.constant 16 : i32
      %mul3A_111 = arith.muli %add3A_109, %mul3A_110 : i32
      %get3A_112 = arith.index_cast %mul3A_111 : i32 to index
      %get3A_113 = tpu.vector_load %arg6[%get3A_112] {strides = array<i32>} : memref<100000xf32, #tpu.memory_space<vmem>>, vector<16xf32>,
      %add3A_114 = arith.addf %add3A_105, %get3A_113 : vector<16xf32>
      %mul3A_115 = arith.constant 10 : i32
      %mul3A_116 = arith.muli %scan3A_33, %mul3A_115 : i32
      %add3A_117 = arith.constant 9 : i32
      %add3A_118 = arith.addi %mul3A_116, %add3A_117 : i32
      %mul3A_119 = arith.constant 16 : i32
      %mul3A_120 = arith.muli %add3A_118, %mul3A_119 : i32
      %get3A_121 = arith.index_cast %mul3A_120 : i32 to index
      %get3A_122 = tpu.vector_load %arg6[%get3A_121] {strides = array<i32>} : memref<100000xf32, #tpu.memory_space<vmem>>, vector<16xf32>,
      %add3A_123 = arith.addf %add3A_114, %get3A_122 : vector<16xf32>
      scf.yield %add3A_123 : vector<16xf32>
    }
    %scan3A_14 = arith.constant 625 : i32
    %reduce_sum3A = arith.constant true
    %reduce_sum3A_15 = vector.broadcast %reduce_sum3A : i1 to vector<16xi1>
    %reduce_sum3A_16 = tpu.scan <sum>, %scan3A_13 masked %reduce_sum3A_15 : vector<16xf32>, vector<16xi1> -> vector<16xf32>
    %reduce_sum3A_17 = vector.extract %reduce_sum3A_16[15] : f32 from vector<16xf32>
    %mul3A_18 = arith.constant 9.99999974E-6 : f32
    %mul3A_19 = arith.mulf %reduce_sum3A_17, %mul3A_18 : f32
    %iota3A = tpu.iota {dimensions = array<i32: 0>} : vector<16xi32>
    %broadcast_in_dim3A_20 = arith.constant 0.000000e+00 : f32
    %broadcast_in_dim3A_21 = vector.broadcast %broadcast_in_dim3A_20 : f32 to vector<16xf32>
    %while3A = arith.constant 0 : i32
    %while3A_22 = arith.subi %add3A_4, %while3A : i32
    %while3A_23 = arith.addi %while3A, %while3A_22 : i32
    %while3A_24 = arith.constant 1 : i32
    %while3A_25 = arith.divsi %while3A_22, %while3A_24 : i32
    %while3A_26 = arith.muli %while3A_25, %while3A_24 : i32
    %while3A_27 = arith.addi %while3A, %while3A_26 : i32
    %while3A_28 = arith.constant 1 : i32
    %while3A_29 = scf.for %while3A_33 = %while3A to %while3A_27 step %while3A_28 iter_args(%while3A_34 = %broadcast_in_dim3A_21) -> (vector<16xf32>)  : i32 {
      %add3A_35 = arith.addi %add3A_8, %while3A_33 : i32
      %mul3A_36 = arith.constant 16 : i32
      %mul3A_37 = arith.muli %add3A_35, %mul3A_36 : i32
      "tpu.region"() ({
        %run_scoped3A = tpu.sem_alloc : memref<!tpu.dma_semaphore, #tpu.memory_space<semaphore_mem>>
        %dma_start3A = arith.constant 0 : i32
        %dma_start3A_748 = tpu.memref_slice %arg4[%mul3A_37, %dma_start3A] : memref<100000x64xi32, #tpu.memory_space<hbm>> -> memref<16x64xi32, #tpu.memory_space<hbm>>
        %dma_start3A_749 = arith.constant 0 : i32
        %dma_start3A_750 = tpu.memref_slice %arg4[%mul3A_37, %dma_start3A_749] : memref<100000x64xi32, #tpu.memory_space<hbm>> -> memref<16x64xi32, #tpu.memory_space<hbm>>
        tpu.enqueue_dma source(%dma_start3A_750 : memref<16x64xi32, #tpu.memory_space<hbm>>) target(%arg7 : memref<16x64xi32, #tpu.memory_space<vmem>>) target_semaphore(%run_scoped3A : memref<!tpu.dma_semaphore, #tpu.memory_space<semaphore_mem>>)
        %dma_wait3A = arith.constant 0 : i32
        %dma_wait3A_751 = tpu.memref_slice %arg4[%mul3A_37, %dma_wait3A] : memref<100000x64xi32, #tpu.memory_space<hbm>> -> memref<16x64xi32, #tpu.memory_space<hbm>>
        %dma_wait3A_752 = arith.constant 0 : i32
        %dma_wait3A_753 = tpu.memref_slice %arg4[%mul3A_37, %dma_wait3A_752] : memref<100000x64xi32, #tpu.memory_space<hbm>> -> memref<16x64xi32, #tpu.memory_space<hbm>>
        tpu.wait_dma2 semaphore(%run_scoped3A : memref<!tpu.dma_semaphore, #tpu.memory_space<semaphore_mem>>) src(%dma_wait3A_753 : memref<16x64xi32, #tpu.memory_space<hbm>>) dst(%arg7 : memref<16x64xi32, #tpu.memory_space<vmem>>)
        tpu.yield
      }) : () -> ()
      "tpu.region"() ({
        %run_scoped3A = tpu.sem_alloc : memref<!tpu.dma_semaphore, #tpu.memory_space<semaphore_mem>>
        %dma_start3A = arith.constant 0 : i32
        %dma_start3A_748 = tpu.memref_slice %arg3[%mul3A_37, %dma_start3A] : memref<100000x64xf32, #tpu.memory_space<hbm>> -> memref<16x64xf32, #tpu.memory_space<hbm>>
        %dma_start3A_749 = arith.constant 0 : i32
        %dma_start3A_750 = tpu.memref_slice %arg3[%mul3A_37, %dma_start3A_749] : memref<100000x64xf32, #tpu.memory_space<hbm>> -> memref<16x64xf32, #tpu.memory_space<hbm>>
        tpu.enqueue_dma source(%dma_start3A_750 : memref<16x64xf32, #tpu.memory_space<hbm>>) target(%arg8 : memref<16x64xf32, #tpu.memory_space<vmem>>) target_semaphore(%run_scoped3A : memref<!tpu.dma_semaphore, #tpu.memory_space<semaphore_mem>>)
        %dma_wait3A = arith.constant 0 : i32
        %dma_wait3A_751 = tpu.memref_slice %arg3[%mul3A_37, %dma_wait3A] : memref<100000x64xf32, #tpu.memory_space<hbm>> -> memref<16x64xf32, #tpu.memory_space<hbm>>
        %dma_wait3A_752 = arith.constant 0 : i32
        %dma_wait3A_753 = tpu.memref_slice %arg3[%mul3A_37, %dma_wait3A_752] : memref<100000x64xf32, #tpu.memory_space<hbm>> -> memref<16x64xf32, #tpu.memory_space<hbm>>
        tpu.wait_dma2 semaphore(%run_scoped3A : memref<!tpu.dma_semaphore, #tpu.memory_space<semaphore_mem>>) src(%dma_wait3A_753 : memref<16x64xf32, #tpu.memory_space<hbm>>) dst(%arg8 : memref<16x64xf32, #tpu.memory_space<vmem>>)
        tpu.yield
      }) : () -> ()
      %broadcast_in_dim3A_38 = arith.constant 0 : i32
      %broadcast_in_dim3A_39 = vector.broadcast %broadcast_in_dim3A_38 : i32 to vector<16xi32>
      %gather3A = tpu.vector_load_idx %arg7[%iota3A, %broadcast_in_dim3A_39] : memref<16x64xi32, #tpu.memory_space<vmem>>[vector<16xi32>, vector<16xi32>], vector<16xi32>,
      %gather3A_40 = tpu.vector_load_idx %arg8[%iota3A, %broadcast_in_dim3A_39] : memref<16x64xf32, #tpu.memory_space<vmem>>[vector<16xi32>, vector<16xi32>], vector<16xf32>,
      %gather3A_41 = tpu.vector_load_idx %arg6[%gather3A] : memref<100000xf32, #tpu.memory_space<vmem>>[vector<16xi32>], vector<16xf32>,
      %sub3A = vector.broadcast %mul3A_19 : f32 to vector<16xf32>
      %sub3A_42 = arith.subf %gather3A_41, %sub3A : vector<16xf32>
      %mul3A_43 = arith.mulf %gather3A_40, %sub3A_42 : vector<16xf32>
      %add3A_44 = arith.addf %broadcast_in_dim3A_21, %mul3A_43 : vector<16xf32>
      %mul3A_45 = arith.mulf %mul3A_43, %sub3A_42 : vector<16xf32>
      %add3A_46 = arith.addf %broadcast_in_dim3A_21, %mul3A_45 : vector<16xf32>
      %broadcast_in_dim3A_47 = arith.constant 1 : i32
      %broadcast_in_dim3A_48 = vector.broadcast %broadcast_in_dim3A_47 : i32 to vector<16xi32>
      %gather3A_49 = tpu.vector_load_idx %arg7[%iota3A, %broadcast_in_dim3A_48] : memref<16x64xi32, #tpu.memory_space<vmem>>[vector<16xi32>, vector<16xi32>], vector<16xi32>,
      %gather3A_50 = tpu.vector_load_idx %arg8[%iota3A, %broadcast_in_dim3A_48] : memref<16x64xf32, #tpu.memory_space<vmem>>[vector<16xi32>, vector<16xi32>], vector<16xf32>,
      %gather3A_51 = tpu.vector_load_idx %arg6[%gather3A_49] : memref<100000xf32, #tpu.memory_space<vmem>>[vector<16xi32>], vector<16xf32>,
      %sub3A_52 = vector.broadcast %mul3A_19 : f32 to vector<16xf32>
      %sub3A_53 = arith.subf %gather3A_51, %sub3A_52 : vector<16xf32>
      %mul3A_54 = arith.mulf %gather3A_50, %sub3A_53 : vector<16xf32>
      %add3A_55 = arith.addf %add3A_44, %mul3A_54 : vector<16xf32>
      %mul3A_56 = arith.mulf %mul3A_54, %sub3A_53 : vector<16xf32>
      %add3A_57 = arith.addf %add3A_46, %mul3A_56 : vector<16xf32>
      %broadcast_in_dim3A_58 = arith.constant 2 : i32
      %broadcast_in_dim3A_59 = vector.broadcast %broadcast_in_dim3A_58 : i32 to vector<16xi32>
      %gather3A_60 = tpu.vector_load_idx %arg7[%iota3A, %broadcast_in_dim3A_59] : memref<16x64xi32, #tpu.memory_space<vmem>>[vector<16xi32>, vector<16xi32>], vector<16xi32>,
      %gather3A_61 = tpu.vector_load_idx %arg8[%iota3A, %broadcast_in_dim3A_59] : memref<16x64xf32, #tpu.memory_space<vmem>>[vector<16xi32>, vector<16xi32>], vector<16xf32>,
      %gather3A_62 = tpu.vector_load_idx %arg6[%gather3A_60] : memref<100000xf32, #tpu.memory_space<vmem>>[vector<16xi32>], vector<16xf32>,
      %sub3A_63 = vector.broadcast %mul3A_19 : f32 to vector<16xf32>
      %sub3A_64 = arith.subf %gather3A_62, %sub3A_63 : vector<16xf32>
      %mul3A_65 = arith.mulf %gather3A_61, %sub3A_64 : vector<16xf32>
      %add3A_66 = arith.addf %add3A_55, %mul3A_65 : vector<16xf32>
      %mul3A_67 = arith.mulf %mul3A_65, %sub3A_64 : vector<16xf32>
      %add3A_68 = arith.addf %add3A_57, %mul3A_67 : vector<16xf32>
      %broadcast_in_dim3A_69 = arith.constant 3 : i32
      %broadcast_in_dim3A_70 = vector.broadcast %broadcast_in_dim3A_69 : i32 to vector<16xi32>
      %gather3A_71 = tpu.vector_load_idx %arg7[%iota3A, %broadcast_in_dim3A_70] : memref<16x64xi32, #tpu.memory_space<vmem>>[vector<16xi32>, vector<16xi32>], vector<16xi32>,
      %gather3A_72 = tpu.vector_load_idx %arg8[%iota3A, %broadcast_in_dim3A_70] : memref<16x64xf32, #tpu.memory_space<vmem>>[vector<16xi32>, vector<16xi32>], vector<16xf32>,
      %gather3A_73 = tpu.vector_load_idx %arg6[%gather3A_71] : memref<100000xf32, #tpu.memory_space<vmem>>[vector<16xi32>], vector<16xf32>,
      %sub3A_74 = vector.broadcast %mul3A_19 : f32 to vector<16xf32>
      %sub3A_75 = arith.subf %gather3A_73, %sub3A_74 : vector<16xf32>
      %mul3A_76 = arith.mulf %gather3A_72, %sub3A_75 : vector<16xf32>
      %add3A_77 = arith.addf %add3A_66, %mul3A_76 : vector<16xf32>
      %mul3A_78 = arith.mulf %mul3A_76, %sub3A_75 : vector<16xf32>
      %add3A_79 = arith.addf %add3A_68, %mul3A_78 : vector<16xf32>
      %broadcast_in_dim3A_80 = arith.constant 4 : i32
      %broadcast_in_dim3A_81 = vector.broadcast %broadcast_in_dim3A_80 : i32 to vector<16xi32>
      %gather3A_82 = tpu.vector_load_idx %arg7[%iota3A, %broadcast_in_dim3A_81] : memref<16x64xi32, #tpu.memory_space<vmem>>[vector<16xi32>, vector<16xi32>], vector<16xi32>,
      %gather3A_83 = tpu.vector_load_idx %arg8[%iota3A, %broadcast_in_dim3A_81] : memref<16x64xf32, #tpu.memory_space<vmem>>[vector<16xi32>, vector<16xi32>], vector<16xf32>,
      %gather3A_84 = tpu.vector_load_idx %arg6[%gather3A_82] : memref<100000xf32, #tpu.memory_space<vmem>>[vector<16xi32>], vector<16xf32>,
      %sub3A_85 = vector.broadcast %mul3A_19 : f32 to vector<16xf32>
      %sub3A_86 = arith.subf %gather3A_84, %sub3A_85 : vector<16xf32>
      %mul3A_87 = arith.mulf %gather3A_83, %sub3A_86 : vector<16xf32>
      %add3A_88 = arith.addf %add3A_77, %mul3A_87 : vector<16xf32>
      %mul3A_89 = arith.mulf %mul3A_87, %sub3A_86 : vector<16xf32>
      %add3A_90 = arith.addf %add3A_79, %mul3A_89 : vector<16xf32>
      %broadcast_in_dim3A_91 = arith.constant 5 : i32
      %broadcast_in_dim3A_92 = vector.broadcast %broadcast_in_dim3A_91 : i32 to vector<16xi32>
      %gather3A_93 = tpu.vector_load_idx %arg7[%iota3A, %broadcast_in_dim3A_92] : memref<16x64xi32, #tpu.memory_space<vmem>>[vector<16xi32>, vector<16xi32>], vector<16xi32>,
      %gather3A_94 = tpu.vector_load_idx %arg8[%iota3A, %broadcast_in_dim3A_92] : memref<16x64xf32, #tpu.memory_space<vmem>>[vector<16xi32>, vector<16xi32>], vector<16xf32>,
      %gather3A_95 = tpu.vector_load_idx %arg6[%gather3A_93] : memref<100000xf32, #tpu.memory_space<vmem>>[vector<16xi32>], vector<16xf32>,
      %sub3A_96 = vector.broadcast %mul3A_19 : f32 to vector<16xf32>
      %sub3A_97 = arith.subf %gather3A_95, %sub3A_96 : vector<16xf32>
      %mul3A_98 = arith.mulf %gather3A_94, %sub3A_97 : vector<16xf32>
      %add3A_99 = arith.addf %add3A_88, %mul3A_98 : vector<16xf32>
      %mul3A_100 = arith.mulf %mul3A_98, %sub3A_97 : vector<16xf32>
      %add3A_101 = arith.addf %add3A_90, %mul3A_100 : vector<16xf32>
      %broadcast_in_dim3A_102 = arith.constant 6 : i32
      %broadcast_in_dim3A_103 = vector.broadcast %broadcast_in_dim3A_102 : i32 to vector<16xi32>
      %gather3A_104 = tpu.vector_load_idx %arg7[%iota3A, %broadcast_in_dim3A_103] : memref<16x64xi32, #tpu.memory_space<vmem>>[vector<16xi32>, vector<16xi32>], vector<16xi32>,
      %gather3A_105 = tpu.vector_load_idx %arg8[%iota3A, %broadcast_in_dim3A_103] : memref<16x64xf32, #tpu.memory_space<vmem>>[vector<16xi32>, vector<16xi32>], vector<16xf32>,
      %gather3A_106 = tpu.vector_load_idx %arg6[%gather3A_104] : memref<100000xf32, #tpu.memory_space<vmem>>[vector<16xi32>], vector<16xf32>,
      %sub3A_107 = vector.broadcast %mul3A_19 : f32 to vector<16xf32>
      %sub3A_108 = arith.subf %gather3A_106, %sub3A_107 : vector<16xf32>
      %mul3A_109 = arith.mulf %gather3A_105, %sub3A_108 : vector<16xf32>
      %add3A_110 = arith.addf %add3A_99, %mul3A_109 : vector<16xf32>
      %mul3A_111 = arith.mulf %mul3A_109, %sub3A_108 : vector<16xf32>
      %add3A_112 = arith.addf %add3A_101, %mul3A_111 : vector<16xf32>
      %broadcast_in_dim3A_113 = arith.constant 7 : i32
      %broadcast_in_dim3A_114 = vector.broadcast %broadcast_in_dim3A_113 : i32 to vector<16xi32>
      %gather3A_115 = tpu.vector_load_idx %arg7[%iota3A, %broadcast_in_dim3A_114] : memref<16x64xi32, #tpu.memory_space<vmem>>[vector<16xi32>, vector<16xi32>], vector<16xi32>,
      %gather3A_116 = tpu.vector_load_idx %arg8[%iota3A, %broadcast_in_dim3A_114] : memref<16x64xf32, #tpu.memory_space<vmem>>[vector<16xi32>, vector<16xi32>], vector<16xf32>,
      %gather3A_117 = tpu.vector_load_idx %arg6[%gather3A_115] : memref<100000xf32, #tpu.memory_space<vmem>>[vector<16xi32>], vector<16xf32>,
      %sub3A_118 = vector.broadcast %mul3A_19 : f32 to vector<16xf32>
      %sub3A_119 = arith.subf %gather3A_117, %sub3A_118 : vector<16xf32>
      %mul3A_120 = arith.mulf %gather3A_116, %sub3A_119 : vector<16xf32>
      %add3A_121 = arith.addf %add3A_110, %mul3A_120 : vector<16xf32>
      %mul3A_122 = arith.mulf %mul3A_120, %sub3A_119 : vector<16xf32>
      %add3A_123 = arith.addf %add3A_112, %mul3A_122 : vector<16xf32>
      %broadcast_in_dim3A_124 = arith.constant 8 : i32
      %broadcast_in_dim3A_125 = vector.broadcast %broadcast_in_dim3A_124 : i32 to vector<16xi32>
      %gather3A_126 = tpu.vector_load_idx %arg7[%iota3A, %broadcast_in_dim3A_125] : memref<16x64xi32, #tpu.memory_space<vmem>>[vector<16xi32>, vector<16xi32>], vector<16xi32>,
      %gather3A_127 = tpu.vector_load_idx %arg8[%iota3A, %broadcast_in_dim3A_125] : memref<16x64xf32, #tpu.memory_space<vmem>>[vector<16xi32>, vector<16xi32>], vector<16xf32>,
      %gather3A_128 = tpu.vector_load_idx %arg6[%gather3A_126] : memref<100000xf32, #tpu.memory_space<vmem>>[vector<16xi32>], vector<16xf32>,
      %sub3A_129 = vector.broadcast %mul3A_19 : f32 to vector<16xf32>
      %sub3A_130 = arith.subf %gather3A_128, %sub3A_129 : vector<16xf32>
      %mul3A_131 = arith.mulf %gather3A_127, %sub3A_130 : vector<16xf32>
      %add3A_132 = arith.addf %add3A_121, %mul3A_131 : vector<16xf32>
      %mul3A_133 = arith.mulf %mul3A_131, %sub3A_130 : vector<16xf32>
      %add3A_134 = arith.addf %add3A_123, %mul3A_133 : vector<16xf32>
      %broadcast_in_dim3A_135 = arith.constant 9 : i32
      %broadcast_in_dim3A_136 = vector.broadcast %broadcast_in_dim3A_135 : i32 to vector<16xi32>
      %gather3A_137 = tpu.vector_load_idx %arg7[%iota3A, %broadcast_in_dim3A_136] : memref<16x64xi32, #tpu.memory_space<vmem>>[vector<16xi32>, vector<16xi32>], vector<16xi32>,
      %gather3A_138 = tpu.vector_load_idx %arg8[%iota3A, %broadcast_in_dim3A_136] : memref<16x64xf32, #tpu.memory_space<vmem>>[vector<16xi32>, vector<16xi32>], vector<16xf32>,
      %gather3A_139 = tpu.vector_load_idx %arg6[%gather3A_137] : memref<100000xf32, #tpu.memory_space<vmem>>[vector<16xi32>], vector<16xf32>,
      %sub3A_140 = vector.broadcast %mul3A_19 : f32 to vector<16xf32>
      %sub3A_141 = arith.subf %gather3A_139, %sub3A_140 : vector<16xf32>
      %mul3A_142 = arith.mulf %gather3A_138, %sub3A_141 : vector<16xf32>
      %add3A_143 = arith.addf %add3A_132, %mul3A_142 : vector<16xf32>
      %mul3A_144 = arith.mulf %mul3A_142, %sub3A_141 : vector<16xf32>
      %add3A_145 = arith.addf %add3A_134, %mul3A_144 : vector<16xf32>
      %broadcast_in_dim3A_146 = arith.constant 10 : i32
      %broadcast_in_dim3A_147 = vector.broadcast %broadcast_in_dim3A_146 : i32 to vector<16xi32>
      %gather3A_148 = tpu.vector_load_idx %arg7[%iota3A, %broadcast_in_dim3A_147] : memref<16x64xi32, #tpu.memory_space<vmem>>[vector<16xi32>, vector<16xi32>], vector<16xi32>,
      %gather3A_149 = tpu.vector_load_idx %arg8[%iota3A, %broadcast_in_dim3A_147] : memref<16x64xf32, #tpu.memory_space<vmem>>[vector<16xi32>, vector<16xi32>], vector<16xf32>,
      %gather3A_150 = tpu.vector_load_idx %arg6[%gather3A_148] : memref<100000xf32, #tpu.memory_space<vmem>>[vector<16xi32>], vector<16xf32>,
      %sub3A_151 = vector.broadcast %mul3A_19 : f32 to vector<16xf32>
      %sub3A_152 = arith.subf %gather3A_150, %sub3A_151 : vector<16xf32>
      %mul3A_153 = arith.mulf %gather3A_149, %sub3A_152 : vector<16xf32>
      %add3A_154 = arith.addf %add3A_143, %mul3A_153 : vector<16xf32>
      %mul3A_155 = arith.mulf %mul3A_153, %sub3A_152 : vector<16xf32>
      %add3A_156 = arith.addf %add3A_145, %mul3A_155 : vector<16xf32>
      %broadcast_in_dim3A_157 = arith.constant 11 : i32
      %broadcast_in_dim3A_158 = vector.broadcast %broadcast_in_dim3A_157 : i32 to vector<16xi32>
      %gather3A_159 = tpu.vector_load_idx %arg7[%iota3A, %broadcast_in_dim3A_158] : memref<16x64xi32, #tpu.memory_space<vmem>>[vector<16xi32>, vector<16xi32>], vector<16xi32>,
      %gather3A_160 = tpu.vector_load_idx %arg8[%iota3A, %broadcast_in_dim3A_158] : memref<16x64xf32, #tpu.memory_space<vmem>>[vector<16xi32>, vector<16xi32>], vector<16xf32>,
      %gather3A_161 = tpu.vector_load_idx %arg6[%gather3A_159] : memref<100000xf32, #tpu.memory_space<vmem>>[vector<16xi32>], vector<16xf32>,
      %sub3A_162 = vector.broadcast %mul3A_19 : f32 to vector<16xf32>
      %sub3A_163 = arith.subf %gather3A_161, %sub3A_162 : vector<16xf32>
      %mul3A_164 = arith.mulf %gather3A_160, %sub3A_163 : vector<16xf32>
      %add3A_165 = arith.addf %add3A_154, %mul3A_164 : vector<16xf32>
      %mul3A_166 = arith.mulf %mul3A_164, %sub3A_163 : vector<16xf32>
      %add3A_167 = arith.addf %add3A_156, %mul3A_166 : vector<16xf32>
      %broadcast_in_dim3A_168 = arith.constant 12 : i32
      %broadcast_in_dim3A_169 = vector.broadcast %broadcast_in_dim3A_168 : i32 to vector<16xi32>
      %gather3A_170 = tpu.vector_load_idx %arg7[%iota3A, %broadcast_in_dim3A_169] : memref<16x64xi32, #tpu.memory_space<vmem>>[vector<16xi32>, vector<16xi32>], vector<16xi32>,
      %gather3A_171 = tpu.vector_load_idx %arg8[%iota3A, %broadcast_in_dim3A_169] : memref<16x64xf32, #tpu.memory_space<vmem>>[vector<16xi32>, vector<16xi32>], vector<16xf32>,
      %gather3A_172 = tpu.vector_load_idx %arg6[%gather3A_170] : memref<100000xf32, #tpu.memory_space<vmem>>[vector<16xi32>], vector<16xf32>,
      %sub3A_173 = vector.broadcast %mul3A_19 : f32 to vector<16xf32>
      %sub3A_174 = arith.subf %gather3A_172, %sub3A_173 : vector<16xf32>
      %mul3A_175 = arith.mulf %gather3A_171, %sub3A_174 : vector<16xf32>
      %add3A_176 = arith.addf %add3A_165, %mul3A_175 : vector<16xf32>
      %mul3A_177 = arith.mulf %mul3A_175, %sub3A_174 : vector<16xf32>
      %add3A_178 = arith.addf %add3A_167, %mul3A_177 : vector<16xf32>
      %broadcast_in_dim3A_179 = arith.constant 13 : i32
      %broadcast_in_dim3A_180 = vector.broadcast %broadcast_in_dim3A_179 : i32 to vector<16xi32>
      %gather3A_181 = tpu.vector_load_idx %arg7[%iota3A, %broadcast_in_dim3A_180] : memref<16x64xi32, #tpu.memory_space<vmem>>[vector<16xi32>, vector<16xi32>], vector<16xi32>,
      %gather3A_182 = tpu.vector_load_idx %arg8[%iota3A, %broadcast_in_dim3A_180] : memref<16x64xf32, #tpu.memory_space<vmem>>[vector<16xi32>, vector<16xi32>], vector<16xf32>,
      %gather3A_183 = tpu.vector_load_idx %arg6[%gather3A_181] : memref<100000xf32, #tpu.memory_space<vmem>>[vector<16xi32>], vector<16xf32>,
      %sub3A_184 = vector.broadcast %mul3A_19 : f32 to vector<16xf32>
      %sub3A_185 = arith.subf %gather3A_183, %sub3A_184 : vector<16xf32>
      %mul3A_186 = arith.mulf %gather3A_182, %sub3A_185 : vector<16xf32>
      %add3A_187 = arith.addf %add3A_176, %mul3A_186 : vector<16xf32>
      %mul3A_188 = arith.mulf %mul3A_186, %sub3A_185 : vector<16xf32>
      %add3A_189 = arith.addf %add3A_178, %mul3A_188 : vector<16xf32>
      %broadcast_in_dim3A_190 = arith.constant 14 : i32
      %broadcast_in_dim3A_191 = vector.broadcast %broadcast_in_dim3A_190 : i32 to vector<16xi32>
      %gather3A_192 = tpu.vector_load_idx %arg7[%iota3A, %broadcast_in_dim3A_191] : memref<16x64xi32, #tpu.memory_space<vmem>>[vector<16xi32>, vector<16xi32>], vector<16xi32>,
      %gather3A_193 = tpu.vector_load_idx %arg8[%iota3A, %broadcast_in_dim3A_191] : memref<16x64xf32, #tpu.memory_space<vmem>>[vector<16xi32>, vector<16xi32>], vector<16xf32>,
      %gather3A_194 = tpu.vector_load_idx %arg6[%gather3A_192] : memref<100000xf32, #tpu.memory_space<vmem>>[vector<16xi32>], vector<16xf32>,
      %sub3A_195 = vector.broadcast %mul3A_19 : f32 to vector<16xf32>
      %sub3A_196 = arith.subf %gather3A_194, %sub3A_195 : vector<16xf32>
      %mul3A_197 = arith.mulf %gather3A_193, %sub3A_196 : vector<16xf32>
      %add3A_198 = arith.addf %add3A_187, %mul3A_197 : vector<16xf32>
      %mul3A_199 = arith.mulf %mul3A_197, %sub3A_196 : vector<16xf32>
      %add3A_200 = arith.addf %add3A_189, %mul3A_199 : vector<16xf32>
      %broadcast_in_dim3A_201 = arith.constant 15 : i32
      %broadcast_in_dim3A_202 = vector.broadcast %broadcast_in_dim3A_201 : i32 to vector<16xi32>
      %gather3A_203 = tpu.vector_load_idx %arg7[%iota3A, %broadcast_in_dim3A_202] : memref<16x64xi32, #tpu.memory_space<vmem>>[vector<16xi32>, vector<16xi32>], vector<16xi32>,
      %gather3A_204 = tpu.vector_load_idx %arg8[%iota3A, %broadcast_in_dim3A_202] : memref<16x64xf32, #tpu.memory_space<vmem>>[vector<16xi32>, vector<16xi32>], vector<16xf32>,
      %gather3A_205 = tpu.vector_load_idx %arg6[%gather3A_203] : memref<100000xf32, #tpu.memory_space<vmem>>[vector<16xi32>], vector<16xf32>,
      %sub3A_206 = vector.broadcast %mul3A_19 : f32 to vector<16xf32>
      %sub3A_207 = arith.subf %gather3A_205, %sub3A_206 : vector<16xf32>
      %mul3A_208 = arith.mulf %gather3A_204, %sub3A_207 : vector<16xf32>
      %add3A_209 = arith.addf %add3A_198, %mul3A_208 : vector<16xf32>
      %mul3A_210 = arith.mulf %mul3A_208, %sub3A_207 : vector<16xf32>
      %add3A_211 = arith.addf %add3A_200, %mul3A_210 : vector<16xf32>
      %broadcast_in_dim3A_212 = arith.constant 16 : i32
      %broadcast_in_dim3A_213 = vector.broadcast %broadcast_in_dim3A_212 : i32 to vector<16xi32>
      %gather3A_214 = tpu.vector_load_idx %arg7[%iota3A, %broadcast_in_dim3A_213] : memref<16x64xi32, #tpu.memory_space<vmem>>[vector<16xi32>, vector<16xi32>], vector<16xi32>,
      %gather3A_215 = tpu.vector_load_idx %arg8[%iota3A, %broadcast_in_dim3A_213] : memref<16x64xf32, #tpu.memory_space<vmem>>[vector<16xi32>, vector<16xi32>], vector<16xf32>,
      %gather3A_216 = tpu.vector_load_idx %arg6[%gather3A_214] : memref<100000xf32, #tpu.memory_space<vmem>>[vector<16xi32>], vector<16xf32>,
      %sub3A_217 = vector.broadcast %mul3A_19 : f32 to vector<16xf32>
      %sub3A_218 = arith.subf %gather3A_216, %sub3A_217 : vector<16xf32>
      %mul3A_219 = arith.mulf %gather3A_215, %sub3A_218 : vector<16xf32>
      %add3A_220 = arith.addf %add3A_209, %mul3A_219 : vector<16xf32>
      %mul3A_221 = arith.mulf %mul3A_219, %sub3A_218 : vector<16xf32>
      %add3A_222 = arith.addf %add3A_211, %mul3A_221 : vector<16xf32>
      %broadcast_in_dim3A_223 = arith.constant 17 : i32
      %broadcast_in_dim3A_224 = vector.broadcast %broadcast_in_dim3A_223 : i32 to vector<16xi32>
      %gather3A_225 = tpu.vector_load_idx %arg7[%iota3A, %broadcast_in_dim3A_224] : memref<16x64xi32, #tpu.memory_space<vmem>>[vector<16xi32>, vector<16xi32>], vector<16xi32>,
      %gather3A_226 = tpu.vector_load_idx %arg8[%iota3A, %broadcast_in_dim3A_224] : memref<16x64xf32, #tpu.memory_space<vmem>>[vector<16xi32>, vector<16xi32>], vector<16xf32>,
      %gather3A_227 = tpu.vector_load_idx %arg6[%gather3A_225] : memref<100000xf32, #tpu.memory_space<vmem>>[vector<16xi32>], vector<16xf32>,
      %sub3A_228 = vector.broadcast %mul3A_19 : f32 to vector<16xf32>
      %sub3A_229 = arith.subf %gather3A_227, %sub3A_228 : vector<16xf32>
      %mul3A_230 = arith.mulf %gather3A_226, %sub3A_229 : vector<16xf32>
      %add3A_231 = arith.addf %add3A_220, %mul3A_230 : vector<16xf32>
      %mul3A_232 = arith.mulf %mul3A_230, %sub3A_229 : vector<16xf32>
      %add3A_233 = arith.addf %add3A_222, %mul3A_232 : vector<16xf32>
      %broadcast_in_dim3A_234 = arith.constant 18 : i32
      %broadcast_in_dim3A_235 = vector.broadcast %broadcast_in_dim3A_234 : i32 to vector<16xi32>
      %gather3A_236 = tpu.vector_load_idx %arg7[%iota3A, %broadcast_in_dim3A_235] : memref<16x64xi32, #tpu.memory_space<vmem>>[vector<16xi32>, vector<16xi32>], vector<16xi32>,
      %gather3A_237 = tpu.vector_load_idx %arg8[%iota3A, %broadcast_in_dim3A_235] : memref<16x64xf32, #tpu.memory_space<vmem>>[vector<16xi32>, vector<16xi32>], vector<16xf32>,
      %gather3A_238 = tpu.vector_load_idx %arg6[%gather3A_236] : memref<100000xf32, #tpu.memory_space<vmem>>[vector<16xi32>], vector<16xf32>,
      %sub3A_239 = vector.broadcast %mul3A_19 : f32 to vector<16xf32>
      %sub3A_240 = arith.subf %gather3A_238, %sub3A_239 : vector<16xf32>
      %mul3A_241 = arith.mulf %gather3A_237, %sub3A_240 : vector<16xf32>
      %add3A_242 = arith.addf %add3A_231, %mul3A_241 : vector<16xf32>
      %mul3A_243 = arith.mulf %mul3A_241, %sub3A_240 : vector<16xf32>
      %add3A_244 = arith.addf %add3A_233, %mul3A_243 : vector<16xf32>
      %broadcast_in_dim3A_245 = arith.constant 19 : i32
      %broadcast_in_dim3A_246 = vector.broadcast %broadcast_in_dim3A_245 : i32 to vector<16xi32>
      %gather3A_247 = tpu.vector_load_idx %arg7[%iota3A, %broadcast_in_dim3A_246] : memref<16x64xi32, #tpu.memory_space<vmem>>[vector<16xi32>, vector<16xi32>], vector<16xi32>,
      %gather3A_248 = tpu.vector_load_idx %arg8[%iota3A, %broadcast_in_dim3A_246] : memref<16x64xf32, #tpu.memory_space<vmem>>[vector<16xi32>, vector<16xi32>], vector<16xf32>,
      %gather3A_249 = tpu.vector_load_idx %arg6[%gather3A_247] : memref<100000xf32, #tpu.memory_space<vmem>>[vector<16xi32>], vector<16xf32>,
      %sub3A_250 = vector.broadcast %mul3A_19 : f32 to vector<16xf32>
      %sub3A_251 = arith.subf %gather3A_249, %sub3A_250 : vector<16xf32>
      %mul3A_252 = arith.mulf %gather3A_248, %sub3A_251 : vector<16xf32>
      %add3A_253 = arith.addf %add3A_242, %mul3A_252 : vector<16xf32>
      %mul3A_254 = arith.mulf %mul3A_252, %sub3A_251 : vector<16xf32>
      %add3A_255 = arith.addf %add3A_244, %mul3A_254 : vector<16xf32>
      %broadcast_in_dim3A_256 = arith.constant 20 : i32
      %broadcast_in_dim3A_257 = vector.broadcast %broadcast_in_dim3A_256 : i32 to vector<16xi32>
      %gather3A_258 = tpu.vector_load_idx %arg7[%iota3A, %broadcast_in_dim3A_257] : memref<16x64xi32, #tpu.memory_space<vmem>>[vector<16xi32>, vector<16xi32>], vector<16xi32>,
      %gather3A_259 = tpu.vector_load_idx %arg8[%iota3A, %broadcast_in_dim3A_257] : memref<16x64xf32, #tpu.memory_space<vmem>>[vector<16xi32>, vector<16xi32>], vector<16xf32>,
      %gather3A_260 = tpu.vector_load_idx %arg6[%gather3A_258] : memref<100000xf32, #tpu.memory_space<vmem>>[vector<16xi32>], vector<16xf32>,
      %sub3A_261 = vector.broadcast %mul3A_19 : f32 to vector<16xf32>
      %sub3A_262 = arith.subf %gather3A_260, %sub3A_261 : vector<16xf32>
      %mul3A_263 = arith.mulf %gather3A_259, %sub3A_262 : vector<16xf32>
      %add3A_264 = arith.addf %add3A_253, %mul3A_263 : vector<16xf32>
      %mul3A_265 = arith.mulf %mul3A_263, %sub3A_262 : vector<16xf32>
      %add3A_266 = arith.addf %add3A_255, %mul3A_265 : vector<16xf32>
      %broadcast_in_dim3A_267 = arith.constant 21 : i32
      %broadcast_in_dim3A_268 = vector.broadcast %broadcast_in_dim3A_267 : i32 to vector<16xi32>
      %gather3A_269 = tpu.vector_load_idx %arg7[%iota3A, %broadcast_in_dim3A_268] : memref<16x64xi32, #tpu.memory_space<vmem>>[vector<16xi32>, vector<16xi32>], vector<16xi32>,
      %gather3A_270 = tpu.vector_load_idx %arg8[%iota3A, %broadcast_in_dim3A_268] : memref<16x64xf32, #tpu.memory_space<vmem>>[vector<16xi32>, vector<16xi32>], vector<16xf32>,
      %gather3A_271 = tpu.vector_load_idx %arg6[%gather3A_269] : memref<100000xf32, #tpu.memory_space<vmem>>[vector<16xi32>], vector<16xf32>,
      %sub3A_272 = vector.broadcast %mul3A_19 : f32 to vector<16xf32>
      %sub3A_273 = arith.subf %gather3A_271, %sub3A_272 : vector<16xf32>
      %mul3A_274 = arith.mulf %gather3A_270, %sub3A_273 : vector<16xf32>
      %add3A_275 = arith.addf %add3A_264, %mul3A_274 : vector<16xf32>
      %mul3A_276 = arith.mulf %mul3A_274, %sub3A_273 : vector<16xf32>
      %add3A_277 = arith.addf %add3A_266, %mul3A_276 : vector<16xf32>
      %broadcast_in_dim3A_278 = arith.constant 22 : i32
      %broadcast_in_dim3A_279 = vector.broadcast %broadcast_in_dim3A_278 : i32 to vector<16xi32>
      %gather3A_280 = tpu.vector_load_idx %arg7[%iota3A, %broadcast_in_dim3A_279] : memref<16x64xi32, #tpu.memory_space<vmem>>[vector<16xi32>, vector<16xi32>], vector<16xi32>,
      %gather3A_281 = tpu.vector_load_idx %arg8[%iota3A, %broadcast_in_dim3A_279] : memref<16x64xf32, #tpu.memory_space<vmem>>[vector<16xi32>, vector<16xi32>], vector<16xf32>,
      %gather3A_282 = tpu.vector_load_idx %arg6[%gather3A_280] : memref<100000xf32, #tpu.memory_space<vmem>>[vector<16xi32>], vector<16xf32>,
      %sub3A_283 = vector.broadcast %mul3A_19 : f32 to vector<16xf32>
      %sub3A_284 = arith.subf %gather3A_282, %sub3A_283 : vector<16xf32>
      %mul3A_285 = arith.mulf %gather3A_281, %sub3A_284 : vector<16xf32>
      %add3A_286 = arith.addf %add3A_275, %mul3A_285 : vector<16xf32>
      %mul3A_287 = arith.mulf %mul3A_285, %sub3A_284 : vector<16xf32>
      %add3A_288 = arith.addf %add3A_277, %mul3A_287 : vector<16xf32>
      %broadcast_in_dim3A_289 = arith.constant 23 : i32
      %broadcast_in_dim3A_290 = vector.broadcast %broadcast_in_dim3A_289 : i32 to vector<16xi32>
      %gather3A_291 = tpu.vector_load_idx %arg7[%iota3A, %broadcast_in_dim3A_290] : memref<16x64xi32, #tpu.memory_space<vmem>>[vector<16xi32>, vector<16xi32>], vector<16xi32>,
      %gather3A_292 = tpu.vector_load_idx %arg8[%iota3A, %broadcast_in_dim3A_290] : memref<16x64xf32, #tpu.memory_space<vmem>>[vector<16xi32>, vector<16xi32>], vector<16xf32>,
      %gather3A_293 = tpu.vector_load_idx %arg6[%gather3A_291] : memref<100000xf32, #tpu.memory_space<vmem>>[vector<16xi32>], vector<16xf32>,
      %sub3A_294 = vector.broadcast %mul3A_19 : f32 to vector<16xf32>
      %sub3A_295 = arith.subf %gather3A_293, %sub3A_294 : vector<16xf32>
      %mul3A_296 = arith.mulf %gather3A_292, %sub3A_295 : vector<16xf32>
      %add3A_297 = arith.addf %add3A_286, %mul3A_296 : vector<16xf32>
      %mul3A_298 = arith.mulf %mul3A_296, %sub3A_295 : vector<16xf32>
      %add3A_299 = arith.addf %add3A_288, %mul3A_298 : vector<16xf32>
      %broadcast_in_dim3A_300 = arith.constant 24 : i32
      %broadcast_in_dim3A_301 = vector.broadcast %broadcast_in_dim3A_300 : i32 to vector<16xi32>
      %gather3A_302 = tpu.vector_load_idx %arg7[%iota3A, %broadcast_in_dim3A_301] : memref<16x64xi32, #tpu.memory_space<vmem>>[vector<16xi32>, vector<16xi32>], vector<16xi32>,
      %gather3A_303 = tpu.vector_load_idx %arg8[%iota3A, %broadcast_in_dim3A_301] : memref<16x64xf32, #tpu.memory_space<vmem>>[vector<16xi32>, vector<16xi32>], vector<16xf32>,
      %gather3A_304 = tpu.vector_load_idx %arg6[%gather3A_302] : memref<100000xf32, #tpu.memory_space<vmem>>[vector<16xi32>], vector<16xf32>,
      %sub3A_305 = vector.broadcast %mul3A_19 : f32 to vector<16xf32>
      %sub3A_306 = arith.subf %gather3A_304, %sub3A_305 : vector<16xf32>
      %mul3A_307 = arith.mulf %gather3A_303, %sub3A_306 : vector<16xf32>
      %add3A_308 = arith.addf %add3A_297, %mul3A_307 : vector<16xf32>
      %mul3A_309 = arith.mulf %mul3A_307, %sub3A_306 : vector<16xf32>
      %add3A_310 = arith.addf %add3A_299, %mul3A_309 : vector<16xf32>
      %broadcast_in_dim3A_311 = arith.constant 25 : i32
      %broadcast_in_dim3A_312 = vector.broadcast %broadcast_in_dim3A_311 : i32 to vector<16xi32>
      %gather3A_313 = tpu.vector_load_idx %arg7[%iota3A, %broadcast_in_dim3A_312] : memref<16x64xi32, #tpu.memory_space<vmem>>[vector<16xi32>, vector<16xi32>], vector<16xi32>,
      %gather3A_314 = tpu.vector_load_idx %arg8[%iota3A, %broadcast_in_dim3A_312] : memref<16x64xf32, #tpu.memory_space<vmem>>[vector<16xi32>, vector<16xi32>], vector<16xf32>,
      %gather3A_315 = tpu.vector_load_idx %arg6[%gather3A_313] : memref<100000xf32, #tpu.memory_space<vmem>>[vector<16xi32>], vector<16xf32>,
      %sub3A_316 = vector.broadcast %mul3A_19 : f32 to vector<16xf32>
      %sub3A_317 = arith.subf %gather3A_315, %sub3A_316 : vector<16xf32>
      %mul3A_318 = arith.mulf %gather3A_314, %sub3A_317 : vector<16xf32>
      %add3A_319 = arith.addf %add3A_308, %mul3A_318 : vector<16xf32>
      %mul3A_320 = arith.mulf %mul3A_318, %sub3A_317 : vector<16xf32>
      %add3A_321 = arith.addf %add3A_310, %mul3A_320 : vector<16xf32>
      %broadcast_in_dim3A_322 = arith.constant 26 : i32
      %broadcast_in_dim3A_323 = vector.broadcast %broadcast_in_dim3A_322 : i32 to vector<16xi32>
      %gather3A_324 = tpu.vector_load_idx %arg7[%iota3A, %broadcast_in_dim3A_323] : memref<16x64xi32, #tpu.memory_space<vmem>>[vector<16xi32>, vector<16xi32>], vector<16xi32>,
      %gather3A_325 = tpu.vector_load_idx %arg8[%iota3A, %broadcast_in_dim3A_323] : memref<16x64xf32, #tpu.memory_space<vmem>>[vector<16xi32>, vector<16xi32>], vector<16xf32>,
      %gather3A_326 = tpu.vector_load_idx %arg6[%gather3A_324] : memref<100000xf32, #tpu.memory_space<vmem>>[vector<16xi32>], vector<16xf32>,
      %sub3A_327 = vector.broadcast %mul3A_19 : f32 to vector<16xf32>
      %sub3A_328 = arith.subf %gather3A_326, %sub3A_327 : vector<16xf32>
      %mul3A_329 = arith.mulf %gather3A_325, %sub3A_328 : vector<16xf32>
      %add3A_330 = arith.addf %add3A_319, %mul3A_329 : vector<16xf32>
      %mul3A_331 = arith.mulf %mul3A_329, %sub3A_328 : vector<16xf32>
      %add3A_332 = arith.addf %add3A_321, %mul3A_331 : vector<16xf32>
      %broadcast_in_dim3A_333 = arith.constant 27 : i32
      %broadcast_in_dim3A_334 = vector.broadcast %broadcast_in_dim3A_333 : i32 to vector<16xi32>
      %gather3A_335 = tpu.vector_load_idx %arg7[%iota3A, %broadcast_in_dim3A_334] : memref<16x64xi32, #tpu.memory_space<vmem>>[vector<16xi32>, vector<16xi32>], vector<16xi32>,
      %gather3A_336 = tpu.vector_load_idx %arg8[%iota3A, %broadcast_in_dim3A_334] : memref<16x64xf32, #tpu.memory_space<vmem>>[vector<16xi32>, vector<16xi32>], vector<16xf32>,
      %gather3A_337 = tpu.vector_load_idx %arg6[%gather3A_335] : memref<100000xf32, #tpu.memory_space<vmem>>[vector<16xi32>], vector<16xf32>,
      %sub3A_338 = vector.broadcast %mul3A_19 : f32 to vector<16xf32>
      %sub3A_339 = arith.subf %gather3A_337, %sub3A_338 : vector<16xf32>
      %mul3A_340 = arith.mulf %gather3A_336, %sub3A_339 : vector<16xf32>
      %add3A_341 = arith.addf %add3A_330, %mul3A_340 : vector<16xf32>
      %mul3A_342 = arith.mulf %mul3A_340, %sub3A_339 : vector<16xf32>
      %add3A_343 = arith.addf %add3A_332, %mul3A_342 : vector<16xf32>
      %broadcast_in_dim3A_344 = arith.constant 28 : i32
      %broadcast_in_dim3A_345 = vector.broadcast %broadcast_in_dim3A_344 : i32 to vector<16xi32>
      %gather3A_346 = tpu.vector_load_idx %arg7[%iota3A, %broadcast_in_dim3A_345] : memref<16x64xi32, #tpu.memory_space<vmem>>[vector<16xi32>, vector<16xi32>], vector<16xi32>,
      %gather3A_347 = tpu.vector_load_idx %arg8[%iota3A, %broadcast_in_dim3A_345] : memref<16x64xf32, #tpu.memory_space<vmem>>[vector<16xi32>, vector<16xi32>], vector<16xf32>,
      %gather3A_348 = tpu.vector_load_idx %arg6[%gather3A_346] : memref<100000xf32, #tpu.memory_space<vmem>>[vector<16xi32>], vector<16xf32>,
      %sub3A_349 = vector.broadcast %mul3A_19 : f32 to vector<16xf32>
      %sub3A_350 = arith.subf %gather3A_348, %sub3A_349 : vector<16xf32>
      %mul3A_351 = arith.mulf %gather3A_347, %sub3A_350 : vector<16xf32>
      %add3A_352 = arith.addf %add3A_341, %mul3A_351 : vector<16xf32>
      %mul3A_353 = arith.mulf %mul3A_351, %sub3A_350 : vector<16xf32>
      %add3A_354 = arith.addf %add3A_343, %mul3A_353 : vector<16xf32>
      %broadcast_in_dim3A_355 = arith.constant 29 : i32
      %broadcast_in_dim3A_356 = vector.broadcast %broadcast_in_dim3A_355 : i32 to vector<16xi32>
      %gather3A_357 = tpu.vector_load_idx %arg7[%iota3A, %broadcast_in_dim3A_356] : memref<16x64xi32, #tpu.memory_space<vmem>>[vector<16xi32>, vector<16xi32>], vector<16xi32>,
      %gather3A_358 = tpu.vector_load_idx %arg8[%iota3A, %broadcast_in_dim3A_356] : memref<16x64xf32, #tpu.memory_space<vmem>>[vector<16xi32>, vector<16xi32>], vector<16xf32>,
      %gather3A_359 = tpu.vector_load_idx %arg6[%gather3A_357] : memref<100000xf32, #tpu.memory_space<vmem>>[vector<16xi32>], vector<16xf32>,
      %sub3A_360 = vector.broadcast %mul3A_19 : f32 to vector<16xf32>
      %sub3A_361 = arith.subf %gather3A_359, %sub3A_360 : vector<16xf32>
      %mul3A_362 = arith.mulf %gather3A_358, %sub3A_361 : vector<16xf32>
      %add3A_363 = arith.addf %add3A_352, %mul3A_362 : vector<16xf32>
      %mul3A_364 = arith.mulf %mul3A_362, %sub3A_361 : vector<16xf32>
      %add3A_365 = arith.addf %add3A_354, %mul3A_364 : vector<16xf32>
      %broadcast_in_dim3A_366 = arith.constant 30 : i32
      %broadcast_in_dim3A_367 = vector.broadcast %broadcast_in_dim3A_366 : i32 to vector<16xi32>
      %gather3A_368 = tpu.vector_load_idx %arg7[%iota3A, %broadcast_in_dim3A_367] : memref<16x64xi32, #tpu.memory_space<vmem>>[vector<16xi32>, vector<16xi32>], vector<16xi32>,
      %gather3A_369 = tpu.vector_load_idx %arg8[%iota3A, %broadcast_in_dim3A_367] : memref<16x64xf32, #tpu.memory_space<vmem>>[vector<16xi32>, vector<16xi32>], vector<16xf32>,
      %gather3A_370 = tpu.vector_load_idx %arg6[%gather3A_368] : memref<100000xf32, #tpu.memory_space<vmem>>[vector<16xi32>], vector<16xf32>,
      %sub3A_371 = vector.broadcast %mul3A_19 : f32 to vector<16xf32>
      %sub3A_372 = arith.subf %gather3A_370, %sub3A_371 : vector<16xf32>
      %mul3A_373 = arith.mulf %gather3A_369, %sub3A_372 : vector<16xf32>
      %add3A_374 = arith.addf %add3A_363, %mul3A_373 : vector<16xf32>
      %mul3A_375 = arith.mulf %mul3A_373, %sub3A_372 : vector<16xf32>
      %add3A_376 = arith.addf %add3A_365, %mul3A_375 : vector<16xf32>
      %broadcast_in_dim3A_377 = arith.constant 31 : i32
      %broadcast_in_dim3A_378 = vector.broadcast %broadcast_in_dim3A_377 : i32 to vector<16xi32>
      %gather3A_379 = tpu.vector_load_idx %arg7[%iota3A, %broadcast_in_dim3A_378] : memref<16x64xi32, #tpu.memory_space<vmem>>[vector<16xi32>, vector<16xi32>], vector<16xi32>,
      %gather3A_380 = tpu.vector_load_idx %arg8[%iota3A, %broadcast_in_dim3A_378] : memref<16x64xf32, #tpu.memory_space<vmem>>[vector<16xi32>, vector<16xi32>], vector<16xf32>,
      %gather3A_381 = tpu.vector_load_idx %arg6[%gather3A_379] : memref<100000xf32, #tpu.memory_space<vmem>>[vector<16xi32>], vector<16xf32>,
      %sub3A_382 = vector.broadcast %mul3A_19 : f32 to vector<16xf32>
      %sub3A_383 = arith.subf %gather3A_381, %sub3A_382 : vector<16xf32>
      %mul3A_384 = arith.mulf %gather3A_380, %sub3A_383 : vector<16xf32>
      %add3A_385 = arith.addf %add3A_374, %mul3A_384 : vector<16xf32>
      %mul3A_386 = arith.mulf %mul3A_384, %sub3A_383 : vector<16xf32>
      %add3A_387 = arith.addf %add3A_376, %mul3A_386 : vector<16xf32>
      %broadcast_in_dim3A_388 = arith.constant 32 : i32
      %broadcast_in_dim3A_389 = vector.broadcast %broadcast_in_dim3A_388 : i32 to vector<16xi32>
      %gather3A_390 = tpu.vector_load_idx %arg7[%iota3A, %broadcast_in_dim3A_389] : memref<16x64xi32, #tpu.memory_space<vmem>>[vector<16xi32>, vector<16xi32>], vector<16xi32>,
      %gather3A_391 = tpu.vector_load_idx %arg8[%iota3A, %broadcast_in_dim3A_389] : memref<16x64xf32, #tpu.memory_space<vmem>>[vector<16xi32>, vector<16xi32>], vector<16xf32>,
      %gather3A_392 = tpu.vector_load_idx %arg6[%gather3A_390] : memref<100000xf32, #tpu.memory_space<vmem>>[vector<16xi32>], vector<16xf32>,
      %sub3A_393 = vector.broadcast %mul3A_19 : f32 to vector<16xf32>
      %sub3A_394 = arith.subf %gather3A_392, %sub3A_393 : vector<16xf32>
      %mul3A_395 = arith.mulf %gather3A_391, %sub3A_394 : vector<16xf32>
      %add3A_396 = arith.addf %add3A_385, %mul3A_395 : vector<16xf32>
      %mul3A_397 = arith.mulf %mul3A_395, %sub3A_394 : vector<16xf32>
      %add3A_398 = arith.addf %add3A_387, %mul3A_397 : vector<16xf32>
      %broadcast_in_dim3A_399 = arith.constant 33 : i32
      %broadcast_in_dim3A_400 = vector.broadcast %broadcast_in_dim3A_399 : i32 to vector<16xi32>
      %gather3A_401 = tpu.vector_load_idx %arg7[%iota3A, %broadcast_in_dim3A_400] : memref<16x64xi32, #tpu.memory_space<vmem>>[vector<16xi32>, vector<16xi32>], vector<16xi32>,
      %gather3A_402 = tpu.vector_load_idx %arg8[%iota3A, %broadcast_in_dim3A_400] : memref<16x64xf32, #tpu.memory_space<vmem>>[vector<16xi32>, vector<16xi32>], vector<16xf32>,
      %gather3A_403 = tpu.vector_load_idx %arg6[%gather3A_401] : memref<100000xf32, #tpu.memory_space<vmem>>[vector<16xi32>], vector<16xf32>,
      %sub3A_404 = vector.broadcast %mul3A_19 : f32 to vector<16xf32>
      %sub3A_405 = arith.subf %gather3A_403, %sub3A_404 : vector<16xf32>
      %mul3A_406 = arith.mulf %gather3A_402, %sub3A_405 : vector<16xf32>
      %add3A_407 = arith.addf %add3A_396, %mul3A_406 : vector<16xf32>
      %mul3A_408 = arith.mulf %mul3A_406, %sub3A_405 : vector<16xf32>
      %add3A_409 = arith.addf %add3A_398, %mul3A_408 : vector<16xf32>
      %broadcast_in_dim3A_410 = arith.constant 34 : i32
      %broadcast_in_dim3A_411 = vector.broadcast %broadcast_in_dim3A_410 : i32 to vector<16xi32>
      %gather3A_412 = tpu.vector_load_idx %arg7[%iota3A, %broadcast_in_dim3A_411] : memref<16x64xi32, #tpu.memory_space<vmem>>[vector<16xi32>, vector<16xi32>], vector<16xi32>,
      %gather3A_413 = tpu.vector_load_idx %arg8[%iota3A, %broadcast_in_dim3A_411] : memref<16x64xf32, #tpu.memory_space<vmem>>[vector<16xi32>, vector<16xi32>], vector<16xf32>,
      %gather3A_414 = tpu.vector_load_idx %arg6[%gather3A_412] : memref<100000xf32, #tpu.memory_space<vmem>>[vector<16xi32>], vector<16xf32>,
      %sub3A_415 = vector.broadcast %mul3A_19 : f32 to vector<16xf32>
      %sub3A_416 = arith.subf %gather3A_414, %sub3A_415 : vector<16xf32>
      %mul3A_417 = arith.mulf %gather3A_413, %sub3A_416 : vector<16xf32>
      %add3A_418 = arith.addf %add3A_407, %mul3A_417 : vector<16xf32>
      %mul3A_419 = arith.mulf %mul3A_417, %sub3A_416 : vector<16xf32>
      %add3A_420 = arith.addf %add3A_409, %mul3A_419 : vector<16xf32>
      %broadcast_in_dim3A_421 = arith.constant 35 : i32
      %broadcast_in_dim3A_422 = vector.broadcast %broadcast_in_dim3A_421 : i32 to vector<16xi32>
      %gather3A_423 = tpu.vector_load_idx %arg7[%iota3A, %broadcast_in_dim3A_422] : memref<16x64xi32, #tpu.memory_space<vmem>>[vector<16xi32>, vector<16xi32>], vector<16xi32>,
      %gather3A_424 = tpu.vector_load_idx %arg8[%iota3A, %broadcast_in_dim3A_422] : memref<16x64xf32, #tpu.memory_space<vmem>>[vector<16xi32>, vector<16xi32>], vector<16xf32>,
      %gather3A_425 = tpu.vector_load_idx %arg6[%gather3A_423] : memref<100000xf32, #tpu.memory_space<vmem>>[vector<16xi32>], vector<16xf32>,
      %sub3A_426 = vector.broadcast %mul3A_19 : f32 to vector<16xf32>
      %sub3A_427 = arith.subf %gather3A_425, %sub3A_426 : vector<16xf32>
      %mul3A_428 = arith.mulf %gather3A_424, %sub3A_427 : vector<16xf32>
      %add3A_429 = arith.addf %add3A_418, %mul3A_428 : vector<16xf32>
      %mul3A_430 = arith.mulf %mul3A_428, %sub3A_427 : vector<16xf32>
      %add3A_431 = arith.addf %add3A_420, %mul3A_430 : vector<16xf32>
      %broadcast_in_dim3A_432 = arith.constant 36 : i32
      %broadcast_in_dim3A_433 = vector.broadcast %broadcast_in_dim3A_432 : i32 to vector<16xi32>
      %gather3A_434 = tpu.vector_load_idx %arg7[%iota3A, %broadcast_in_dim3A_433] : memref<16x64xi32, #tpu.memory_space<vmem>>[vector<16xi32>, vector<16xi32>], vector<16xi32>,
      %gather3A_435 = tpu.vector_load_idx %arg8[%iota3A, %broadcast_in_dim3A_433] : memref<16x64xf32, #tpu.memory_space<vmem>>[vector<16xi32>, vector<16xi32>], vector<16xf32>,
      %gather3A_436 = tpu.vector_load_idx %arg6[%gather3A_434] : memref<100000xf32, #tpu.memory_space<vmem>>[vector<16xi32>], vector<16xf32>,
      %sub3A_437 = vector.broadcast %mul3A_19 : f32 to vector<16xf32>
      %sub3A_438 = arith.subf %gather3A_436, %sub3A_437 : vector<16xf32>
      %mul3A_439 = arith.mulf %gather3A_435, %sub3A_438 : vector<16xf32>
      %add3A_440 = arith.addf %add3A_429, %mul3A_439 : vector<16xf32>
      %mul3A_441 = arith.mulf %mul3A_439, %sub3A_438 : vector<16xf32>
      %add3A_442 = arith.addf %add3A_431, %mul3A_441 : vector<16xf32>
      %broadcast_in_dim3A_443 = arith.constant 37 : i32
      %broadcast_in_dim3A_444 = vector.broadcast %broadcast_in_dim3A_443 : i32 to vector<16xi32>
      %gather3A_445 = tpu.vector_load_idx %arg7[%iota3A, %broadcast_in_dim3A_444] : memref<16x64xi32, #tpu.memory_space<vmem>>[vector<16xi32>, vector<16xi32>], vector<16xi32>,
      %gather3A_446 = tpu.vector_load_idx %arg8[%iota3A, %broadcast_in_dim3A_444] : memref<16x64xf32, #tpu.memory_space<vmem>>[vector<16xi32>, vector<16xi32>], vector<16xf32>,
      %gather3A_447 = tpu.vector_load_idx %arg6[%gather3A_445] : memref<100000xf32, #tpu.memory_space<vmem>>[vector<16xi32>], vector<16xf32>,
      %sub3A_448 = vector.broadcast %mul3A_19 : f32 to vector<16xf32>
      %sub3A_449 = arith.subf %gather3A_447, %sub3A_448 : vector<16xf32>
      %mul3A_450 = arith.mulf %gather3A_446, %sub3A_449 : vector<16xf32>
      %add3A_451 = arith.addf %add3A_440, %mul3A_450 : vector<16xf32>
      %mul3A_452 = arith.mulf %mul3A_450, %sub3A_449 : vector<16xf32>
      %add3A_453 = arith.addf %add3A_442, %mul3A_452 : vector<16xf32>
      %broadcast_in_dim3A_454 = arith.constant 38 : i32
      %broadcast_in_dim3A_455 = vector.broadcast %broadcast_in_dim3A_454 : i32 to vector<16xi32>
      %gather3A_456 = tpu.vector_load_idx %arg7[%iota3A, %broadcast_in_dim3A_455] : memref<16x64xi32, #tpu.memory_space<vmem>>[vector<16xi32>, vector<16xi32>], vector<16xi32>,
      %gather3A_457 = tpu.vector_load_idx %arg8[%iota3A, %broadcast_in_dim3A_455] : memref<16x64xf32, #tpu.memory_space<vmem>>[vector<16xi32>, vector<16xi32>], vector<16xf32>,
      %gather3A_458 = tpu.vector_load_idx %arg6[%gather3A_456] : memref<100000xf32, #tpu.memory_space<vmem>>[vector<16xi32>], vector<16xf32>,
      %sub3A_459 = vector.broadcast %mul3A_19 : f32 to vector<16xf32>
      %sub3A_460 = arith.subf %gather3A_458, %sub3A_459 : vector<16xf32>
      %mul3A_461 = arith.mulf %gather3A_457, %sub3A_460 : vector<16xf32>
      %add3A_462 = arith.addf %add3A_451, %mul3A_461 : vector<16xf32>
      %mul3A_463 = arith.mulf %mul3A_461, %sub3A_460 : vector<16xf32>
      %add3A_464 = arith.addf %add3A_453, %mul3A_463 : vector<16xf32>
      %broadcast_in_dim3A_465 = arith.constant 39 : i32
      %broadcast_in_dim3A_466 = vector.broadcast %broadcast_in_dim3A_465 : i32 to vector<16xi32>
      %gather3A_467 = tpu.vector_load_idx %arg7[%iota3A, %broadcast_in_dim3A_466] : memref<16x64xi32, #tpu.memory_space<vmem>>[vector<16xi32>, vector<16xi32>], vector<16xi32>,
      %gather3A_468 = tpu.vector_load_idx %arg8[%iota3A, %broadcast_in_dim3A_466] : memref<16x64xf32, #tpu.memory_space<vmem>>[vector<16xi32>, vector<16xi32>], vector<16xf32>,
      %gather3A_469 = tpu.vector_load_idx %arg6[%gather3A_467] : memref<100000xf32, #tpu.memory_space<vmem>>[vector<16xi32>], vector<16xf32>,
      %sub3A_470 = vector.broadcast %mul3A_19 : f32 to vector<16xf32>
      %sub3A_471 = arith.subf %gather3A_469, %sub3A_470 : vector<16xf32>
      %mul3A_472 = arith.mulf %gather3A_468, %sub3A_471 : vector<16xf32>
      %add3A_473 = arith.addf %add3A_462, %mul3A_472 : vector<16xf32>
      %mul3A_474 = arith.mulf %mul3A_472, %sub3A_471 : vector<16xf32>
      %add3A_475 = arith.addf %add3A_464, %mul3A_474 : vector<16xf32>
      %broadcast_in_dim3A_476 = arith.constant 40 : i32
      %broadcast_in_dim3A_477 = vector.broadcast %broadcast_in_dim3A_476 : i32 to vector<16xi32>
      %gather3A_478 = tpu.vector_load_idx %arg7[%iota3A, %broadcast_in_dim3A_477] : memref<16x64xi32, #tpu.memory_space<vmem>>[vector<16xi32>, vector<16xi32>], vector<16xi32>,
      %gather3A_479 = tpu.vector_load_idx %arg8[%iota3A, %broadcast_in_dim3A_477] : memref<16x64xf32, #tpu.memory_space<vmem>>[vector<16xi32>, vector<16xi32>], vector<16xf32>,
      %gather3A_480 = tpu.vector_load_idx %arg6[%gather3A_478] : memref<100000xf32, #tpu.memory_space<vmem>>[vector<16xi32>], vector<16xf32>,
      %sub3A_481 = vector.broadcast %mul3A_19 : f32 to vector<16xf32>
      %sub3A_482 = arith.subf %gather3A_480, %sub3A_481 : vector<16xf32>
      %mul3A_483 = arith.mulf %gather3A_479, %sub3A_482 : vector<16xf32>
      %add3A_484 = arith.addf %add3A_473, %mul3A_483 : vector<16xf32>
      %mul3A_485 = arith.mulf %mul3A_483, %sub3A_482 : vector<16xf32>
      %add3A_486 = arith.addf %add3A_475, %mul3A_485 : vector<16xf32>
      %broadcast_in_dim3A_487 = arith.constant 41 : i32
      %broadcast_in_dim3A_488 = vector.broadcast %broadcast_in_dim3A_487 : i32 to vector<16xi32>
      %gather3A_489 = tpu.vector_load_idx %arg7[%iota3A, %broadcast_in_dim3A_488] : memref<16x64xi32, #tpu.memory_space<vmem>>[vector<16xi32>, vector<16xi32>], vector<16xi32>,
      %gather3A_490 = tpu.vector_load_idx %arg8[%iota3A, %broadcast_in_dim3A_488] : memref<16x64xf32, #tpu.memory_space<vmem>>[vector<16xi32>, vector<16xi32>], vector<16xf32>,
      %gather3A_491 = tpu.vector_load_idx %arg6[%gather3A_489] : memref<100000xf32, #tpu.memory_space<vmem>>[vector<16xi32>], vector<16xf32>,
      %sub3A_492 = vector.broadcast %mul3A_19 : f32 to vector<16xf32>
      %sub3A_493 = arith.subf %gather3A_491, %sub3A_492 : vector<16xf32>
      %mul3A_494 = arith.mulf %gather3A_490, %sub3A_493 : vector<16xf32>
      %add3A_495 = arith.addf %add3A_484, %mul3A_494 : vector<16xf32>
      %mul3A_496 = arith.mulf %mul3A_494, %sub3A_493 : vector<16xf32>
      %add3A_497 = arith.addf %add3A_486, %mul3A_496 : vector<16xf32>
      %broadcast_in_dim3A_498 = arith.constant 42 : i32
      %broadcast_in_dim3A_499 = vector.broadcast %broadcast_in_dim3A_498 : i32 to vector<16xi32>
      %gather3A_500 = tpu.vector_load_idx %arg7[%iota3A, %broadcast_in_dim3A_499] : memref<16x64xi32, #tpu.memory_space<vmem>>[vector<16xi32>, vector<16xi32>], vector<16xi32>,
      %gather3A_501 = tpu.vector_load_idx %arg8[%iota3A, %broadcast_in_dim3A_499] : memref<16x64xf32, #tpu.memory_space<vmem>>[vector<16xi32>, vector<16xi32>], vector<16xf32>,
      %gather3A_502 = tpu.vector_load_idx %arg6[%gather3A_500] : memref<100000xf32, #tpu.memory_space<vmem>>[vector<16xi32>], vector<16xf32>,
      %sub3A_503 = vector.broadcast %mul3A_19 : f32 to vector<16xf32>
      %sub3A_504 = arith.subf %gather3A_502, %sub3A_503 : vector<16xf32>
      %mul3A_505 = arith.mulf %gather3A_501, %sub3A_504 : vector<16xf32>
      %add3A_506 = arith.addf %add3A_495, %mul3A_505 : vector<16xf32>
      %mul3A_507 = arith.mulf %mul3A_505, %sub3A_504 : vector<16xf32>
      %add3A_508 = arith.addf %add3A_497, %mul3A_507 : vector<16xf32>
      %broadcast_in_dim3A_509 = arith.constant 43 : i32
      %broadcast_in_dim3A_510 = vector.broadcast %broadcast_in_dim3A_509 : i32 to vector<16xi32>
      %gather3A_511 = tpu.vector_load_idx %arg7[%iota3A, %broadcast_in_dim3A_510] : memref<16x64xi32, #tpu.memory_space<vmem>>[vector<16xi32>, vector<16xi32>], vector<16xi32>,
      %gather3A_512 = tpu.vector_load_idx %arg8[%iota3A, %broadcast_in_dim3A_510] : memref<16x64xf32, #tpu.memory_space<vmem>>[vector<16xi32>, vector<16xi32>], vector<16xf32>,
      %gather3A_513 = tpu.vector_load_idx %arg6[%gather3A_511] : memref<100000xf32, #tpu.memory_space<vmem>>[vector<16xi32>], vector<16xf32>,
      %sub3A_514 = vector.broadcast %mul3A_19 : f32 to vector<16xf32>
      %sub3A_515 = arith.subf %gather3A_513, %sub3A_514 : vector<16xf32>
      %mul3A_516 = arith.mulf %gather3A_512, %sub3A_515 : vector<16xf32>
      %add3A_517 = arith.addf %add3A_506, %mul3A_516 : vector<16xf32>
      %mul3A_518 = arith.mulf %mul3A_516, %sub3A_515 : vector<16xf32>
      %add3A_519 = arith.addf %add3A_508, %mul3A_518 : vector<16xf32>
      %broadcast_in_dim3A_520 = arith.constant 44 : i32
      %broadcast_in_dim3A_521 = vector.broadcast %broadcast_in_dim3A_520 : i32 to vector<16xi32>
      %gather3A_522 = tpu.vector_load_idx %arg7[%iota3A, %broadcast_in_dim3A_521] : memref<16x64xi32, #tpu.memory_space<vmem>>[vector<16xi32>, vector<16xi32>], vector<16xi32>,
      %gather3A_523 = tpu.vector_load_idx %arg8[%iota3A, %broadcast_in_dim3A_521] : memref<16x64xf32, #tpu.memory_space<vmem>>[vector<16xi32>, vector<16xi32>], vector<16xf32>,
      %gather3A_524 = tpu.vector_load_idx %arg6[%gather3A_522] : memref<100000xf32, #tpu.memory_space<vmem>>[vector<16xi32>], vector<16xf32>,
      %sub3A_525 = vector.broadcast %mul3A_19 : f32 to vector<16xf32>
      %sub3A_526 = arith.subf %gather3A_524, %sub3A_525 : vector<16xf32>
      %mul3A_527 = arith.mulf %gather3A_523, %sub3A_526 : vector<16xf32>
      %add3A_528 = arith.addf %add3A_517, %mul3A_527 : vector<16xf32>
      %mul3A_529 = arith.mulf %mul3A_527, %sub3A_526 : vector<16xf32>
      %add3A_530 = arith.addf %add3A_519, %mul3A_529 : vector<16xf32>
      %broadcast_in_dim3A_531 = arith.constant 45 : i32
      %broadcast_in_dim3A_532 = vector.broadcast %broadcast_in_dim3A_531 : i32 to vector<16xi32>
      %gather3A_533 = tpu.vector_load_idx %arg7[%iota3A, %broadcast_in_dim3A_532] : memref<16x64xi32, #tpu.memory_space<vmem>>[vector<16xi32>, vector<16xi32>], vector<16xi32>,
      %gather3A_534 = tpu.vector_load_idx %arg8[%iota3A, %broadcast_in_dim3A_532] : memref<16x64xf32, #tpu.memory_space<vmem>>[vector<16xi32>, vector<16xi32>], vector<16xf32>,
      %gather3A_535 = tpu.vector_load_idx %arg6[%gather3A_533] : memref<100000xf32, #tpu.memory_space<vmem>>[vector<16xi32>], vector<16xf32>,
      %sub3A_536 = vector.broadcast %mul3A_19 : f32 to vector<16xf32>
      %sub3A_537 = arith.subf %gather3A_535, %sub3A_536 : vector<16xf32>
      %mul3A_538 = arith.mulf %gather3A_534, %sub3A_537 : vector<16xf32>
      %add3A_539 = arith.addf %add3A_528, %mul3A_538 : vector<16xf32>
      %mul3A_540 = arith.mulf %mul3A_538, %sub3A_537 : vector<16xf32>
      %add3A_541 = arith.addf %add3A_530, %mul3A_540 : vector<16xf32>
      %broadcast_in_dim3A_542 = arith.constant 46 : i32
      %broadcast_in_dim3A_543 = vector.broadcast %broadcast_in_dim3A_542 : i32 to vector<16xi32>
      %gather3A_544 = tpu.vector_load_idx %arg7[%iota3A, %broadcast_in_dim3A_543] : memref<16x64xi32, #tpu.memory_space<vmem>>[vector<16xi32>, vector<16xi32>], vector<16xi32>,
      %gather3A_545 = tpu.vector_load_idx %arg8[%iota3A, %broadcast_in_dim3A_543] : memref<16x64xf32, #tpu.memory_space<vmem>>[vector<16xi32>, vector<16xi32>], vector<16xf32>,
      %gather3A_546 = tpu.vector_load_idx %arg6[%gather3A_544] : memref<100000xf32, #tpu.memory_space<vmem>>[vector<16xi32>], vector<16xf32>,
      %sub3A_547 = vector.broadcast %mul3A_19 : f32 to vector<16xf32>
      %sub3A_548 = arith.subf %gather3A_546, %sub3A_547 : vector<16xf32>
      %mul3A_549 = arith.mulf %gather3A_545, %sub3A_548 : vector<16xf32>
      %add3A_550 = arith.addf %add3A_539, %mul3A_549 : vector<16xf32>
      %mul3A_551 = arith.mulf %mul3A_549, %sub3A_548 : vector<16xf32>
      %add3A_552 = arith.addf %add3A_541, %mul3A_551 : vector<16xf32>
      %broadcast_in_dim3A_553 = arith.constant 47 : i32
      %broadcast_in_dim3A_554 = vector.broadcast %broadcast_in_dim3A_553 : i32 to vector<16xi32>
      %gather3A_555 = tpu.vector_load_idx %arg7[%iota3A, %broadcast_in_dim3A_554] : memref<16x64xi32, #tpu.memory_space<vmem>>[vector<16xi32>, vector<16xi32>], vector<16xi32>,
      %gather3A_556 = tpu.vector_load_idx %arg8[%iota3A, %broadcast_in_dim3A_554] : memref<16x64xf32, #tpu.memory_space<vmem>>[vector<16xi32>, vector<16xi32>], vector<16xf32>,
      %gather3A_557 = tpu.vector_load_idx %arg6[%gather3A_555] : memref<100000xf32, #tpu.memory_space<vmem>>[vector<16xi32>], vector<16xf32>,
      %sub3A_558 = vector.broadcast %mul3A_19 : f32 to vector<16xf32>
      %sub3A_559 = arith.subf %gather3A_557, %sub3A_558 : vector<16xf32>
      %mul3A_560 = arith.mulf %gather3A_556, %sub3A_559 : vector<16xf32>
      %add3A_561 = arith.addf %add3A_550, %mul3A_560 : vector<16xf32>
      %mul3A_562 = arith.mulf %mul3A_560, %sub3A_559 : vector<16xf32>
      %add3A_563 = arith.addf %add3A_552, %mul3A_562 : vector<16xf32>
      %broadcast_in_dim3A_564 = arith.constant 48 : i32
      %broadcast_in_dim3A_565 = vector.broadcast %broadcast_in_dim3A_564 : i32 to vector<16xi32>
      %gather3A_566 = tpu.vector_load_idx %arg7[%iota3A, %broadcast_in_dim3A_565] : memref<16x64xi32, #tpu.memory_space<vmem>>[vector<16xi32>, vector<16xi32>], vector<16xi32>,
      %gather3A_567 = tpu.vector_load_idx %arg8[%iota3A, %broadcast_in_dim3A_565] : memref<16x64xf32, #tpu.memory_space<vmem>>[vector<16xi32>, vector<16xi32>], vector<16xf32>,
      %gather3A_568 = tpu.vector_load_idx %arg6[%gather3A_566] : memref<100000xf32, #tpu.memory_space<vmem>>[vector<16xi32>], vector<16xf32>,
      %sub3A_569 = vector.broadcast %mul3A_19 : f32 to vector<16xf32>
      %sub3A_570 = arith.subf %gather3A_568, %sub3A_569 : vector<16xf32>
      %mul3A_571 = arith.mulf %gather3A_567, %sub3A_570 : vector<16xf32>
      %add3A_572 = arith.addf %add3A_561, %mul3A_571 : vector<16xf32>
      %mul3A_573 = arith.mulf %mul3A_571, %sub3A_570 : vector<16xf32>
      %add3A_574 = arith.addf %add3A_563, %mul3A_573 : vector<16xf32>
      %broadcast_in_dim3A_575 = arith.constant 49 : i32
      %broadcast_in_dim3A_576 = vector.broadcast %broadcast_in_dim3A_575 : i32 to vector<16xi32>
      %gather3A_577 = tpu.vector_load_idx %arg7[%iota3A, %broadcast_in_dim3A_576] : memref<16x64xi32, #tpu.memory_space<vmem>>[vector<16xi32>, vector<16xi32>], vector<16xi32>,
      %gather3A_578 = tpu.vector_load_idx %arg8[%iota3A, %broadcast_in_dim3A_576] : memref<16x64xf32, #tpu.memory_space<vmem>>[vector<16xi32>, vector<16xi32>], vector<16xf32>,
      %gather3A_579 = tpu.vector_load_idx %arg6[%gather3A_577] : memref<100000xf32, #tpu.memory_space<vmem>>[vector<16xi32>], vector<16xf32>,
      %sub3A_580 = vector.broadcast %mul3A_19 : f32 to vector<16xf32>
      %sub3A_581 = arith.subf %gather3A_579, %sub3A_580 : vector<16xf32>
      %mul3A_582 = arith.mulf %gather3A_578, %sub3A_581 : vector<16xf32>
      %add3A_583 = arith.addf %add3A_572, %mul3A_582 : vector<16xf32>
      %mul3A_584 = arith.mulf %mul3A_582, %sub3A_581 : vector<16xf32>
      %add3A_585 = arith.addf %add3A_574, %mul3A_584 : vector<16xf32>
      %broadcast_in_dim3A_586 = arith.constant 50 : i32
      %broadcast_in_dim3A_587 = vector.broadcast %broadcast_in_dim3A_586 : i32 to vector<16xi32>
      %gather3A_588 = tpu.vector_load_idx %arg7[%iota3A, %broadcast_in_dim3A_587] : memref<16x64xi32, #tpu.memory_space<vmem>>[vector<16xi32>, vector<16xi32>], vector<16xi32>,
      %gather3A_589 = tpu.vector_load_idx %arg8[%iota3A, %broadcast_in_dim3A_587] : memref<16x64xf32, #tpu.memory_space<vmem>>[vector<16xi32>, vector<16xi32>], vector<16xf32>,
      %gather3A_590 = tpu.vector_load_idx %arg6[%gather3A_588] : memref<100000xf32, #tpu.memory_space<vmem>>[vector<16xi32>], vector<16xf32>,
      %sub3A_591 = vector.broadcast %mul3A_19 : f32 to vector<16xf32>
      %sub3A_592 = arith.subf %gather3A_590, %sub3A_591 : vector<16xf32>
      %mul3A_593 = arith.mulf %gather3A_589, %sub3A_592 : vector<16xf32>
      %add3A_594 = arith.addf %add3A_583, %mul3A_593 : vector<16xf32>
      %mul3A_595 = arith.mulf %mul3A_593, %sub3A_592 : vector<16xf32>
      %add3A_596 = arith.addf %add3A_585, %mul3A_595 : vector<16xf32>
      %broadcast_in_dim3A_597 = arith.constant 51 : i32
      %broadcast_in_dim3A_598 = vector.broadcast %broadcast_in_dim3A_597 : i32 to vector<16xi32>
      %gather3A_599 = tpu.vector_load_idx %arg7[%iota3A, %broadcast_in_dim3A_598] : memref<16x64xi32, #tpu.memory_space<vmem>>[vector<16xi32>, vector<16xi32>], vector<16xi32>,
      %gather3A_600 = tpu.vector_load_idx %arg8[%iota3A, %broadcast_in_dim3A_598] : memref<16x64xf32, #tpu.memory_space<vmem>>[vector<16xi32>, vector<16xi32>], vector<16xf32>,
      %gather3A_601 = tpu.vector_load_idx %arg6[%gather3A_599] : memref<100000xf32, #tpu.memory_space<vmem>>[vector<16xi32>], vector<16xf32>,
      %sub3A_602 = vector.broadcast %mul3A_19 : f32 to vector<16xf32>
      %sub3A_603 = arith.subf %gather3A_601, %sub3A_602 : vector<16xf32>
      %mul3A_604 = arith.mulf %gather3A_600, %sub3A_603 : vector<16xf32>
      %add3A_605 = arith.addf %add3A_594, %mul3A_604 : vector<16xf32>
      %mul3A_606 = arith.mulf %mul3A_604, %sub3A_603 : vector<16xf32>
      %add3A_607 = arith.addf %add3A_596, %mul3A_606 : vector<16xf32>
      %broadcast_in_dim3A_608 = arith.constant 52 : i32
      %broadcast_in_dim3A_609 = vector.broadcast %broadcast_in_dim3A_608 : i32 to vector<16xi32>
      %gather3A_610 = tpu.vector_load_idx %arg7[%iota3A, %broadcast_in_dim3A_609] : memref<16x64xi32, #tpu.memory_space<vmem>>[vector<16xi32>, vector<16xi32>], vector<16xi32>,
      %gather3A_611 = tpu.vector_load_idx %arg8[%iota3A, %broadcast_in_dim3A_609] : memref<16x64xf32, #tpu.memory_space<vmem>>[vector<16xi32>, vector<16xi32>], vector<16xf32>,
      %gather3A_612 = tpu.vector_load_idx %arg6[%gather3A_610] : memref<100000xf32, #tpu.memory_space<vmem>>[vector<16xi32>], vector<16xf32>,
      %sub3A_613 = vector.broadcast %mul3A_19 : f32 to vector<16xf32>
      %sub3A_614 = arith.subf %gather3A_612, %sub3A_613 : vector<16xf32>
      %mul3A_615 = arith.mulf %gather3A_611, %sub3A_614 : vector<16xf32>
      %add3A_616 = arith.addf %add3A_605, %mul3A_615 : vector<16xf32>
      %mul3A_617 = arith.mulf %mul3A_615, %sub3A_614 : vector<16xf32>
      %add3A_618 = arith.addf %add3A_607, %mul3A_617 : vector<16xf32>
      %broadcast_in_dim3A_619 = arith.constant 53 : i32
      %broadcast_in_dim3A_620 = vector.broadcast %broadcast_in_dim3A_619 : i32 to vector<16xi32>
      %gather3A_621 = tpu.vector_load_idx %arg7[%iota3A, %broadcast_in_dim3A_620] : memref<16x64xi32, #tpu.memory_space<vmem>>[vector<16xi32>, vector<16xi32>], vector<16xi32>,
      %gather3A_622 = tpu.vector_load_idx %arg8[%iota3A, %broadcast_in_dim3A_620] : memref<16x64xf32, #tpu.memory_space<vmem>>[vector<16xi32>, vector<16xi32>], vector<16xf32>,
      %gather3A_623 = tpu.vector_load_idx %arg6[%gather3A_621] : memref<100000xf32, #tpu.memory_space<vmem>>[vector<16xi32>], vector<16xf32>,
      %sub3A_624 = vector.broadcast %mul3A_19 : f32 to vector<16xf32>
      %sub3A_625 = arith.subf %gather3A_623, %sub3A_624 : vector<16xf32>
      %mul3A_626 = arith.mulf %gather3A_622, %sub3A_625 : vector<16xf32>
      %add3A_627 = arith.addf %add3A_616, %mul3A_626 : vector<16xf32>
      %mul3A_628 = arith.mulf %mul3A_626, %sub3A_625 : vector<16xf32>
      %add3A_629 = arith.addf %add3A_618, %mul3A_628 : vector<16xf32>
      %broadcast_in_dim3A_630 = arith.constant 54 : i32
      %broadcast_in_dim3A_631 = vector.broadcast %broadcast_in_dim3A_630 : i32 to vector<16xi32>
      %gather3A_632 = tpu.vector_load_idx %arg7[%iota3A, %broadcast_in_dim3A_631] : memref<16x64xi32, #tpu.memory_space<vmem>>[vector<16xi32>, vector<16xi32>], vector<16xi32>,
      %gather3A_633 = tpu.vector_load_idx %arg8[%iota3A, %broadcast_in_dim3A_631] : memref<16x64xf32, #tpu.memory_space<vmem>>[vector<16xi32>, vector<16xi32>], vector<16xf32>,
      %gather3A_634 = tpu.vector_load_idx %arg6[%gather3A_632] : memref<100000xf32, #tpu.memory_space<vmem>>[vector<16xi32>], vector<16xf32>,
      %sub3A_635 = vector.broadcast %mul3A_19 : f32 to vector<16xf32>
      %sub3A_636 = arith.subf %gather3A_634, %sub3A_635 : vector<16xf32>
      %mul3A_637 = arith.mulf %gather3A_633, %sub3A_636 : vector<16xf32>
      %add3A_638 = arith.addf %add3A_627, %mul3A_637 : vector<16xf32>
      %mul3A_639 = arith.mulf %mul3A_637, %sub3A_636 : vector<16xf32>
      %add3A_640 = arith.addf %add3A_629, %mul3A_639 : vector<16xf32>
      %broadcast_in_dim3A_641 = arith.constant 55 : i32
      %broadcast_in_dim3A_642 = vector.broadcast %broadcast_in_dim3A_641 : i32 to vector<16xi32>
      %gather3A_643 = tpu.vector_load_idx %arg7[%iota3A, %broadcast_in_dim3A_642] : memref<16x64xi32, #tpu.memory_space<vmem>>[vector<16xi32>, vector<16xi32>], vector<16xi32>,
      %gather3A_644 = tpu.vector_load_idx %arg8[%iota3A, %broadcast_in_dim3A_642] : memref<16x64xf32, #tpu.memory_space<vmem>>[vector<16xi32>, vector<16xi32>], vector<16xf32>,
      %gather3A_645 = tpu.vector_load_idx %arg6[%gather3A_643] : memref<100000xf32, #tpu.memory_space<vmem>>[vector<16xi32>], vector<16xf32>,
      %sub3A_646 = vector.broadcast %mul3A_19 : f32 to vector<16xf32>
      %sub3A_647 = arith.subf %gather3A_645, %sub3A_646 : vector<16xf32>
      %mul3A_648 = arith.mulf %gather3A_644, %sub3A_647 : vector<16xf32>
      %add3A_649 = arith.addf %add3A_638, %mul3A_648 : vector<16xf32>
      %mul3A_650 = arith.mulf %mul3A_648, %sub3A_647 : vector<16xf32>
      %add3A_651 = arith.addf %add3A_640, %mul3A_650 : vector<16xf32>
      %broadcast_in_dim3A_652 = arith.constant 56 : i32
      %broadcast_in_dim3A_653 = vector.broadcast %broadcast_in_dim3A_652 : i32 to vector<16xi32>
      %gather3A_654 = tpu.vector_load_idx %arg7[%iota3A, %broadcast_in_dim3A_653] : memref<16x64xi32, #tpu.memory_space<vmem>>[vector<16xi32>, vector<16xi32>], vector<16xi32>,
      %gather3A_655 = tpu.vector_load_idx %arg8[%iota3A, %broadcast_in_dim3A_653] : memref<16x64xf32, #tpu.memory_space<vmem>>[vector<16xi32>, vector<16xi32>], vector<16xf32>,
      %gather3A_656 = tpu.vector_load_idx %arg6[%gather3A_654] : memref<100000xf32, #tpu.memory_space<vmem>>[vector<16xi32>], vector<16xf32>,
      %sub3A_657 = vector.broadcast %mul3A_19 : f32 to vector<16xf32>
      %sub3A_658 = arith.subf %gather3A_656, %sub3A_657 : vector<16xf32>
      %mul3A_659 = arith.mulf %gather3A_655, %sub3A_658 : vector<16xf32>
      %add3A_660 = arith.addf %add3A_649, %mul3A_659 : vector<16xf32>
      %mul3A_661 = arith.mulf %mul3A_659, %sub3A_658 : vector<16xf32>
      %add3A_662 = arith.addf %add3A_651, %mul3A_661 : vector<16xf32>
      %broadcast_in_dim3A_663 = arith.constant 57 : i32
      %broadcast_in_dim3A_664 = vector.broadcast %broadcast_in_dim3A_663 : i32 to vector<16xi32>
      %gather3A_665 = tpu.vector_load_idx %arg7[%iota3A, %broadcast_in_dim3A_664] : memref<16x64xi32, #tpu.memory_space<vmem>>[vector<16xi32>, vector<16xi32>], vector<16xi32>,
      %gather3A_666 = tpu.vector_load_idx %arg8[%iota3A, %broadcast_in_dim3A_664] : memref<16x64xf32, #tpu.memory_space<vmem>>[vector<16xi32>, vector<16xi32>], vector<16xf32>,
      %gather3A_667 = tpu.vector_load_idx %arg6[%gather3A_665] : memref<100000xf32, #tpu.memory_space<vmem>>[vector<16xi32>], vector<16xf32>,
      %sub3A_668 = vector.broadcast %mul3A_19 : f32 to vector<16xf32>
      %sub3A_669 = arith.subf %gather3A_667, %sub3A_668 : vector<16xf32>
      %mul3A_670 = arith.mulf %gather3A_666, %sub3A_669 : vector<16xf32>
      %add3A_671 = arith.addf %add3A_660, %mul3A_670 : vector<16xf32>
      %mul3A_672 = arith.mulf %mul3A_670, %sub3A_669 : vector<16xf32>
      %add3A_673 = arith.addf %add3A_662, %mul3A_672 : vector<16xf32>
      %broadcast_in_dim3A_674 = arith.constant 58 : i32
      %broadcast_in_dim3A_675 = vector.broadcast %broadcast_in_dim3A_674 : i32 to vector<16xi32>
      %gather3A_676 = tpu.vector_load_idx %arg7[%iota3A, %broadcast_in_dim3A_675] : memref<16x64xi32, #tpu.memory_space<vmem>>[vector<16xi32>, vector<16xi32>], vector<16xi32>,
      %gather3A_677 = tpu.vector_load_idx %arg8[%iota3A, %broadcast_in_dim3A_675] : memref<16x64xf32, #tpu.memory_space<vmem>>[vector<16xi32>, vector<16xi32>], vector<16xf32>,
      %gather3A_678 = tpu.vector_load_idx %arg6[%gather3A_676] : memref<100000xf32, #tpu.memory_space<vmem>>[vector<16xi32>], vector<16xf32>,
      %sub3A_679 = vector.broadcast %mul3A_19 : f32 to vector<16xf32>
      %sub3A_680 = arith.subf %gather3A_678, %sub3A_679 : vector<16xf32>
      %mul3A_681 = arith.mulf %gather3A_677, %sub3A_680 : vector<16xf32>
      %add3A_682 = arith.addf %add3A_671, %mul3A_681 : vector<16xf32>
      %mul3A_683 = arith.mulf %mul3A_681, %sub3A_680 : vector<16xf32>
      %add3A_684 = arith.addf %add3A_673, %mul3A_683 : vector<16xf32>
      %broadcast_in_dim3A_685 = arith.constant 59 : i32
      %broadcast_in_dim3A_686 = vector.broadcast %broadcast_in_dim3A_685 : i32 to vector<16xi32>
      %gather3A_687 = tpu.vector_load_idx %arg7[%iota3A, %broadcast_in_dim3A_686] : memref<16x64xi32, #tpu.memory_space<vmem>>[vector<16xi32>, vector<16xi32>], vector<16xi32>,
      %gather3A_688 = tpu.vector_load_idx %arg8[%iota3A, %broadcast_in_dim3A_686] : memref<16x64xf32, #tpu.memory_space<vmem>>[vector<16xi32>, vector<16xi32>], vector<16xf32>,
      %gather3A_689 = tpu.vector_load_idx %arg6[%gather3A_687] : memref<100000xf32, #tpu.memory_space<vmem>>[vector<16xi32>], vector<16xf32>,
      %sub3A_690 = vector.broadcast %mul3A_19 : f32 to vector<16xf32>
      %sub3A_691 = arith.subf %gather3A_689, %sub3A_690 : vector<16xf32>
      %mul3A_692 = arith.mulf %gather3A_688, %sub3A_691 : vector<16xf32>
      %add3A_693 = arith.addf %add3A_682, %mul3A_692 : vector<16xf32>
      %mul3A_694 = arith.mulf %mul3A_692, %sub3A_691 : vector<16xf32>
      %add3A_695 = arith.addf %add3A_684, %mul3A_694 : vector<16xf32>
      %broadcast_in_dim3A_696 = arith.constant 60 : i32
      %broadcast_in_dim3A_697 = vector.broadcast %broadcast_in_dim3A_696 : i32 to vector<16xi32>
      %gather3A_698 = tpu.vector_load_idx %arg7[%iota3A, %broadcast_in_dim3A_697] : memref<16x64xi32, #tpu.memory_space<vmem>>[vector<16xi32>, vector<16xi32>], vector<16xi32>,
      %gather3A_699 = tpu.vector_load_idx %arg8[%iota3A, %broadcast_in_dim3A_697] : memref<16x64xf32, #tpu.memory_space<vmem>>[vector<16xi32>, vector<16xi32>], vector<16xf32>,
      %gather3A_700 = tpu.vector_load_idx %arg6[%gather3A_698] : memref<100000xf32, #tpu.memory_space<vmem>>[vector<16xi32>], vector<16xf32>,
      %sub3A_701 = vector.broadcast %mul3A_19 : f32 to vector<16xf32>
      %sub3A_702 = arith.subf %gather3A_700, %sub3A_701 : vector<16xf32>
      %mul3A_703 = arith.mulf %gather3A_699, %sub3A_702 : vector<16xf32>
      %add3A_704 = arith.addf %add3A_693, %mul3A_703 : vector<16xf32>
      %mul3A_705 = arith.mulf %mul3A_703, %sub3A_702 : vector<16xf32>
      %add3A_706 = arith.addf %add3A_695, %mul3A_705 : vector<16xf32>
      %broadcast_in_dim3A_707 = arith.constant 61 : i32
      %broadcast_in_dim3A_708 = vector.broadcast %broadcast_in_dim3A_707 : i32 to vector<16xi32>
      %gather3A_709 = tpu.vector_load_idx %arg7[%iota3A, %broadcast_in_dim3A_708] : memref<16x64xi32, #tpu.memory_space<vmem>>[vector<16xi32>, vector<16xi32>], vector<16xi32>,
      %gather3A_710 = tpu.vector_load_idx %arg8[%iota3A, %broadcast_in_dim3A_708] : memref<16x64xf32, #tpu.memory_space<vmem>>[vector<16xi32>, vector<16xi32>], vector<16xf32>,
      %gather3A_711 = tpu.vector_load_idx %arg6[%gather3A_709] : memref<100000xf32, #tpu.memory_space<vmem>>[vector<16xi32>], vector<16xf32>,
      %sub3A_712 = vector.broadcast %mul3A_19 : f32 to vector<16xf32>
      %sub3A_713 = arith.subf %gather3A_711, %sub3A_712 : vector<16xf32>
      %mul3A_714 = arith.mulf %gather3A_710, %sub3A_713 : vector<16xf32>
      %add3A_715 = arith.addf %add3A_704, %mul3A_714 : vector<16xf32>
      %mul3A_716 = arith.mulf %mul3A_714, %sub3A_713 : vector<16xf32>
      %add3A_717 = arith.addf %add3A_706, %mul3A_716 : vector<16xf32>
      %broadcast_in_dim3A_718 = arith.constant 62 : i32
      %broadcast_in_dim3A_719 = vector.broadcast %broadcast_in_dim3A_718 : i32 to vector<16xi32>
      %gather3A_720 = tpu.vector_load_idx %arg7[%iota3A, %broadcast_in_dim3A_719] : memref<16x64xi32, #tpu.memory_space<vmem>>[vector<16xi32>, vector<16xi32>], vector<16xi32>,
      %gather3A_721 = tpu.vector_load_idx %arg8[%iota3A, %broadcast_in_dim3A_719] : memref<16x64xf32, #tpu.memory_space<vmem>>[vector<16xi32>, vector<16xi32>], vector<16xf32>,
      %gather3A_722 = tpu.vector_load_idx %arg6[%gather3A_720] : memref<100000xf32, #tpu.memory_space<vmem>>[vector<16xi32>], vector<16xf32>,
      %sub3A_723 = vector.broadcast %mul3A_19 : f32 to vector<16xf32>
      %sub3A_724 = arith.subf %gather3A_722, %sub3A_723 : vector<16xf32>
      %mul3A_725 = arith.mulf %gather3A_721, %sub3A_724 : vector<16xf32>
      %add3A_726 = arith.addf %add3A_715, %mul3A_725 : vector<16xf32>
      %mul3A_727 = arith.mulf %mul3A_725, %sub3A_724 : vector<16xf32>
      %add3A_728 = arith.addf %add3A_717, %mul3A_727 : vector<16xf32>
      %broadcast_in_dim3A_729 = arith.constant 63 : i32
      %broadcast_in_dim3A_730 = vector.broadcast %broadcast_in_dim3A_729 : i32 to vector<16xi32>
      %gather3A_731 = tpu.vector_load_idx %arg7[%iota3A, %broadcast_in_dim3A_730] : memref<16x64xi32, #tpu.memory_space<vmem>>[vector<16xi32>, vector<16xi32>], vector<16xi32>,
      %gather3A_732 = tpu.vector_load_idx %arg8[%iota3A, %broadcast_in_dim3A_730] : memref<16x64xf32, #tpu.memory_space<vmem>>[vector<16xi32>, vector<16xi32>], vector<16xf32>,
      %gather3A_733 = tpu.vector_load_idx %arg6[%gather3A_731] : memref<100000xf32, #tpu.memory_space<vmem>>[vector<16xi32>], vector<16xf32>,
      %sub3A_734 = vector.broadcast %mul3A_19 : f32 to vector<16xf32>
      %sub3A_735 = arith.subf %gather3A_733, %sub3A_734 : vector<16xf32>
      %mul3A_736 = arith.mulf %gather3A_732, %sub3A_735 : vector<16xf32>
      %add3A_737 = arith.addf %add3A_726, %mul3A_736 : vector<16xf32>
      %mul3A_738 = arith.mulf %mul3A_736, %sub3A_735 : vector<16xf32>
      %add3A_739 = arith.addf %add3A_728, %mul3A_738 : vector<16xf32>
      %get3A = arith.index_cast %mul3A_37 : i32 to index
      %get3A_740 = tpu.vector_load %arg6[%get3A] {strides = array<i32>} : memref<100000xf32, #tpu.memory_space<vmem>>, vector<16xf32>,
      %sub3A_741 = vector.broadcast %mul3A_19 : f32 to vector<16xf32>
      %sub3A_742 = arith.subf %get3A_740, %sub3A_741 : vector<16xf32>
      %mul3A_743 = arith.constant 6.300000e+01 : f32
      %mul3A_744 = vector.broadcast %mul3A_743 : f32 to vector<16xf32>
      %mul3A_745 = arith.mulf %sub3A_742, %mul3A_744 : vector<16xf32>
      %mul3A_746 = arith.mulf %mul3A_745, %add3A_737 : vector<16xf32>
      %div3A = arith.divf %mul3A_746, %add3A_739 : vector<16xf32>
      %abs3A = math.absf %div3A : vector<16xf32>
      %add3A_747 = arith.addf %while3A_34, %abs3A : vector<16xf32>
      scf.yield %add3A_747 : vector<16xf32>
    }
    %while3A_30 = arith.constant 1 : i32
    %while3A_31 = scf.for %while3A_33 = %while3A_27 to %while3A_23 step %while3A_30 iter_args(%while3A_34 = %while3A_29) -> (vector<16xf32>)  : i32 {
      %add3A_35 = arith.addi %add3A_8, %while3A_33 : i32
      %mul3A_36 = arith.constant 16 : i32
      %mul3A_37 = arith.muli %add3A_35, %mul3A_36 : i32
      "tpu.region"() ({
        %run_scoped3A = tpu.sem_alloc : memref<!tpu.dma_semaphore, #tpu.memory_space<semaphore_mem>>
        %dma_start3A = arith.constant 0 : i32
        %dma_start3A_748 = tpu.memref_slice %arg4[%mul3A_37, %dma_start3A] : memref<100000x64xi32, #tpu.memory_space<hbm>> -> memref<16x64xi32, #tpu.memory_space<hbm>>
        %dma_start3A_749 = arith.constant 0 : i32
        %dma_start3A_750 = tpu.memref_slice %arg4[%mul3A_37, %dma_start3A_749] : memref<100000x64xi32, #tpu.memory_space<hbm>> -> memref<16x64xi32, #tpu.memory_space<hbm>>
        tpu.enqueue_dma source(%dma_start3A_750 : memref<16x64xi32, #tpu.memory_space<hbm>>) target(%arg7 : memref<16x64xi32, #tpu.memory_space<vmem>>) target_semaphore(%run_scoped3A : memref<!tpu.dma_semaphore, #tpu.memory_space<semaphore_mem>>)
        %dma_wait3A = arith.constant 0 : i32
        %dma_wait3A_751 = tpu.memref_slice %arg4[%mul3A_37, %dma_wait3A] : memref<100000x64xi32, #tpu.memory_space<hbm>> -> memref<16x64xi32, #tpu.memory_space<hbm>>
        %dma_wait3A_752 = arith.constant 0 : i32
        %dma_wait3A_753 = tpu.memref_slice %arg4[%mul3A_37, %dma_wait3A_752] : memref<100000x64xi32, #tpu.memory_space<hbm>> -> memref<16x64xi32, #tpu.memory_space<hbm>>
        tpu.wait_dma2 semaphore(%run_scoped3A : memref<!tpu.dma_semaphore, #tpu.memory_space<semaphore_mem>>) src(%dma_wait3A_753 : memref<16x64xi32, #tpu.memory_space<hbm>>) dst(%arg7 : memref<16x64xi32, #tpu.memory_space<vmem>>)
        tpu.yield
      }) : () -> ()
      "tpu.region"() ({
        %run_scoped3A = tpu.sem_alloc : memref<!tpu.dma_semaphore, #tpu.memory_space<semaphore_mem>>
        %dma_start3A = arith.constant 0 : i32
        %dma_start3A_748 = tpu.memref_slice %arg3[%mul3A_37, %dma_start3A] : memref<100000x64xf32, #tpu.memory_space<hbm>> -> memref<16x64xf32, #tpu.memory_space<hbm>>
        %dma_start3A_749 = arith.constant 0 : i32
        %dma_start3A_750 = tpu.memref_slice %arg3[%mul3A_37, %dma_start3A_749] : memref<100000x64xf32, #tpu.memory_space<hbm>> -> memref<16x64xf32, #tpu.memory_space<hbm>>
        tpu.enqueue_dma source(%dma_start3A_750 : memref<16x64xf32, #tpu.memory_space<hbm>>) target(%arg8 : memref<16x64xf32, #tpu.memory_space<vmem>>) target_semaphore(%run_scoped3A : memref<!tpu.dma_semaphore, #tpu.memory_space<semaphore_mem>>)
        %dma_wait3A = arith.constant 0 : i32
        %dma_wait3A_751 = tpu.memref_slice %arg3[%mul3A_37, %dma_wait3A] : memref<100000x64xf32, #tpu.memory_space<hbm>> -> memref<16x64xf32, #tpu.memory_space<hbm>>
        %dma_wait3A_752 = arith.constant 0 : i32
        %dma_wait3A_753 = tpu.memref_slice %arg3[%mul3A_37, %dma_wait3A_752] : memref<100000x64xf32, #tpu.memory_space<hbm>> -> memref<16x64xf32, #tpu.memory_space<hbm>>
        tpu.wait_dma2 semaphore(%run_scoped3A : memref<!tpu.dma_semaphore, #tpu.memory_space<semaphore_mem>>) src(%dma_wait3A_753 : memref<16x64xf32, #tpu.memory_space<hbm>>) dst(%arg8 : memref<16x64xf32, #tpu.memory_space<vmem>>)
        tpu.yield
      }) : () -> ()
      %broadcast_in_dim3A_38 = arith.constant 0 : i32
      %broadcast_in_dim3A_39 = vector.broadcast %broadcast_in_dim3A_38 : i32 to vector<16xi32>
      %gather3A = tpu.vector_load_idx %arg7[%iota3A, %broadcast_in_dim3A_39] : memref<16x64xi32, #tpu.memory_space<vmem>>[vector<16xi32>, vector<16xi32>], vector<16xi32>,
      %gather3A_40 = tpu.vector_load_idx %arg8[%iota3A, %broadcast_in_dim3A_39] : memref<16x64xf32, #tpu.memory_space<vmem>>[vector<16xi32>, vector<16xi32>], vector<16xf32>,
      %gather3A_41 = tpu.vector_load_idx %arg6[%gather3A] : memref<100000xf32, #tpu.memory_space<vmem>>[vector<16xi32>], vector<16xf32>,
      %sub3A = vector.broadcast %mul3A_19 : f32 to vector<16xf32>
      %sub3A_42 = arith.subf %gather3A_41, %sub3A : vector<16xf32>
      %mul3A_43 = arith.mulf %gather3A_40, %sub3A_42 : vector<16xf32>
      %add3A_44 = arith.addf %broadcast_in_dim3A_21, %mul3A_43 : vector<16xf32>
      %mul3A_45 = arith.mulf %mul3A_43, %sub3A_42 : vector<16xf32>
      %add3A_46 = arith.addf %broadcast_in_dim3A_21, %mul3A_45 : vector<16xf32>
      %broadcast_in_dim3A_47 = arith.constant 1 : i32
      %broadcast_in_dim3A_48 = vector.broadcast %broadcast_in_dim3A_47 : i32 to vector<16xi32>
      %gather3A_49 = tpu.vector_load_idx %arg7[%iota3A, %broadcast_in_dim3A_48] : memref<16x64xi32, #tpu.memory_space<vmem>>[vector<16xi32>, vector<16xi32>], vector<16xi32>,
      %gather3A_50 = tpu.vector_load_idx %arg8[%iota3A, %broadcast_in_dim3A_48] : memref<16x64xf32, #tpu.memory_space<vmem>>[vector<16xi32>, vector<16xi32>], vector<16xf32>,
      %gather3A_51 = tpu.vector_load_idx %arg6[%gather3A_49] : memref<100000xf32, #tpu.memory_space<vmem>>[vector<16xi32>], vector<16xf32>,
      %sub3A_52 = vector.broadcast %mul3A_19 : f32 to vector<16xf32>
      %sub3A_53 = arith.subf %gather3A_51, %sub3A_52 : vector<16xf32>
      %mul3A_54 = arith.mulf %gather3A_50, %sub3A_53 : vector<16xf32>
      %add3A_55 = arith.addf %add3A_44, %mul3A_54 : vector<16xf32>
      %mul3A_56 = arith.mulf %mul3A_54, %sub3A_53 : vector<16xf32>
      %add3A_57 = arith.addf %add3A_46, %mul3A_56 : vector<16xf32>
      %broadcast_in_dim3A_58 = arith.constant 2 : i32
      %broadcast_in_dim3A_59 = vector.broadcast %broadcast_in_dim3A_58 : i32 to vector<16xi32>
      %gather3A_60 = tpu.vector_load_idx %arg7[%iota3A, %broadcast_in_dim3A_59] : memref<16x64xi32, #tpu.memory_space<vmem>>[vector<16xi32>, vector<16xi32>], vector<16xi32>,
      %gather3A_61 = tpu.vector_load_idx %arg8[%iota3A, %broadcast_in_dim3A_59] : memref<16x64xf32, #tpu.memory_space<vmem>>[vector<16xi32>, vector<16xi32>], vector<16xf32>,
      %gather3A_62 = tpu.vector_load_idx %arg6[%gather3A_60] : memref<100000xf32, #tpu.memory_space<vmem>>[vector<16xi32>], vector<16xf32>,
      %sub3A_63 = vector.broadcast %mul3A_19 : f32 to vector<16xf32>
      %sub3A_64 = arith.subf %gather3A_62, %sub3A_63 : vector<16xf32>
      %mul3A_65 = arith.mulf %gather3A_61, %sub3A_64 : vector<16xf32>
      %add3A_66 = arith.addf %add3A_55, %mul3A_65 : vector<16xf32>
      %mul3A_67 = arith.mulf %mul3A_65, %sub3A_64 : vector<16xf32>
      %add3A_68 = arith.addf %add3A_57, %mul3A_67 : vector<16xf32>
      %broadcast_in_dim3A_69 = arith.constant 3 : i32
      %broadcast_in_dim3A_70 = vector.broadcast %broadcast_in_dim3A_69 : i32 to vector<16xi32>
      %gather3A_71 = tpu.vector_load_idx %arg7[%iota3A, %broadcast_in_dim3A_70] : memref<16x64xi32, #tpu.memory_space<vmem>>[vector<16xi32>, vector<16xi32>], vector<16xi32>,
      %gather3A_72 = tpu.vector_load_idx %arg8[%iota3A, %broadcast_in_dim3A_70] : memref<16x64xf32, #tpu.memory_space<vmem>>[vector<16xi32>, vector<16xi32>], vector<16xf32>,
      %gather3A_73 = tpu.vector_load_idx %arg6[%gather3A_71] : memref<100000xf32, #tpu.memory_space<vmem>>[vector<16xi32>], vector<16xf32>,
      %sub3A_74 = vector.broadcast %mul3A_19 : f32 to vector<16xf32>
      %sub3A_75 = arith.subf %gather3A_73, %sub3A_74 : vector<16xf32>
      %mul3A_76 = arith.mulf %gather3A_72, %sub3A_75 : vector<16xf32>
      %add3A_77 = arith.addf %add3A_66, %mul3A_76 : vector<16xf32>
      %mul3A_78 = arith.mulf %mul3A_76, %sub3A_75 : vector<16xf32>
      %add3A_79 = arith.addf %add3A_68, %mul3A_78 : vector<16xf32>
      %broadcast_in_dim3A_80 = arith.constant 4 : i32
      %broadcast_in_dim3A_81 = vector.broadcast %broadcast_in_dim3A_80 : i32 to vector<16xi32>
      %gather3A_82 = tpu.vector_load_idx %arg7[%iota3A, %broadcast_in_dim3A_81] : memref<16x64xi32, #tpu.memory_space<vmem>>[vector<16xi32>, vector<16xi32>], vector<16xi32>,
      %gather3A_83 = tpu.vector_load_idx %arg8[%iota3A, %broadcast_in_dim3A_81] : memref<16x64xf32, #tpu.memory_space<vmem>>[vector<16xi32>, vector<16xi32>], vector<16xf32>,
      %gather3A_84 = tpu.vector_load_idx %arg6[%gather3A_82] : memref<100000xf32, #tpu.memory_space<vmem>>[vector<16xi32>], vector<16xf32>,
      %sub3A_85 = vector.broadcast %mul3A_19 : f32 to vector<16xf32>
      %sub3A_86 = arith.subf %gather3A_84, %sub3A_85 : vector<16xf32>
      %mul3A_87 = arith.mulf %gather3A_83, %sub3A_86 : vector<16xf32>
      %add3A_88 = arith.addf %add3A_77, %mul3A_87 : vector<16xf32>
      %mul3A_89 = arith.mulf %mul3A_87, %sub3A_86 : vector<16xf32>
      %add3A_90 = arith.addf %add3A_79, %mul3A_89 : vector<16xf32>
      %broadcast_in_dim3A_91 = arith.constant 5 : i32
      %broadcast_in_dim3A_92 = vector.broadcast %broadcast_in_dim3A_91 : i32 to vector<16xi32>
      %gather3A_93 = tpu.vector_load_idx %arg7[%iota3A, %broadcast_in_dim3A_92] : memref<16x64xi32, #tpu.memory_space<vmem>>[vector<16xi32>, vector<16xi32>], vector<16xi32>,
      %gather3A_94 = tpu.vector_load_idx %arg8[%iota3A, %broadcast_in_dim3A_92] : memref<16x64xf32, #tpu.memory_space<vmem>>[vector<16xi32>, vector<16xi32>], vector<16xf32>,
      %gather3A_95 = tpu.vector_load_idx %arg6[%gather3A_93] : memref<100000xf32, #tpu.memory_space<vmem>>[vector<16xi32>], vector<16xf32>,
      %sub3A_96 = vector.broadcast %mul3A_19 : f32 to vector<16xf32>
      %sub3A_97 = arith.subf %gather3A_95, %sub3A_96 : vector<16xf32>
      %mul3A_98 = arith.mulf %gather3A_94, %sub3A_97 : vector<16xf32>
      %add3A_99 = arith.addf %add3A_88, %mul3A_98 : vector<16xf32>
      %mul3A_100 = arith.mulf %mul3A_98, %sub3A_97 : vector<16xf32>
      %add3A_101 = arith.addf %add3A_90, %mul3A_100 : vector<16xf32>
      %broadcast_in_dim3A_102 = arith.constant 6 : i32
      %broadcast_in_dim3A_103 = vector.broadcast %broadcast_in_dim3A_102 : i32 to vector<16xi32>
      %gather3A_104 = tpu.vector_load_idx %arg7[%iota3A, %broadcast_in_dim3A_103] : memref<16x64xi32, #tpu.memory_space<vmem>>[vector<16xi32>, vector<16xi32>], vector<16xi32>,
      %gather3A_105 = tpu.vector_load_idx %arg8[%iota3A, %broadcast_in_dim3A_103] : memref<16x64xf32, #tpu.memory_space<vmem>>[vector<16xi32>, vector<16xi32>], vector<16xf32>,
      %gather3A_106 = tpu.vector_load_idx %arg6[%gather3A_104] : memref<100000xf32, #tpu.memory_space<vmem>>[vector<16xi32>], vector<16xf32>,
      %sub3A_107 = vector.broadcast %mul3A_19 : f32 to vector<16xf32>
      %sub3A_108 = arith.subf %gather3A_106, %sub3A_107 : vector<16xf32>
      %mul3A_109 = arith.mulf %gather3A_105, %sub3A_108 : vector<16xf32>
      %add3A_110 = arith.addf %add3A_99, %mul3A_109 : vector<16xf32>
      %mul3A_111 = arith.mulf %mul3A_109, %sub3A_108 : vector<16xf32>
      %add3A_112 = arith.addf %add3A_101, %mul3A_111 : vector<16xf32>
      %broadcast_in_dim3A_113 = arith.constant 7 : i32
      %broadcast_in_dim3A_114 = vector.broadcast %broadcast_in_dim3A_113 : i32 to vector<16xi32>
      %gather3A_115 = tpu.vector_load_idx %arg7[%iota3A, %broadcast_in_dim3A_114] : memref<16x64xi32, #tpu.memory_space<vmem>>[vector<16xi32>, vector<16xi32>], vector<16xi32>,
      %gather3A_116 = tpu.vector_load_idx %arg8[%iota3A, %broadcast_in_dim3A_114] : memref<16x64xf32, #tpu.memory_space<vmem>>[vector<16xi32>, vector<16xi32>], vector<16xf32>,
      %gather3A_117 = tpu.vector_load_idx %arg6[%gather3A_115] : memref<100000xf32, #tpu.memory_space<vmem>>[vector<16xi32>], vector<16xf32>,
      %sub3A_118 = vector.broadcast %mul3A_19 : f32 to vector<16xf32>
      %sub3A_119 = arith.subf %gather3A_117, %sub3A_118 : vector<16xf32>
      %mul3A_120 = arith.mulf %gather3A_116, %sub3A_119 : vector<16xf32>
      %add3A_121 = arith.addf %add3A_110, %mul3A_120 : vector<16xf32>
      %mul3A_122 = arith.mulf %mul3A_120, %sub3A_119 : vector<16xf32>
      %add3A_123 = arith.addf %add3A_112, %mul3A_122 : vector<16xf32>
      %broadcast_in_dim3A_124 = arith.constant 8 : i32
      %broadcast_in_dim3A_125 = vector.broadcast %broadcast_in_dim3A_124 : i32 to vector<16xi32>
      %gather3A_126 = tpu.vector_load_idx %arg7[%iota3A, %broadcast_in_dim3A_125] : memref<16x64xi32, #tpu.memory_space<vmem>>[vector<16xi32>, vector<16xi32>], vector<16xi32>,
      %gather3A_127 = tpu.vector_load_idx %arg8[%iota3A, %broadcast_in_dim3A_125] : memref<16x64xf32, #tpu.memory_space<vmem>>[vector<16xi32>, vector<16xi32>], vector<16xf32>,
      %gather3A_128 = tpu.vector_load_idx %arg6[%gather3A_126] : memref<100000xf32, #tpu.memory_space<vmem>>[vector<16xi32>], vector<16xf32>,
      %sub3A_129 = vector.broadcast %mul3A_19 : f32 to vector<16xf32>
      %sub3A_130 = arith.subf %gather3A_128, %sub3A_129 : vector<16xf32>
      %mul3A_131 = arith.mulf %gather3A_127, %sub3A_130 : vector<16xf32>
      %add3A_132 = arith.addf %add3A_121, %mul3A_131 : vector<16xf32>
      %mul3A_133 = arith.mulf %mul3A_131, %sub3A_130 : vector<16xf32>
      %add3A_134 = arith.addf %add3A_123, %mul3A_133 : vector<16xf32>
      %broadcast_in_dim3A_135 = arith.constant 9 : i32
      %broadcast_in_dim3A_136 = vector.broadcast %broadcast_in_dim3A_135 : i32 to vector<16xi32>
      %gather3A_137 = tpu.vector_load_idx %arg7[%iota3A, %broadcast_in_dim3A_136] : memref<16x64xi32, #tpu.memory_space<vmem>>[vector<16xi32>, vector<16xi32>], vector<16xi32>,
      %gather3A_138 = tpu.vector_load_idx %arg8[%iota3A, %broadcast_in_dim3A_136] : memref<16x64xf32, #tpu.memory_space<vmem>>[vector<16xi32>, vector<16xi32>], vector<16xf32>,
      %gather3A_139 = tpu.vector_load_idx %arg6[%gather3A_137] : memref<100000xf32, #tpu.memory_space<vmem>>[vector<16xi32>], vector<16xf32>,
      %sub3A_140 = vector.broadcast %mul3A_19 : f32 to vector<16xf32>
      %sub3A_141 = arith.subf %gather3A_139, %sub3A_140 : vector<16xf32>
      %mul3A_142 = arith.mulf %gather3A_138, %sub3A_141 : vector<16xf32>
      %add3A_143 = arith.addf %add3A_132, %mul3A_142 : vector<16xf32>
      %mul3A_144 = arith.mulf %mul3A_142, %sub3A_141 : vector<16xf32>
      %add3A_145 = arith.addf %add3A_134, %mul3A_144 : vector<16xf32>
      %broadcast_in_dim3A_146 = arith.constant 10 : i32
      %broadcast_in_dim3A_147 = vector.broadcast %broadcast_in_dim3A_146 : i32 to vector<16xi32>
      %gather3A_148 = tpu.vector_load_idx %arg7[%iota3A, %broadcast_in_dim3A_147] : memref<16x64xi32, #tpu.memory_space<vmem>>[vector<16xi32>, vector<16xi32>], vector<16xi32>,
      %gather3A_149 = tpu.vector_load_idx %arg8[%iota3A, %broadcast_in_dim3A_147] : memref<16x64xf32, #tpu.memory_space<vmem>>[vector<16xi32>, vector<16xi32>], vector<16xf32>,
      %gather3A_150 = tpu.vector_load_idx %arg6[%gather3A_148] : memref<100000xf32, #tpu.memory_space<vmem>>[vector<16xi32>], vector<16xf32>,
      %sub3A_151 = vector.broadcast %mul3A_19 : f32 to vector<16xf32>
      %sub3A_152 = arith.subf %gather3A_150, %sub3A_151 : vector<16xf32>
      %mul3A_153 = arith.mulf %gather3A_149, %sub3A_152 : vector<16xf32>
      %add3A_154 = arith.addf %add3A_143, %mul3A_153 : vector<16xf32>
      %mul3A_155 = arith.mulf %mul3A_153, %sub3A_152 : vector<16xf32>
      %add3A_156 = arith.addf %add3A_145, %mul3A_155 : vector<16xf32>
      %broadcast_in_dim3A_157 = arith.constant 11 : i32
      %broadcast_in_dim3A_158 = vector.broadcast %broadcast_in_dim3A_157 : i32 to vector<16xi32>
      %gather3A_159 = tpu.vector_load_idx %arg7[%iota3A, %broadcast_in_dim3A_158] : memref<16x64xi32, #tpu.memory_space<vmem>>[vector<16xi32>, vector<16xi32>], vector<16xi32>,
      %gather3A_160 = tpu.vector_load_idx %arg8[%iota3A, %broadcast_in_dim3A_158] : memref<16x64xf32, #tpu.memory_space<vmem>>[vector<16xi32>, vector<16xi32>], vector<16xf32>,
      %gather3A_161 = tpu.vector_load_idx %arg6[%gather3A_159] : memref<100000xf32, #tpu.memory_space<vmem>>[vector<16xi32>], vector<16xf32>,
      %sub3A_162 = vector.broadcast %mul3A_19 : f32 to vector<16xf32>
      %sub3A_163 = arith.subf %gather3A_161, %sub3A_162 : vector<16xf32>
      %mul3A_164 = arith.mulf %gather3A_160, %sub3A_163 : vector<16xf32>
      %add3A_165 = arith.addf %add3A_154, %mul3A_164 : vector<16xf32>
      %mul3A_166 = arith.mulf %mul3A_164, %sub3A_163 : vector<16xf32>
      %add3A_167 = arith.addf %add3A_156, %mul3A_166 : vector<16xf32>
      %broadcast_in_dim3A_168 = arith.constant 12 : i32
      %broadcast_in_dim3A_169 = vector.broadcast %broadcast_in_dim3A_168 : i32 to vector<16xi32>
      %gather3A_170 = tpu.vector_load_idx %arg7[%iota3A, %broadcast_in_dim3A_169] : memref<16x64xi32, #tpu.memory_space<vmem>>[vector<16xi32>, vector<16xi32>], vector<16xi32>,
      %gather3A_171 = tpu.vector_load_idx %arg8[%iota3A, %broadcast_in_dim3A_169] : memref<16x64xf32, #tpu.memory_space<vmem>>[vector<16xi32>, vector<16xi32>], vector<16xf32>,
      %gather3A_172 = tpu.vector_load_idx %arg6[%gather3A_170] : memref<100000xf32, #tpu.memory_space<vmem>>[vector<16xi32>], vector<16xf32>,
      %sub3A_173 = vector.broadcast %mul3A_19 : f32 to vector<16xf32>
      %sub3A_174 = arith.subf %gather3A_172, %sub3A_173 : vector<16xf32>
      %mul3A_175 = arith.mulf %gather3A_171, %sub3A_174 : vector<16xf32>
      %add3A_176 = arith.addf %add3A_165, %mul3A_175 : vector<16xf32>
      %mul3A_177 = arith.mulf %mul3A_175, %sub3A_174 : vector<16xf32>
      %add3A_178 = arith.addf %add3A_167, %mul3A_177 : vector<16xf32>
      %broadcast_in_dim3A_179 = arith.constant 13 : i32
      %broadcast_in_dim3A_180 = vector.broadcast %broadcast_in_dim3A_179 : i32 to vector<16xi32>
      %gather3A_181 = tpu.vector_load_idx %arg7[%iota3A, %broadcast_in_dim3A_180] : memref<16x64xi32, #tpu.memory_space<vmem>>[vector<16xi32>, vector<16xi32>], vector<16xi32>,
      %gather3A_182 = tpu.vector_load_idx %arg8[%iota3A, %broadcast_in_dim3A_180] : memref<16x64xf32, #tpu.memory_space<vmem>>[vector<16xi32>, vector<16xi32>], vector<16xf32>,
      %gather3A_183 = tpu.vector_load_idx %arg6[%gather3A_181] : memref<100000xf32, #tpu.memory_space<vmem>>[vector<16xi32>], vector<16xf32>,
      %sub3A_184 = vector.broadcast %mul3A_19 : f32 to vector<16xf32>
      %sub3A_185 = arith.subf %gather3A_183, %sub3A_184 : vector<16xf32>
      %mul3A_186 = arith.mulf %gather3A_182, %sub3A_185 : vector<16xf32>
      %add3A_187 = arith.addf %add3A_176, %mul3A_186 : vector<16xf32>
      %mul3A_188 = arith.mulf %mul3A_186, %sub3A_185 : vector<16xf32>
      %add3A_189 = arith.addf %add3A_178, %mul3A_188 : vector<16xf32>
      %broadcast_in_dim3A_190 = arith.constant 14 : i32
      %broadcast_in_dim3A_191 = vector.broadcast %broadcast_in_dim3A_190 : i32 to vector<16xi32>
      %gather3A_192 = tpu.vector_load_idx %arg7[%iota3A, %broadcast_in_dim3A_191] : memref<16x64xi32, #tpu.memory_space<vmem>>[vector<16xi32>, vector<16xi32>], vector<16xi32>,
      %gather3A_193 = tpu.vector_load_idx %arg8[%iota3A, %broadcast_in_dim3A_191] : memref<16x64xf32, #tpu.memory_space<vmem>>[vector<16xi32>, vector<16xi32>], vector<16xf32>,
      %gather3A_194 = tpu.vector_load_idx %arg6[%gather3A_192] : memref<100000xf32, #tpu.memory_space<vmem>>[vector<16xi32>], vector<16xf32>,
      %sub3A_195 = vector.broadcast %mul3A_19 : f32 to vector<16xf32>
      %sub3A_196 = arith.subf %gather3A_194, %sub3A_195 : vector<16xf32>
      %mul3A_197 = arith.mulf %gather3A_193, %sub3A_196 : vector<16xf32>
      %add3A_198 = arith.addf %add3A_187, %mul3A_197 : vector<16xf32>
      %mul3A_199 = arith.mulf %mul3A_197, %sub3A_196 : vector<16xf32>
      %add3A_200 = arith.addf %add3A_189, %mul3A_199 : vector<16xf32>
      %broadcast_in_dim3A_201 = arith.constant 15 : i32
      %broadcast_in_dim3A_202 = vector.broadcast %broadcast_in_dim3A_201 : i32 to vector<16xi32>
      %gather3A_203 = tpu.vector_load_idx %arg7[%iota3A, %broadcast_in_dim3A_202] : memref<16x64xi32, #tpu.memory_space<vmem>>[vector<16xi32>, vector<16xi32>], vector<16xi32>,
      %gather3A_204 = tpu.vector_load_idx %arg8[%iota3A, %broadcast_in_dim3A_202] : memref<16x64xf32, #tpu.memory_space<vmem>>[vector<16xi32>, vector<16xi32>], vector<16xf32>,
      %gather3A_205 = tpu.vector_load_idx %arg6[%gather3A_203] : memref<100000xf32, #tpu.memory_space<vmem>>[vector<16xi32>], vector<16xf32>,
      %sub3A_206 = vector.broadcast %mul3A_19 : f32 to vector<16xf32>
      %sub3A_207 = arith.subf %gather3A_205, %sub3A_206 : vector<16xf32>
      %mul3A_208 = arith.mulf %gather3A_204, %sub3A_207 : vector<16xf32>
      %add3A_209 = arith.addf %add3A_198, %mul3A_208 : vector<16xf32>
      %mul3A_210 = arith.mulf %mul3A_208, %sub3A_207 : vector<16xf32>
      %add3A_211 = arith.addf %add3A_200, %mul3A_210 : vector<16xf32>
      %broadcast_in_dim3A_212 = arith.constant 16 : i32
      %broadcast_in_dim3A_213 = vector.broadcast %broadcast_in_dim3A_212 : i32 to vector<16xi32>
      %gather3A_214 = tpu.vector_load_idx %arg7[%iota3A, %broadcast_in_dim3A_213] : memref<16x64xi32, #tpu.memory_space<vmem>>[vector<16xi32>, vector<16xi32>], vector<16xi32>,
      %gather3A_215 = tpu.vector_load_idx %arg8[%iota3A, %broadcast_in_dim3A_213] : memref<16x64xf32, #tpu.memory_space<vmem>>[vector<16xi32>, vector<16xi32>], vector<16xf32>,
      %gather3A_216 = tpu.vector_load_idx %arg6[%gather3A_214] : memref<100000xf32, #tpu.memory_space<vmem>>[vector<16xi32>], vector<16xf32>,
      %sub3A_217 = vector.broadcast %mul3A_19 : f32 to vector<16xf32>
      %sub3A_218 = arith.subf %gather3A_216, %sub3A_217 : vector<16xf32>
      %mul3A_219 = arith.mulf %gather3A_215, %sub3A_218 : vector<16xf32>
      %add3A_220 = arith.addf %add3A_209, %mul3A_219 : vector<16xf32>
      %mul3A_221 = arith.mulf %mul3A_219, %sub3A_218 : vector<16xf32>
      %add3A_222 = arith.addf %add3A_211, %mul3A_221 : vector<16xf32>
      %broadcast_in_dim3A_223 = arith.constant 17 : i32
      %broadcast_in_dim3A_224 = vector.broadcast %broadcast_in_dim3A_223 : i32 to vector<16xi32>
      %gather3A_225 = tpu.vector_load_idx %arg7[%iota3A, %broadcast_in_dim3A_224] : memref<16x64xi32, #tpu.memory_space<vmem>>[vector<16xi32>, vector<16xi32>], vector<16xi32>,
      %gather3A_226 = tpu.vector_load_idx %arg8[%iota3A, %broadcast_in_dim3A_224] : memref<16x64xf32, #tpu.memory_space<vmem>>[vector<16xi32>, vector<16xi32>], vector<16xf32>,
      %gather3A_227 = tpu.vector_load_idx %arg6[%gather3A_225] : memref<100000xf32, #tpu.memory_space<vmem>>[vector<16xi32>], vector<16xf32>,
      %sub3A_228 = vector.broadcast %mul3A_19 : f32 to vector<16xf32>
      %sub3A_229 = arith.subf %gather3A_227, %sub3A_228 : vector<16xf32>
      %mul3A_230 = arith.mulf %gather3A_226, %sub3A_229 : vector<16xf32>
      %add3A_231 = arith.addf %add3A_220, %mul3A_230 : vector<16xf32>
      %mul3A_232 = arith.mulf %mul3A_230, %sub3A_229 : vector<16xf32>
      %add3A_233 = arith.addf %add3A_222, %mul3A_232 : vector<16xf32>
      %broadcast_in_dim3A_234 = arith.constant 18 : i32
      %broadcast_in_dim3A_235 = vector.broadcast %broadcast_in_dim3A_234 : i32 to vector<16xi32>
      %gather3A_236 = tpu.vector_load_idx %arg7[%iota3A, %broadcast_in_dim3A_235] : memref<16x64xi32, #tpu.memory_space<vmem>>[vector<16xi32>, vector<16xi32>], vector<16xi32>,
      %gather3A_237 = tpu.vector_load_idx %arg8[%iota3A, %broadcast_in_dim3A_235] : memref<16x64xf32, #tpu.memory_space<vmem>>[vector<16xi32>, vector<16xi32>], vector<16xf32>,
      %gather3A_238 = tpu.vector_load_idx %arg6[%gather3A_236] : memref<100000xf32, #tpu.memory_space<vmem>>[vector<16xi32>], vector<16xf32>,
      %sub3A_239 = vector.broadcast %mul3A_19 : f32 to vector<16xf32>
      %sub3A_240 = arith.subf %gather3A_238, %sub3A_239 : vector<16xf32>
      %mul3A_241 = arith.mulf %gather3A_237, %sub3A_240 : vector<16xf32>
      %add3A_242 = arith.addf %add3A_231, %mul3A_241 : vector<16xf32>
      %mul3A_243 = arith.mulf %mul3A_241, %sub3A_240 : vector<16xf32>
      %add3A_244 = arith.addf %add3A_233, %mul3A_243 : vector<16xf32>
      %broadcast_in_dim3A_245 = arith.constant 19 : i32
      %broadcast_in_dim3A_246 = vector.broadcast %broadcast_in_dim3A_245 : i32 to vector<16xi32>
      %gather3A_247 = tpu.vector_load_idx %arg7[%iota3A, %broadcast_in_dim3A_246] : memref<16x64xi32, #tpu.memory_space<vmem>>[vector<16xi32>, vector<16xi32>], vector<16xi32>,
      %gather3A_248 = tpu.vector_load_idx %arg8[%iota3A, %broadcast_in_dim3A_246] : memref<16x64xf32, #tpu.memory_space<vmem>>[vector<16xi32>, vector<16xi32>], vector<16xf32>,
      %gather3A_249 = tpu.vector_load_idx %arg6[%gather3A_247] : memref<100000xf32, #tpu.memory_space<vmem>>[vector<16xi32>], vector<16xf32>,
      %sub3A_250 = vector.broadcast %mul3A_19 : f32 to vector<16xf32>
      %sub3A_251 = arith.subf %gather3A_249, %sub3A_250 : vector<16xf32>
      %mul3A_252 = arith.mulf %gather3A_248, %sub3A_251 : vector<16xf32>
      %add3A_253 = arith.addf %add3A_242, %mul3A_252 : vector<16xf32>
      %mul3A_254 = arith.mulf %mul3A_252, %sub3A_251 : vector<16xf32>
      %add3A_255 = arith.addf %add3A_244, %mul3A_254 : vector<16xf32>
      %broadcast_in_dim3A_256 = arith.constant 20 : i32
      %broadcast_in_dim3A_257 = vector.broadcast %broadcast_in_dim3A_256 : i32 to vector<16xi32>
      %gather3A_258 = tpu.vector_load_idx %arg7[%iota3A, %broadcast_in_dim3A_257] : memref<16x64xi32, #tpu.memory_space<vmem>>[vector<16xi32>, vector<16xi32>], vector<16xi32>,
      %gather3A_259 = tpu.vector_load_idx %arg8[%iota3A, %broadcast_in_dim3A_257] : memref<16x64xf32, #tpu.memory_space<vmem>>[vector<16xi32>, vector<16xi32>], vector<16xf32>,
      %gather3A_260 = tpu.vector_load_idx %arg6[%gather3A_258] : memref<100000xf32, #tpu.memory_space<vmem>>[vector<16xi32>], vector<16xf32>,
      %sub3A_261 = vector.broadcast %mul3A_19 : f32 to vector<16xf32>
      %sub3A_262 = arith.subf %gather3A_260, %sub3A_261 : vector<16xf32>
      %mul3A_263 = arith.mulf %gather3A_259, %sub3A_262 : vector<16xf32>
      %add3A_264 = arith.addf %add3A_253, %mul3A_263 : vector<16xf32>
      %mul3A_265 = arith.mulf %mul3A_263, %sub3A_262 : vector<16xf32>
      %add3A_266 = arith.addf %add3A_255, %mul3A_265 : vector<16xf32>
      %broadcast_in_dim3A_267 = arith.constant 21 : i32
      %broadcast_in_dim3A_268 = vector.broadcast %broadcast_in_dim3A_267 : i32 to vector<16xi32>
      %gather3A_269 = tpu.vector_load_idx %arg7[%iota3A, %broadcast_in_dim3A_268] : memref<16x64xi32, #tpu.memory_space<vmem>>[vector<16xi32>, vector<16xi32>], vector<16xi32>,
      %gather3A_270 = tpu.vector_load_idx %arg8[%iota3A, %broadcast_in_dim3A_268] : memref<16x64xf32, #tpu.memory_space<vmem>>[vector<16xi32>, vector<16xi32>], vector<16xf32>,
      %gather3A_271 = tpu.vector_load_idx %arg6[%gather3A_269] : memref<100000xf32, #tpu.memory_space<vmem>>[vector<16xi32>], vector<16xf32>,
      %sub3A_272 = vector.broadcast %mul3A_19 : f32 to vector<16xf32>
      %sub3A_273 = arith.subf %gather3A_271, %sub3A_272 : vector<16xf32>
      %mul3A_274 = arith.mulf %gather3A_270, %sub3A_273 : vector<16xf32>
      %add3A_275 = arith.addf %add3A_264, %mul3A_274 : vector<16xf32>
      %mul3A_276 = arith.mulf %mul3A_274, %sub3A_273 : vector<16xf32>
      %add3A_277 = arith.addf %add3A_266, %mul3A_276 : vector<16xf32>
      %broadcast_in_dim3A_278 = arith.constant 22 : i32
      %broadcast_in_dim3A_279 = vector.broadcast %broadcast_in_dim3A_278 : i32 to vector<16xi32>
      %gather3A_280 = tpu.vector_load_idx %arg7[%iota3A, %broadcast_in_dim3A_279] : memref<16x64xi32, #tpu.memory_space<vmem>>[vector<16xi32>, vector<16xi32>], vector<16xi32>,
      %gather3A_281 = tpu.vector_load_idx %arg8[%iota3A, %broadcast_in_dim3A_279] : memref<16x64xf32, #tpu.memory_space<vmem>>[vector<16xi32>, vector<16xi32>], vector<16xf32>,
      %gather3A_282 = tpu.vector_load_idx %arg6[%gather3A_280] : memref<100000xf32, #tpu.memory_space<vmem>>[vector<16xi32>], vector<16xf32>,
      %sub3A_283 = vector.broadcast %mul3A_19 : f32 to vector<16xf32>
      %sub3A_284 = arith.subf %gather3A_282, %sub3A_283 : vector<16xf32>
      %mul3A_285 = arith.mulf %gather3A_281, %sub3A_284 : vector<16xf32>
      %add3A_286 = arith.addf %add3A_275, %mul3A_285 : vector<16xf32>
      %mul3A_287 = arith.mulf %mul3A_285, %sub3A_284 : vector<16xf32>
      %add3A_288 = arith.addf %add3A_277, %mul3A_287 : vector<16xf32>
      %broadcast_in_dim3A_289 = arith.constant 23 : i32
      %broadcast_in_dim3A_290 = vector.broadcast %broadcast_in_dim3A_289 : i32 to vector<16xi32>
      %gather3A_291 = tpu.vector_load_idx %arg7[%iota3A, %broadcast_in_dim3A_290] : memref<16x64xi32, #tpu.memory_space<vmem>>[vector<16xi32>, vector<16xi32>], vector<16xi32>,
      %gather3A_292 = tpu.vector_load_idx %arg8[%iota3A, %broadcast_in_dim3A_290] : memref<16x64xf32, #tpu.memory_space<vmem>>[vector<16xi32>, vector<16xi32>], vector<16xf32>,
      %gather3A_293 = tpu.vector_load_idx %arg6[%gather3A_291] : memref<100000xf32, #tpu.memory_space<vmem>>[vector<16xi32>], vector<16xf32>,
      %sub3A_294 = vector.broadcast %mul3A_19 : f32 to vector<16xf32>
      %sub3A_295 = arith.subf %gather3A_293, %sub3A_294 : vector<16xf32>
      %mul3A_296 = arith.mulf %gather3A_292, %sub3A_295 : vector<16xf32>
      %add3A_297 = arith.addf %add3A_286, %mul3A_296 : vector<16xf32>
      %mul3A_298 = arith.mulf %mul3A_296, %sub3A_295 : vector<16xf32>
      %add3A_299 = arith.addf %add3A_288, %mul3A_298 : vector<16xf32>
      %broadcast_in_dim3A_300 = arith.constant 24 : i32
      %broadcast_in_dim3A_301 = vector.broadcast %broadcast_in_dim3A_300 : i32 to vector<16xi32>
      %gather3A_302 = tpu.vector_load_idx %arg7[%iota3A, %broadcast_in_dim3A_301] : memref<16x64xi32, #tpu.memory_space<vmem>>[vector<16xi32>, vector<16xi32>], vector<16xi32>,
      %gather3A_303 = tpu.vector_load_idx %arg8[%iota3A, %broadcast_in_dim3A_301] : memref<16x64xf32, #tpu.memory_space<vmem>>[vector<16xi32>, vector<16xi32>], vector<16xf32>,
      %gather3A_304 = tpu.vector_load_idx %arg6[%gather3A_302] : memref<100000xf32, #tpu.memory_space<vmem>>[vector<16xi32>], vector<16xf32>,
      %sub3A_305 = vector.broadcast %mul3A_19 : f32 to vector<16xf32>
      %sub3A_306 = arith.subf %gather3A_304, %sub3A_305 : vector<16xf32>
      %mul3A_307 = arith.mulf %gather3A_303, %sub3A_306 : vector<16xf32>
      %add3A_308 = arith.addf %add3A_297, %mul3A_307 : vector<16xf32>
      %mul3A_309 = arith.mulf %mul3A_307, %sub3A_306 : vector<16xf32>
      %add3A_310 = arith.addf %add3A_299, %mul3A_309 : vector<16xf32>
      %broadcast_in_dim3A_311 = arith.constant 25 : i32
      %broadcast_in_dim3A_312 = vector.broadcast %broadcast_in_dim3A_311 : i32 to vector<16xi32>
      %gather3A_313 = tpu.vector_load_idx %arg7[%iota3A, %broadcast_in_dim3A_312] : memref<16x64xi32, #tpu.memory_space<vmem>>[vector<16xi32>, vector<16xi32>], vector<16xi32>,
      %gather3A_314 = tpu.vector_load_idx %arg8[%iota3A, %broadcast_in_dim3A_312] : memref<16x64xf32, #tpu.memory_space<vmem>>[vector<16xi32>, vector<16xi32>], vector<16xf32>,
      %gather3A_315 = tpu.vector_load_idx %arg6[%gather3A_313] : memref<100000xf32, #tpu.memory_space<vmem>>[vector<16xi32>], vector<16xf32>,
      %sub3A_316 = vector.broadcast %mul3A_19 : f32 to vector<16xf32>
      %sub3A_317 = arith.subf %gather3A_315, %sub3A_316 : vector<16xf32>
      %mul3A_318 = arith.mulf %gather3A_314, %sub3A_317 : vector<16xf32>
      %add3A_319 = arith.addf %add3A_308, %mul3A_318 : vector<16xf32>
      %mul3A_320 = arith.mulf %mul3A_318, %sub3A_317 : vector<16xf32>
      %add3A_321 = arith.addf %add3A_310, %mul3A_320 : vector<16xf32>
      %broadcast_in_dim3A_322 = arith.constant 26 : i32
      %broadcast_in_dim3A_323 = vector.broadcast %broadcast_in_dim3A_322 : i32 to vector<16xi32>
      %gather3A_324 = tpu.vector_load_idx %arg7[%iota3A, %broadcast_in_dim3A_323] : memref<16x64xi32, #tpu.memory_space<vmem>>[vector<16xi32>, vector<16xi32>], vector<16xi32>,
      %gather3A_325 = tpu.vector_load_idx %arg8[%iota3A, %broadcast_in_dim3A_323] : memref<16x64xf32, #tpu.memory_space<vmem>>[vector<16xi32>, vector<16xi32>], vector<16xf32>,
      %gather3A_326 = tpu.vector_load_idx %arg6[%gather3A_324] : memref<100000xf32, #tpu.memory_space<vmem>>[vector<16xi32>], vector<16xf32>,
      %sub3A_327 = vector.broadcast %mul3A_19 : f32 to vector<16xf32>
      %sub3A_328 = arith.subf %gather3A_326, %sub3A_327 : vector<16xf32>
      %mul3A_329 = arith.mulf %gather3A_325, %sub3A_328 : vector<16xf32>
      %add3A_330 = arith.addf %add3A_319, %mul3A_329 : vector<16xf32>
      %mul3A_331 = arith.mulf %mul3A_329, %sub3A_328 : vector<16xf32>
      %add3A_332 = arith.addf %add3A_321, %mul3A_331 : vector<16xf32>
      %broadcast_in_dim3A_333 = arith.constant 27 : i32
      %broadcast_in_dim3A_334 = vector.broadcast %broadcast_in_dim3A_333 : i32 to vector<16xi32>
      %gather3A_335 = tpu.vector_load_idx %arg7[%iota3A, %broadcast_in_dim3A_334] : memref<16x64xi32, #tpu.memory_space<vmem>>[vector<16xi32>, vector<16xi32>], vector<16xi32>,
      %gather3A_336 = tpu.vector_load_idx %arg8[%iota3A, %broadcast_in_dim3A_334] : memref<16x64xf32, #tpu.memory_space<vmem>>[vector<16xi32>, vector<16xi32>], vector<16xf32>,
      %gather3A_337 = tpu.vector_load_idx %arg6[%gather3A_335] : memref<100000xf32, #tpu.memory_space<vmem>>[vector<16xi32>], vector<16xf32>,
      %sub3A_338 = vector.broadcast %mul3A_19 : f32 to vector<16xf32>
      %sub3A_339 = arith.subf %gather3A_337, %sub3A_338 : vector<16xf32>
      %mul3A_340 = arith.mulf %gather3A_336, %sub3A_339 : vector<16xf32>
      %add3A_341 = arith.addf %add3A_330, %mul3A_340 : vector<16xf32>
      %mul3A_342 = arith.mulf %mul3A_340, %sub3A_339 : vector<16xf32>
      %add3A_343 = arith.addf %add3A_332, %mul3A_342 : vector<16xf32>
      %broadcast_in_dim3A_344 = arith.constant 28 : i32
      %broadcast_in_dim3A_345 = vector.broadcast %broadcast_in_dim3A_344 : i32 to vector<16xi32>
      %gather3A_346 = tpu.vector_load_idx %arg7[%iota3A, %broadcast_in_dim3A_345] : memref<16x64xi32, #tpu.memory_space<vmem>>[vector<16xi32>, vector<16xi32>], vector<16xi32>,
      %gather3A_347 = tpu.vector_load_idx %arg8[%iota3A, %broadcast_in_dim3A_345] : memref<16x64xf32, #tpu.memory_space<vmem>>[vector<16xi32>, vector<16xi32>], vector<16xf32>,
      %gather3A_348 = tpu.vector_load_idx %arg6[%gather3A_346] : memref<100000xf32, #tpu.memory_space<vmem>>[vector<16xi32>], vector<16xf32>,
      %sub3A_349 = vector.broadcast %mul3A_19 : f32 to vector<16xf32>
      %sub3A_350 = arith.subf %gather3A_348, %sub3A_349 : vector<16xf32>
      %mul3A_351 = arith.mulf %gather3A_347, %sub3A_350 : vector<16xf32>
      %add3A_352 = arith.addf %add3A_341, %mul3A_351 : vector<16xf32>
      %mul3A_353 = arith.mulf %mul3A_351, %sub3A_350 : vector<16xf32>
      %add3A_354 = arith.addf %add3A_343, %mul3A_353 : vector<16xf32>
      %broadcast_in_dim3A_355 = arith.constant 29 : i32
      %broadcast_in_dim3A_356 = vector.broadcast %broadcast_in_dim3A_355 : i32 to vector<16xi32>
      %gather3A_357 = tpu.vector_load_idx %arg7[%iota3A, %broadcast_in_dim3A_356] : memref<16x64xi32, #tpu.memory_space<vmem>>[vector<16xi32>, vector<16xi32>], vector<16xi32>,
      %gather3A_358 = tpu.vector_load_idx %arg8[%iota3A, %broadcast_in_dim3A_356] : memref<16x64xf32, #tpu.memory_space<vmem>>[vector<16xi32>, vector<16xi32>], vector<16xf32>,
      %gather3A_359 = tpu.vector_load_idx %arg6[%gather3A_357] : memref<100000xf32, #tpu.memory_space<vmem>>[vector<16xi32>], vector<16xf32>,
      %sub3A_360 = vector.broadcast %mul3A_19 : f32 to vector<16xf32>
      %sub3A_361 = arith.subf %gather3A_359, %sub3A_360 : vector<16xf32>
      %mul3A_362 = arith.mulf %gather3A_358, %sub3A_361 : vector<16xf32>
      %add3A_363 = arith.addf %add3A_352, %mul3A_362 : vector<16xf32>
      %mul3A_364 = arith.mulf %mul3A_362, %sub3A_361 : vector<16xf32>
      %add3A_365 = arith.addf %add3A_354, %mul3A_364 : vector<16xf32>
      %broadcast_in_dim3A_366 = arith.constant 30 : i32
      %broadcast_in_dim3A_367 = vector.broadcast %broadcast_in_dim3A_366 : i32 to vector<16xi32>
      %gather3A_368 = tpu.vector_load_idx %arg7[%iota3A, %broadcast_in_dim3A_367] : memref<16x64xi32, #tpu.memory_space<vmem>>[vector<16xi32>, vector<16xi32>], vector<16xi32>,
      %gather3A_369 = tpu.vector_load_idx %arg8[%iota3A, %broadcast_in_dim3A_367] : memref<16x64xf32, #tpu.memory_space<vmem>>[vector<16xi32>, vector<16xi32>], vector<16xf32>,
      %gather3A_370 = tpu.vector_load_idx %arg6[%gather3A_368] : memref<100000xf32, #tpu.memory_space<vmem>>[vector<16xi32>], vector<16xf32>,
      %sub3A_371 = vector.broadcast %mul3A_19 : f32 to vector<16xf32>
      %sub3A_372 = arith.subf %gather3A_370, %sub3A_371 : vector<16xf32>
      %mul3A_373 = arith.mulf %gather3A_369, %sub3A_372 : vector<16xf32>
      %add3A_374 = arith.addf %add3A_363, %mul3A_373 : vector<16xf32>
      %mul3A_375 = arith.mulf %mul3A_373, %sub3A_372 : vector<16xf32>
      %add3A_376 = arith.addf %add3A_365, %mul3A_375 : vector<16xf32>
      %broadcast_in_dim3A_377 = arith.constant 31 : i32
      %broadcast_in_dim3A_378 = vector.broadcast %broadcast_in_dim3A_377 : i32 to vector<16xi32>
      %gather3A_379 = tpu.vector_load_idx %arg7[%iota3A, %broadcast_in_dim3A_378] : memref<16x64xi32, #tpu.memory_space<vmem>>[vector<16xi32>, vector<16xi32>], vector<16xi32>,
      %gather3A_380 = tpu.vector_load_idx %arg8[%iota3A, %broadcast_in_dim3A_378] : memref<16x64xf32, #tpu.memory_space<vmem>>[vector<16xi32>, vector<16xi32>], vector<16xf32>,
      %gather3A_381 = tpu.vector_load_idx %arg6[%gather3A_379] : memref<100000xf32, #tpu.memory_space<vmem>>[vector<16xi32>], vector<16xf32>,
      %sub3A_382 = vector.broadcast %mul3A_19 : f32 to vector<16xf32>
      %sub3A_383 = arith.subf %gather3A_381, %sub3A_382 : vector<16xf32>
      %mul3A_384 = arith.mulf %gather3A_380, %sub3A_383 : vector<16xf32>
      %add3A_385 = arith.addf %add3A_374, %mul3A_384 : vector<16xf32>
      %mul3A_386 = arith.mulf %mul3A_384, %sub3A_383 : vector<16xf32>
      %add3A_387 = arith.addf %add3A_376, %mul3A_386 : vector<16xf32>
      %broadcast_in_dim3A_388 = arith.constant 32 : i32
      %broadcast_in_dim3A_389 = vector.broadcast %broadcast_in_dim3A_388 : i32 to vector<16xi32>
      %gather3A_390 = tpu.vector_load_idx %arg7[%iota3A, %broadcast_in_dim3A_389] : memref<16x64xi32, #tpu.memory_space<vmem>>[vector<16xi32>, vector<16xi32>], vector<16xi32>,
      %gather3A_391 = tpu.vector_load_idx %arg8[%iota3A, %broadcast_in_dim3A_389] : memref<16x64xf32, #tpu.memory_space<vmem>>[vector<16xi32>, vector<16xi32>], vector<16xf32>,
      %gather3A_392 = tpu.vector_load_idx %arg6[%gather3A_390] : memref<100000xf32, #tpu.memory_space<vmem>>[vector<16xi32>], vector<16xf32>,
      %sub3A_393 = vector.broadcast %mul3A_19 : f32 to vector<16xf32>
      %sub3A_394 = arith.subf %gather3A_392, %sub3A_393 : vector<16xf32>
      %mul3A_395 = arith.mulf %gather3A_391, %sub3A_394 : vector<16xf32>
      %add3A_396 = arith.addf %add3A_385, %mul3A_395 : vector<16xf32>
      %mul3A_397 = arith.mulf %mul3A_395, %sub3A_394 : vector<16xf32>
      %add3A_398 = arith.addf %add3A_387, %mul3A_397 : vector<16xf32>
      %broadcast_in_dim3A_399 = arith.constant 33 : i32
      %broadcast_in_dim3A_400 = vector.broadcast %broadcast_in_dim3A_399 : i32 to vector<16xi32>
      %gather3A_401 = tpu.vector_load_idx %arg7[%iota3A, %broadcast_in_dim3A_400] : memref<16x64xi32, #tpu.memory_space<vmem>>[vector<16xi32>, vector<16xi32>], vector<16xi32>,
      %gather3A_402 = tpu.vector_load_idx %arg8[%iota3A, %broadcast_in_dim3A_400] : memref<16x64xf32, #tpu.memory_space<vmem>>[vector<16xi32>, vector<16xi32>], vector<16xf32>,
      %gather3A_403 = tpu.vector_load_idx %arg6[%gather3A_401] : memref<100000xf32, #tpu.memory_space<vmem>>[vector<16xi32>], vector<16xf32>,
      %sub3A_404 = vector.broadcast %mul3A_19 : f32 to vector<16xf32>
      %sub3A_405 = arith.subf %gather3A_403, %sub3A_404 : vector<16xf32>
      %mul3A_406 = arith.mulf %gather3A_402, %sub3A_405 : vector<16xf32>
      %add3A_407 = arith.addf %add3A_396, %mul3A_406 : vector<16xf32>
      %mul3A_408 = arith.mulf %mul3A_406, %sub3A_405 : vector<16xf32>
      %add3A_409 = arith.addf %add3A_398, %mul3A_408 : vector<16xf32>
      %broadcast_in_dim3A_410 = arith.constant 34 : i32
      %broadcast_in_dim3A_411 = vector.broadcast %broadcast_in_dim3A_410 : i32 to vector<16xi32>
      %gather3A_412 = tpu.vector_load_idx %arg7[%iota3A, %broadcast_in_dim3A_411] : memref<16x64xi32, #tpu.memory_space<vmem>>[vector<16xi32>, vector<16xi32>], vector<16xi32>,
      %gather3A_413 = tpu.vector_load_idx %arg8[%iota3A, %broadcast_in_dim3A_411] : memref<16x64xf32, #tpu.memory_space<vmem>>[vector<16xi32>, vector<16xi32>], vector<16xf32>,
      %gather3A_414 = tpu.vector_load_idx %arg6[%gather3A_412] : memref<100000xf32, #tpu.memory_space<vmem>>[vector<16xi32>], vector<16xf32>,
      %sub3A_415 = vector.broadcast %mul3A_19 : f32 to vector<16xf32>
      %sub3A_416 = arith.subf %gather3A_414, %sub3A_415 : vector<16xf32>
      %mul3A_417 = arith.mulf %gather3A_413, %sub3A_416 : vector<16xf32>
      %add3A_418 = arith.addf %add3A_407, %mul3A_417 : vector<16xf32>
      %mul3A_419 = arith.mulf %mul3A_417, %sub3A_416 : vector<16xf32>
      %add3A_420 = arith.addf %add3A_409, %mul3A_419 : vector<16xf32>
      %broadcast_in_dim3A_421 = arith.constant 35 : i32
      %broadcast_in_dim3A_422 = vector.broadcast %broadcast_in_dim3A_421 : i32 to vector<16xi32>
      %gather3A_423 = tpu.vector_load_idx %arg7[%iota3A, %broadcast_in_dim3A_422] : memref<16x64xi32, #tpu.memory_space<vmem>>[vector<16xi32>, vector<16xi32>], vector<16xi32>,
      %gather3A_424 = tpu.vector_load_idx %arg8[%iota3A, %broadcast_in_dim3A_422] : memref<16x64xf32, #tpu.memory_space<vmem>>[vector<16xi32>, vector<16xi32>], vector<16xf32>,
      %gather3A_425 = tpu.vector_load_idx %arg6[%gather3A_423] : memref<100000xf32, #tpu.memory_space<vmem>>[vector<16xi32>], vector<16xf32>,
      %sub3A_426 = vector.broadcast %mul3A_19 : f32 to vector<16xf32>
      %sub3A_427 = arith.subf %gather3A_425, %sub3A_426 : vector<16xf32>
      %mul3A_428 = arith.mulf %gather3A_424, %sub3A_427 : vector<16xf32>
      %add3A_429 = arith.addf %add3A_418, %mul3A_428 : vector<16xf32>
      %mul3A_430 = arith.mulf %mul3A_428, %sub3A_427 : vector<16xf32>
      %add3A_431 = arith.addf %add3A_420, %mul3A_430 : vector<16xf32>
      %broadcast_in_dim3A_432 = arith.constant 36 : i32
      %broadcast_in_dim3A_433 = vector.broadcast %broadcast_in_dim3A_432 : i32 to vector<16xi32>
      %gather3A_434 = tpu.vector_load_idx %arg7[%iota3A, %broadcast_in_dim3A_433] : memref<16x64xi32, #tpu.memory_space<vmem>>[vector<16xi32>, vector<16xi32>], vector<16xi32>,
      %gather3A_435 = tpu.vector_load_idx %arg8[%iota3A, %broadcast_in_dim3A_433] : memref<16x64xf32, #tpu.memory_space<vmem>>[vector<16xi32>, vector<16xi32>], vector<16xf32>,
      %gather3A_436 = tpu.vector_load_idx %arg6[%gather3A_434] : memref<100000xf32, #tpu.memory_space<vmem>>[vector<16xi32>], vector<16xf32>,
      %sub3A_437 = vector.broadcast %mul3A_19 : f32 to vector<16xf32>
      %sub3A_438 = arith.subf %gather3A_436, %sub3A_437 : vector<16xf32>
      %mul3A_439 = arith.mulf %gather3A_435, %sub3A_438 : vector<16xf32>
      %add3A_440 = arith.addf %add3A_429, %mul3A_439 : vector<16xf32>
      %mul3A_441 = arith.mulf %mul3A_439, %sub3A_438 : vector<16xf32>
      %add3A_442 = arith.addf %add3A_431, %mul3A_441 : vector<16xf32>
      %broadcast_in_dim3A_443 = arith.constant 37 : i32
      %broadcast_in_dim3A_444 = vector.broadcast %broadcast_in_dim3A_443 : i32 to vector<16xi32>
      %gather3A_445 = tpu.vector_load_idx %arg7[%iota3A, %broadcast_in_dim3A_444] : memref<16x64xi32, #tpu.memory_space<vmem>>[vector<16xi32>, vector<16xi32>], vector<16xi32>,
      %gather3A_446 = tpu.vector_load_idx %arg8[%iota3A, %broadcast_in_dim3A_444] : memref<16x64xf32, #tpu.memory_space<vmem>>[vector<16xi32>, vector<16xi32>], vector<16xf32>,
      %gather3A_447 = tpu.vector_load_idx %arg6[%gather3A_445] : memref<100000xf32, #tpu.memory_space<vmem>>[vector<16xi32>], vector<16xf32>,
      %sub3A_448 = vector.broadcast %mul3A_19 : f32 to vector<16xf32>
      %sub3A_449 = arith.subf %gather3A_447, %sub3A_448 : vector<16xf32>
      %mul3A_450 = arith.mulf %gather3A_446, %sub3A_449 : vector<16xf32>
      %add3A_451 = arith.addf %add3A_440, %mul3A_450 : vector<16xf32>
      %mul3A_452 = arith.mulf %mul3A_450, %sub3A_449 : vector<16xf32>
      %add3A_453 = arith.addf %add3A_442, %mul3A_452 : vector<16xf32>
      %broadcast_in_dim3A_454 = arith.constant 38 : i32
      %broadcast_in_dim3A_455 = vector.broadcast %broadcast_in_dim3A_454 : i32 to vector<16xi32>
      %gather3A_456 = tpu.vector_load_idx %arg7[%iota3A, %broadcast_in_dim3A_455] : memref<16x64xi32, #tpu.memory_space<vmem>>[vector<16xi32>, vector<16xi32>], vector<16xi32>,
      %gather3A_457 = tpu.vector_load_idx %arg8[%iota3A, %broadcast_in_dim3A_455] : memref<16x64xf32, #tpu.memory_space<vmem>>[vector<16xi32>, vector<16xi32>], vector<16xf32>,
      %gather3A_458 = tpu.vector_load_idx %arg6[%gather3A_456] : memref<100000xf32, #tpu.memory_space<vmem>>[vector<16xi32>], vector<16xf32>,
      %sub3A_459 = vector.broadcast %mul3A_19 : f32 to vector<16xf32>
      %sub3A_460 = arith.subf %gather3A_458, %sub3A_459 : vector<16xf32>
      %mul3A_461 = arith.mulf %gather3A_457, %sub3A_460 : vector<16xf32>
      %add3A_462 = arith.addf %add3A_451, %mul3A_461 : vector<16xf32>
      %mul3A_463 = arith.mulf %mul3A_461, %sub3A_460 : vector<16xf32>
      %add3A_464 = arith.addf %add3A_453, %mul3A_463 : vector<16xf32>
      %broadcast_in_dim3A_465 = arith.constant 39 : i32
      %broadcast_in_dim3A_466 = vector.broadcast %broadcast_in_dim3A_465 : i32 to vector<16xi32>
      %gather3A_467 = tpu.vector_load_idx %arg7[%iota3A, %broadcast_in_dim3A_466] : memref<16x64xi32, #tpu.memory_space<vmem>>[vector<16xi32>, vector<16xi32>], vector<16xi32>,
      %gather3A_468 = tpu.vector_load_idx %arg8[%iota3A, %broadcast_in_dim3A_466] : memref<16x64xf32, #tpu.memory_space<vmem>>[vector<16xi32>, vector<16xi32>], vector<16xf32>,
      %gather3A_469 = tpu.vector_load_idx %arg6[%gather3A_467] : memref<100000xf32, #tpu.memory_space<vmem>>[vector<16xi32>], vector<16xf32>,
      %sub3A_470 = vector.broadcast %mul3A_19 : f32 to vector<16xf32>
      %sub3A_471 = arith.subf %gather3A_469, %sub3A_470 : vector<16xf32>
      %mul3A_472 = arith.mulf %gather3A_468, %sub3A_471 : vector<16xf32>
      %add3A_473 = arith.addf %add3A_462, %mul3A_472 : vector<16xf32>
      %mul3A_474 = arith.mulf %mul3A_472, %sub3A_471 : vector<16xf32>
      %add3A_475 = arith.addf %add3A_464, %mul3A_474 : vector<16xf32>
      %broadcast_in_dim3A_476 = arith.constant 40 : i32
      %broadcast_in_dim3A_477 = vector.broadcast %broadcast_in_dim3A_476 : i32 to vector<16xi32>
      %gather3A_478 = tpu.vector_load_idx %arg7[%iota3A, %broadcast_in_dim3A_477] : memref<16x64xi32, #tpu.memory_space<vmem>>[vector<16xi32>, vector<16xi32>], vector<16xi32>,
      %gather3A_479 = tpu.vector_load_idx %arg8[%iota3A, %broadcast_in_dim3A_477] : memref<16x64xf32, #tpu.memory_space<vmem>>[vector<16xi32>, vector<16xi32>], vector<16xf32>,
      %gather3A_480 = tpu.vector_load_idx %arg6[%gather3A_478] : memref<100000xf32, #tpu.memory_space<vmem>>[vector<16xi32>], vector<16xf32>,
      %sub3A_481 = vector.broadcast %mul3A_19 : f32 to vector<16xf32>
      %sub3A_482 = arith.subf %gather3A_480, %sub3A_481 : vector<16xf32>
      %mul3A_483 = arith.mulf %gather3A_479, %sub3A_482 : vector<16xf32>
      %add3A_484 = arith.addf %add3A_473, %mul3A_483 : vector<16xf32>
      %mul3A_485 = arith.mulf %mul3A_483, %sub3A_482 : vector<16xf32>
      %add3A_486 = arith.addf %add3A_475, %mul3A_485 : vector<16xf32>
      %broadcast_in_dim3A_487 = arith.constant 41 : i32
      %broadcast_in_dim3A_488 = vector.broadcast %broadcast_in_dim3A_487 : i32 to vector<16xi32>
      %gather3A_489 = tpu.vector_load_idx %arg7[%iota3A, %broadcast_in_dim3A_488] : memref<16x64xi32, #tpu.memory_space<vmem>>[vector<16xi32>, vector<16xi32>], vector<16xi32>,
      %gather3A_490 = tpu.vector_load_idx %arg8[%iota3A, %broadcast_in_dim3A_488] : memref<16x64xf32, #tpu.memory_space<vmem>>[vector<16xi32>, vector<16xi32>], vector<16xf32>,
      %gather3A_491 = tpu.vector_load_idx %arg6[%gather3A_489] : memref<100000xf32, #tpu.memory_space<vmem>>[vector<16xi32>], vector<16xf32>,
      %sub3A_492 = vector.broadcast %mul3A_19 : f32 to vector<16xf32>
      %sub3A_493 = arith.subf %gather3A_491, %sub3A_492 : vector<16xf32>
      %mul3A_494 = arith.mulf %gather3A_490, %sub3A_493 : vector<16xf32>
      %add3A_495 = arith.addf %add3A_484, %mul3A_494 : vector<16xf32>
      %mul3A_496 = arith.mulf %mul3A_494, %sub3A_493 : vector<16xf32>
      %add3A_497 = arith.addf %add3A_486, %mul3A_496 : vector<16xf32>
      %broadcast_in_dim3A_498 = arith.constant 42 : i32
      %broadcast_in_dim3A_499 = vector.broadcast %broadcast_in_dim3A_498 : i32 to vector<16xi32>
      %gather3A_500 = tpu.vector_load_idx %arg7[%iota3A, %broadcast_in_dim3A_499] : memref<16x64xi32, #tpu.memory_space<vmem>>[vector<16xi32>, vector<16xi32>], vector<16xi32>,
      %gather3A_501 = tpu.vector_load_idx %arg8[%iota3A, %broadcast_in_dim3A_499] : memref<16x64xf32, #tpu.memory_space<vmem>>[vector<16xi32>, vector<16xi32>], vector<16xf32>,
      %gather3A_502 = tpu.vector_load_idx %arg6[%gather3A_500] : memref<100000xf32, #tpu.memory_space<vmem>>[vector<16xi32>], vector<16xf32>,
      %sub3A_503 = vector.broadcast %mul3A_19 : f32 to vector<16xf32>
      %sub3A_504 = arith.subf %gather3A_502, %sub3A_503 : vector<16xf32>
      %mul3A_505 = arith.mulf %gather3A_501, %sub3A_504 : vector<16xf32>
      %add3A_506 = arith.addf %add3A_495, %mul3A_505 : vector<16xf32>
      %mul3A_507 = arith.mulf %mul3A_505, %sub3A_504 : vector<16xf32>
      %add3A_508 = arith.addf %add3A_497, %mul3A_507 : vector<16xf32>
      %broadcast_in_dim3A_509 = arith.constant 43 : i32
      %broadcast_in_dim3A_510 = vector.broadcast %broadcast_in_dim3A_509 : i32 to vector<16xi32>
      %gather3A_511 = tpu.vector_load_idx %arg7[%iota3A, %broadcast_in_dim3A_510] : memref<16x64xi32, #tpu.memory_space<vmem>>[vector<16xi32>, vector<16xi32>], vector<16xi32>,
      %gather3A_512 = tpu.vector_load_idx %arg8[%iota3A, %broadcast_in_dim3A_510] : memref<16x64xf32, #tpu.memory_space<vmem>>[vector<16xi32>, vector<16xi32>], vector<16xf32>,
      %gather3A_513 = tpu.vector_load_idx %arg6[%gather3A_511] : memref<100000xf32, #tpu.memory_space<vmem>>[vector<16xi32>], vector<16xf32>,
      %sub3A_514 = vector.broadcast %mul3A_19 : f32 to vector<16xf32>
      %sub3A_515 = arith.subf %gather3A_513, %sub3A_514 : vector<16xf32>
      %mul3A_516 = arith.mulf %gather3A_512, %sub3A_515 : vector<16xf32>
      %add3A_517 = arith.addf %add3A_506, %mul3A_516 : vector<16xf32>
      %mul3A_518 = arith.mulf %mul3A_516, %sub3A_515 : vector<16xf32>
      %add3A_519 = arith.addf %add3A_508, %mul3A_518 : vector<16xf32>
      %broadcast_in_dim3A_520 = arith.constant 44 : i32
      %broadcast_in_dim3A_521 = vector.broadcast %broadcast_in_dim3A_520 : i32 to vector<16xi32>
      %gather3A_522 = tpu.vector_load_idx %arg7[%iota3A, %broadcast_in_dim3A_521] : memref<16x64xi32, #tpu.memory_space<vmem>>[vector<16xi32>, vector<16xi32>], vector<16xi32>,
      %gather3A_523 = tpu.vector_load_idx %arg8[%iota3A, %broadcast_in_dim3A_521] : memref<16x64xf32, #tpu.memory_space<vmem>>[vector<16xi32>, vector<16xi32>], vector<16xf32>,
      %gather3A_524 = tpu.vector_load_idx %arg6[%gather3A_522] : memref<100000xf32, #tpu.memory_space<vmem>>[vector<16xi32>], vector<16xf32>,
      %sub3A_525 = vector.broadcast %mul3A_19 : f32 to vector<16xf32>
      %sub3A_526 = arith.subf %gather3A_524, %sub3A_525 : vector<16xf32>
      %mul3A_527 = arith.mulf %gather3A_523, %sub3A_526 : vector<16xf32>
      %add3A_528 = arith.addf %add3A_517, %mul3A_527 : vector<16xf32>
      %mul3A_529 = arith.mulf %mul3A_527, %sub3A_526 : vector<16xf32>
      %add3A_530 = arith.addf %add3A_519, %mul3A_529 : vector<16xf32>
      %broadcast_in_dim3A_531 = arith.constant 45 : i32
      %broadcast_in_dim3A_532 = vector.broadcast %broadcast_in_dim3A_531 : i32 to vector<16xi32>
      %gather3A_533 = tpu.vector_load_idx %arg7[%iota3A, %broadcast_in_dim3A_532] : memref<16x64xi32, #tpu.memory_space<vmem>>[vector<16xi32>, vector<16xi32>], vector<16xi32>,
      %gather3A_534 = tpu.vector_load_idx %arg8[%iota3A, %broadcast_in_dim3A_532] : memref<16x64xf32, #tpu.memory_space<vmem>>[vector<16xi32>, vector<16xi32>], vector<16xf32>,
      %gather3A_535 = tpu.vector_load_idx %arg6[%gather3A_533] : memref<100000xf32, #tpu.memory_space<vmem>>[vector<16xi32>], vector<16xf32>,
      %sub3A_536 = vector.broadcast %mul3A_19 : f32 to vector<16xf32>
      %sub3A_537 = arith.subf %gather3A_535, %sub3A_536 : vector<16xf32>
      %mul3A_538 = arith.mulf %gather3A_534, %sub3A_537 : vector<16xf32>
      %add3A_539 = arith.addf %add3A_528, %mul3A_538 : vector<16xf32>
      %mul3A_540 = arith.mulf %mul3A_538, %sub3A_537 : vector<16xf32>
      %add3A_541 = arith.addf %add3A_530, %mul3A_540 : vector<16xf32>
      %broadcast_in_dim3A_542 = arith.constant 46 : i32
      %broadcast_in_dim3A_543 = vector.broadcast %broadcast_in_dim3A_542 : i32 to vector<16xi32>
      %gather3A_544 = tpu.vector_load_idx %arg7[%iota3A, %broadcast_in_dim3A_543] : memref<16x64xi32, #tpu.memory_space<vmem>>[vector<16xi32>, vector<16xi32>], vector<16xi32>,
      %gather3A_545 = tpu.vector_load_idx %arg8[%iota3A, %broadcast_in_dim3A_543] : memref<16x64xf32, #tpu.memory_space<vmem>>[vector<16xi32>, vector<16xi32>], vector<16xf32>,
      %gather3A_546 = tpu.vector_load_idx %arg6[%gather3A_544] : memref<100000xf32, #tpu.memory_space<vmem>>[vector<16xi32>], vector<16xf32>,
      %sub3A_547 = vector.broadcast %mul3A_19 : f32 to vector<16xf32>
      %sub3A_548 = arith.subf %gather3A_546, %sub3A_547 : vector<16xf32>
      %mul3A_549 = arith.mulf %gather3A_545, %sub3A_548 : vector<16xf32>
      %add3A_550 = arith.addf %add3A_539, %mul3A_549 : vector<16xf32>
      %mul3A_551 = arith.mulf %mul3A_549, %sub3A_548 : vector<16xf32>
      %add3A_552 = arith.addf %add3A_541, %mul3A_551 : vector<16xf32>
      %broadcast_in_dim3A_553 = arith.constant 47 : i32
      %broadcast_in_dim3A_554 = vector.broadcast %broadcast_in_dim3A_553 : i32 to vector<16xi32>
      %gather3A_555 = tpu.vector_load_idx %arg7[%iota3A, %broadcast_in_dim3A_554] : memref<16x64xi32, #tpu.memory_space<vmem>>[vector<16xi32>, vector<16xi32>], vector<16xi32>,
      %gather3A_556 = tpu.vector_load_idx %arg8[%iota3A, %broadcast_in_dim3A_554] : memref<16x64xf32, #tpu.memory_space<vmem>>[vector<16xi32>, vector<16xi32>], vector<16xf32>,
      %gather3A_557 = tpu.vector_load_idx %arg6[%gather3A_555] : memref<100000xf32, #tpu.memory_space<vmem>>[vector<16xi32>], vector<16xf32>,
      %sub3A_558 = vector.broadcast %mul3A_19 : f32 to vector<16xf32>
      %sub3A_559 = arith.subf %gather3A_557, %sub3A_558 : vector<16xf32>
      %mul3A_560 = arith.mulf %gather3A_556, %sub3A_559 : vector<16xf32>
      %add3A_561 = arith.addf %add3A_550, %mul3A_560 : vector<16xf32>
      %mul3A_562 = arith.mulf %mul3A_560, %sub3A_559 : vector<16xf32>
      %add3A_563 = arith.addf %add3A_552, %mul3A_562 : vector<16xf32>
      %broadcast_in_dim3A_564 = arith.constant 48 : i32
      %broadcast_in_dim3A_565 = vector.broadcast %broadcast_in_dim3A_564 : i32 to vector<16xi32>
      %gather3A_566 = tpu.vector_load_idx %arg7[%iota3A, %broadcast_in_dim3A_565] : memref<16x64xi32, #tpu.memory_space<vmem>>[vector<16xi32>, vector<16xi32>], vector<16xi32>,
      %gather3A_567 = tpu.vector_load_idx %arg8[%iota3A, %broadcast_in_dim3A_565] : memref<16x64xf32, #tpu.memory_space<vmem>>[vector<16xi32>, vector<16xi32>], vector<16xf32>,
      %gather3A_568 = tpu.vector_load_idx %arg6[%gather3A_566] : memref<100000xf32, #tpu.memory_space<vmem>>[vector<16xi32>], vector<16xf32>,
      %sub3A_569 = vector.broadcast %mul3A_19 : f32 to vector<16xf32>
      %sub3A_570 = arith.subf %gather3A_568, %sub3A_569 : vector<16xf32>
      %mul3A_571 = arith.mulf %gather3A_567, %sub3A_570 : vector<16xf32>
      %add3A_572 = arith.addf %add3A_561, %mul3A_571 : vector<16xf32>
      %mul3A_573 = arith.mulf %mul3A_571, %sub3A_570 : vector<16xf32>
      %add3A_574 = arith.addf %add3A_563, %mul3A_573 : vector<16xf32>
      %broadcast_in_dim3A_575 = arith.constant 49 : i32
      %broadcast_in_dim3A_576 = vector.broadcast %broadcast_in_dim3A_575 : i32 to vector<16xi32>
      %gather3A_577 = tpu.vector_load_idx %arg7[%iota3A, %broadcast_in_dim3A_576] : memref<16x64xi32, #tpu.memory_space<vmem>>[vector<16xi32>, vector<16xi32>], vector<16xi32>,
      %gather3A_578 = tpu.vector_load_idx %arg8[%iota3A, %broadcast_in_dim3A_576] : memref<16x64xf32, #tpu.memory_space<vmem>>[vector<16xi32>, vector<16xi32>], vector<16xf32>,
      %gather3A_579 = tpu.vector_load_idx %arg6[%gather3A_577] : memref<100000xf32, #tpu.memory_space<vmem>>[vector<16xi32>], vector<16xf32>,
      %sub3A_580 = vector.broadcast %mul3A_19 : f32 to vector<16xf32>
      %sub3A_581 = arith.subf %gather3A_579, %sub3A_580 : vector<16xf32>
      %mul3A_582 = arith.mulf %gather3A_578, %sub3A_581 : vector<16xf32>
      %add3A_583 = arith.addf %add3A_572, %mul3A_582 : vector<16xf32>
      %mul3A_584 = arith.mulf %mul3A_582, %sub3A_581 : vector<16xf32>
      %add3A_585 = arith.addf %add3A_574, %mul3A_584 : vector<16xf32>
      %broadcast_in_dim3A_586 = arith.constant 50 : i32
      %broadcast_in_dim3A_587 = vector.broadcast %broadcast_in_dim3A_586 : i32 to vector<16xi32>
      %gather3A_588 = tpu.vector_load_idx %arg7[%iota3A, %broadcast_in_dim3A_587] : memref<16x64xi32, #tpu.memory_space<vmem>>[vector<16xi32>, vector<16xi32>], vector<16xi32>,
      %gather3A_589 = tpu.vector_load_idx %arg8[%iota3A, %broadcast_in_dim3A_587] : memref<16x64xf32, #tpu.memory_space<vmem>>[vector<16xi32>, vector<16xi32>], vector<16xf32>,
      %gather3A_590 = tpu.vector_load_idx %arg6[%gather3A_588] : memref<100000xf32, #tpu.memory_space<vmem>>[vector<16xi32>], vector<16xf32>,
      %sub3A_591 = vector.broadcast %mul3A_19 : f32 to vector<16xf32>
      %sub3A_592 = arith.subf %gather3A_590, %sub3A_591 : vector<16xf32>
      %mul3A_593 = arith.mulf %gather3A_589, %sub3A_592 : vector<16xf32>
      %add3A_594 = arith.addf %add3A_583, %mul3A_593 : vector<16xf32>
      %mul3A_595 = arith.mulf %mul3A_593, %sub3A_592 : vector<16xf32>
      %add3A_596 = arith.addf %add3A_585, %mul3A_595 : vector<16xf32>
      %broadcast_in_dim3A_597 = arith.constant 51 : i32
      %broadcast_in_dim3A_598 = vector.broadcast %broadcast_in_dim3A_597 : i32 to vector<16xi32>
      %gather3A_599 = tpu.vector_load_idx %arg7[%iota3A, %broadcast_in_dim3A_598] : memref<16x64xi32, #tpu.memory_space<vmem>>[vector<16xi32>, vector<16xi32>], vector<16xi32>,
      %gather3A_600 = tpu.vector_load_idx %arg8[%iota3A, %broadcast_in_dim3A_598] : memref<16x64xf32, #tpu.memory_space<vmem>>[vector<16xi32>, vector<16xi32>], vector<16xf32>,
      %gather3A_601 = tpu.vector_load_idx %arg6[%gather3A_599] : memref<100000xf32, #tpu.memory_space<vmem>>[vector<16xi32>], vector<16xf32>,
      %sub3A_602 = vector.broadcast %mul3A_19 : f32 to vector<16xf32>
      %sub3A_603 = arith.subf %gather3A_601, %sub3A_602 : vector<16xf32>
      %mul3A_604 = arith.mulf %gather3A_600, %sub3A_603 : vector<16xf32>
      %add3A_605 = arith.addf %add3A_594, %mul3A_604 : vector<16xf32>
      %mul3A_606 = arith.mulf %mul3A_604, %sub3A_603 : vector<16xf32>
      %add3A_607 = arith.addf %add3A_596, %mul3A_606 : vector<16xf32>
      %broadcast_in_dim3A_608 = arith.constant 52 : i32
      %broadcast_in_dim3A_609 = vector.broadcast %broadcast_in_dim3A_608 : i32 to vector<16xi32>
      %gather3A_610 = tpu.vector_load_idx %arg7[%iota3A, %broadcast_in_dim3A_609] : memref<16x64xi32, #tpu.memory_space<vmem>>[vector<16xi32>, vector<16xi32>], vector<16xi32>,
      %gather3A_611 = tpu.vector_load_idx %arg8[%iota3A, %broadcast_in_dim3A_609] : memref<16x64xf32, #tpu.memory_space<vmem>>[vector<16xi32>, vector<16xi32>], vector<16xf32>,
      %gather3A_612 = tpu.vector_load_idx %arg6[%gather3A_610] : memref<100000xf32, #tpu.memory_space<vmem>>[vector<16xi32>], vector<16xf32>,
      %sub3A_613 = vector.broadcast %mul3A_19 : f32 to vector<16xf32>
      %sub3A_614 = arith.subf %gather3A_612, %sub3A_613 : vector<16xf32>
      %mul3A_615 = arith.mulf %gather3A_611, %sub3A_614 : vector<16xf32>
      %add3A_616 = arith.addf %add3A_605, %mul3A_615 : vector<16xf32>
      %mul3A_617 = arith.mulf %mul3A_615, %sub3A_614 : vector<16xf32>
      %add3A_618 = arith.addf %add3A_607, %mul3A_617 : vector<16xf32>
      %broadcast_in_dim3A_619 = arith.constant 53 : i32
      %broadcast_in_dim3A_620 = vector.broadcast %broadcast_in_dim3A_619 : i32 to vector<16xi32>
      %gather3A_621 = tpu.vector_load_idx %arg7[%iota3A, %broadcast_in_dim3A_620] : memref<16x64xi32, #tpu.memory_space<vmem>>[vector<16xi32>, vector<16xi32>], vector<16xi32>,
      %gather3A_622 = tpu.vector_load_idx %arg8[%iota3A, %broadcast_in_dim3A_620] : memref<16x64xf32, #tpu.memory_space<vmem>>[vector<16xi32>, vector<16xi32>], vector<16xf32>,
      %gather3A_623 = tpu.vector_load_idx %arg6[%gather3A_621] : memref<100000xf32, #tpu.memory_space<vmem>>[vector<16xi32>], vector<16xf32>,
      %sub3A_624 = vector.broadcast %mul3A_19 : f32 to vector<16xf32>
      %sub3A_625 = arith.subf %gather3A_623, %sub3A_624 : vector<16xf32>
      %mul3A_626 = arith.mulf %gather3A_622, %sub3A_625 : vector<16xf32>
      %add3A_627 = arith.addf %add3A_616, %mul3A_626 : vector<16xf32>
      %mul3A_628 = arith.mulf %mul3A_626, %sub3A_625 : vector<16xf32>
      %add3A_629 = arith.addf %add3A_618, %mul3A_628 : vector<16xf32>
      %broadcast_in_dim3A_630 = arith.constant 54 : i32
      %broadcast_in_dim3A_631 = vector.broadcast %broadcast_in_dim3A_630 : i32 to vector<16xi32>
      %gather3A_632 = tpu.vector_load_idx %arg7[%iota3A, %broadcast_in_dim3A_631] : memref<16x64xi32, #tpu.memory_space<vmem>>[vector<16xi32>, vector<16xi32>], vector<16xi32>,
      %gather3A_633 = tpu.vector_load_idx %arg8[%iota3A, %broadcast_in_dim3A_631] : memref<16x64xf32, #tpu.memory_space<vmem>>[vector<16xi32>, vector<16xi32>], vector<16xf32>,
      %gather3A_634 = tpu.vector_load_idx %arg6[%gather3A_632] : memref<100000xf32, #tpu.memory_space<vmem>>[vector<16xi32>], vector<16xf32>,
      %sub3A_635 = vector.broadcast %mul3A_19 : f32 to vector<16xf32>
      %sub3A_636 = arith.subf %gather3A_634, %sub3A_635 : vector<16xf32>
      %mul3A_637 = arith.mulf %gather3A_633, %sub3A_636 : vector<16xf32>
      %add3A_638 = arith.addf %add3A_627, %mul3A_637 : vector<16xf32>
      %mul3A_639 = arith.mulf %mul3A_637, %sub3A_636 : vector<16xf32>
      %add3A_640 = arith.addf %add3A_629, %mul3A_639 : vector<16xf32>
      %broadcast_in_dim3A_641 = arith.constant 55 : i32
      %broadcast_in_dim3A_642 = vector.broadcast %broadcast_in_dim3A_641 : i32 to vector<16xi32>
      %gather3A_643 = tpu.vector_load_idx %arg7[%iota3A, %broadcast_in_dim3A_642] : memref<16x64xi32, #tpu.memory_space<vmem>>[vector<16xi32>, vector<16xi32>], vector<16xi32>,
      %gather3A_644 = tpu.vector_load_idx %arg8[%iota3A, %broadcast_in_dim3A_642] : memref<16x64xf32, #tpu.memory_space<vmem>>[vector<16xi32>, vector<16xi32>], vector<16xf32>,
      %gather3A_645 = tpu.vector_load_idx %arg6[%gather3A_643] : memref<100000xf32, #tpu.memory_space<vmem>>[vector<16xi32>], vector<16xf32>,
      %sub3A_646 = vector.broadcast %mul3A_19 : f32 to vector<16xf32>
      %sub3A_647 = arith.subf %gather3A_645, %sub3A_646 : vector<16xf32>
      %mul3A_648 = arith.mulf %gather3A_644, %sub3A_647 : vector<16xf32>
      %add3A_649 = arith.addf %add3A_638, %mul3A_648 : vector<16xf32>
      %mul3A_650 = arith.mulf %mul3A_648, %sub3A_647 : vector<16xf32>
      %add3A_651 = arith.addf %add3A_640, %mul3A_650 : vector<16xf32>
      %broadcast_in_dim3A_652 = arith.constant 56 : i32
      %broadcast_in_dim3A_653 = vector.broadcast %broadcast_in_dim3A_652 : i32 to vector<16xi32>
      %gather3A_654 = tpu.vector_load_idx %arg7[%iota3A, %broadcast_in_dim3A_653] : memref<16x64xi32, #tpu.memory_space<vmem>>[vector<16xi32>, vector<16xi32>], vector<16xi32>,
      %gather3A_655 = tpu.vector_load_idx %arg8[%iota3A, %broadcast_in_dim3A_653] : memref<16x64xf32, #tpu.memory_space<vmem>>[vector<16xi32>, vector<16xi32>], vector<16xf32>,
      %gather3A_656 = tpu.vector_load_idx %arg6[%gather3A_654] : memref<100000xf32, #tpu.memory_space<vmem>>[vector<16xi32>], vector<16xf32>,
      %sub3A_657 = vector.broadcast %mul3A_19 : f32 to vector<16xf32>
      %sub3A_658 = arith.subf %gather3A_656, %sub3A_657 : vector<16xf32>
      %mul3A_659 = arith.mulf %gather3A_655, %sub3A_658 : vector<16xf32>
      %add3A_660 = arith.addf %add3A_649, %mul3A_659 : vector<16xf32>
      %mul3A_661 = arith.mulf %mul3A_659, %sub3A_658 : vector<16xf32>
      %add3A_662 = arith.addf %add3A_651, %mul3A_661 : vector<16xf32>
      %broadcast_in_dim3A_663 = arith.constant 57 : i32
      %broadcast_in_dim3A_664 = vector.broadcast %broadcast_in_dim3A_663 : i32 to vector<16xi32>
      %gather3A_665 = tpu.vector_load_idx %arg7[%iota3A, %broadcast_in_dim3A_664] : memref<16x64xi32, #tpu.memory_space<vmem>>[vector<16xi32>, vector<16xi32>], vector<16xi32>,
      %gather3A_666 = tpu.vector_load_idx %arg8[%iota3A, %broadcast_in_dim3A_664] : memref<16x64xf32, #tpu.memory_space<vmem>>[vector<16xi32>, vector<16xi32>], vector<16xf32>,
      %gather3A_667 = tpu.vector_load_idx %arg6[%gather3A_665] : memref<100000xf32, #tpu.memory_space<vmem>>[vector<16xi32>], vector<16xf32>,
      %sub3A_668 = vector.broadcast %mul3A_19 : f32 to vector<16xf32>
      %sub3A_669 = arith.subf %gather3A_667, %sub3A_668 : vector<16xf32>
      %mul3A_670 = arith.mulf %gather3A_666, %sub3A_669 : vector<16xf32>
      %add3A_671 = arith.addf %add3A_660, %mul3A_670 : vector<16xf32>
      %mul3A_672 = arith.mulf %mul3A_670, %sub3A_669 : vector<16xf32>
      %add3A_673 = arith.addf %add3A_662, %mul3A_672 : vector<16xf32>
      %broadcast_in_dim3A_674 = arith.constant 58 : i32
      %broadcast_in_dim3A_675 = vector.broadcast %broadcast_in_dim3A_674 : i32 to vector<16xi32>
      %gather3A_676 = tpu.vector_load_idx %arg7[%iota3A, %broadcast_in_dim3A_675] : memref<16x64xi32, #tpu.memory_space<vmem>>[vector<16xi32>, vector<16xi32>], vector<16xi32>,
      %gather3A_677 = tpu.vector_load_idx %arg8[%iota3A, %broadcast_in_dim3A_675] : memref<16x64xf32, #tpu.memory_space<vmem>>[vector<16xi32>, vector<16xi32>], vector<16xf32>,
      %gather3A_678 = tpu.vector_load_idx %arg6[%gather3A_676] : memref<100000xf32, #tpu.memory_space<vmem>>[vector<16xi32>], vector<16xf32>,
      %sub3A_679 = vector.broadcast %mul3A_19 : f32 to vector<16xf32>
      %sub3A_680 = arith.subf %gather3A_678, %sub3A_679 : vector<16xf32>
      %mul3A_681 = arith.mulf %gather3A_677, %sub3A_680 : vector<16xf32>
      %add3A_682 = arith.addf %add3A_671, %mul3A_681 : vector<16xf32>
      %mul3A_683 = arith.mulf %mul3A_681, %sub3A_680 : vector<16xf32>
      %add3A_684 = arith.addf %add3A_673, %mul3A_683 : vector<16xf32>
      %broadcast_in_dim3A_685 = arith.constant 59 : i32
      %broadcast_in_dim3A_686 = vector.broadcast %broadcast_in_dim3A_685 : i32 to vector<16xi32>
      %gather3A_687 = tpu.vector_load_idx %arg7[%iota3A, %broadcast_in_dim3A_686] : memref<16x64xi32, #tpu.memory_space<vmem>>[vector<16xi32>, vector<16xi32>], vector<16xi32>,
      %gather3A_688 = tpu.vector_load_idx %arg8[%iota3A, %broadcast_in_dim3A_686] : memref<16x64xf32, #tpu.memory_space<vmem>>[vector<16xi32>, vector<16xi32>], vector<16xf32>,
      %gather3A_689 = tpu.vector_load_idx %arg6[%gather3A_687] : memref<100000xf32, #tpu.memory_space<vmem>>[vector<16xi32>], vector<16xf32>,
      %sub3A_690 = vector.broadcast %mul3A_19 : f32 to vector<16xf32>
      %sub3A_691 = arith.subf %gather3A_689, %sub3A_690 : vector<16xf32>
      %mul3A_692 = arith.mulf %gather3A_688, %sub3A_691 : vector<16xf32>
      %add3A_693 = arith.addf %add3A_682, %mul3A_692 : vector<16xf32>
      %mul3A_694 = arith.mulf %mul3A_692, %sub3A_691 : vector<16xf32>
      %add3A_695 = arith.addf %add3A_684, %mul3A_694 : vector<16xf32>
      %broadcast_in_dim3A_696 = arith.constant 60 : i32
      %broadcast_in_dim3A_697 = vector.broadcast %broadcast_in_dim3A_696 : i32 to vector<16xi32>
      %gather3A_698 = tpu.vector_load_idx %arg7[%iota3A, %broadcast_in_dim3A_697] : memref<16x64xi32, #tpu.memory_space<vmem>>[vector<16xi32>, vector<16xi32>], vector<16xi32>,
      %gather3A_699 = tpu.vector_load_idx %arg8[%iota3A, %broadcast_in_dim3A_697] : memref<16x64xf32, #tpu.memory_space<vmem>>[vector<16xi32>, vector<16xi32>], vector<16xf32>,
      %gather3A_700 = tpu.vector_load_idx %arg6[%gather3A_698] : memref<100000xf32, #tpu.memory_space<vmem>>[vector<16xi32>], vector<16xf32>,
      %sub3A_701 = vector.broadcast %mul3A_19 : f32 to vector<16xf32>
      %sub3A_702 = arith.subf %gather3A_700, %sub3A_701 : vector<16xf32>
      %mul3A_703 = arith.mulf %gather3A_699, %sub3A_702 : vector<16xf32>
      %add3A_704 = arith.addf %add3A_693, %mul3A_703 : vector<16xf32>
      %mul3A_705 = arith.mulf %mul3A_703, %sub3A_702 : vector<16xf32>
      %add3A_706 = arith.addf %add3A_695, %mul3A_705 : vector<16xf32>
      %broadcast_in_dim3A_707 = arith.constant 61 : i32
      %broadcast_in_dim3A_708 = vector.broadcast %broadcast_in_dim3A_707 : i32 to vector<16xi32>
      %gather3A_709 = tpu.vector_load_idx %arg7[%iota3A, %broadcast_in_dim3A_708] : memref<16x64xi32, #tpu.memory_space<vmem>>[vector<16xi32>, vector<16xi32>], vector<16xi32>,
      %gather3A_710 = tpu.vector_load_idx %arg8[%iota3A, %broadcast_in_dim3A_708] : memref<16x64xf32, #tpu.memory_space<vmem>>[vector<16xi32>, vector<16xi32>], vector<16xf32>,
      %gather3A_711 = tpu.vector_load_idx %arg6[%gather3A_709] : memref<100000xf32, #tpu.memory_space<vmem>>[vector<16xi32>], vector<16xf32>,
      %sub3A_712 = vector.broadcast %mul3A_19 : f32 to vector<16xf32>
      %sub3A_713 = arith.subf %gather3A_711, %sub3A_712 : vector<16xf32>
      %mul3A_714 = arith.mulf %gather3A_710, %sub3A_713 : vector<16xf32>
      %add3A_715 = arith.addf %add3A_704, %mul3A_714 : vector<16xf32>
      %mul3A_716 = arith.mulf %mul3A_714, %sub3A_713 : vector<16xf32>
      %add3A_717 = arith.addf %add3A_706, %mul3A_716 : vector<16xf32>
      %broadcast_in_dim3A_718 = arith.constant 62 : i32
      %broadcast_in_dim3A_719 = vector.broadcast %broadcast_in_dim3A_718 : i32 to vector<16xi32>
      %gather3A_720 = tpu.vector_load_idx %arg7[%iota3A, %broadcast_in_dim3A_719] : memref<16x64xi32, #tpu.memory_space<vmem>>[vector<16xi32>, vector<16xi32>], vector<16xi32>,
      %gather3A_721 = tpu.vector_load_idx %arg8[%iota3A, %broadcast_in_dim3A_719] : memref<16x64xf32, #tpu.memory_space<vmem>>[vector<16xi32>, vector<16xi32>], vector<16xf32>,
      %gather3A_722 = tpu.vector_load_idx %arg6[%gather3A_720] : memref<100000xf32, #tpu.memory_space<vmem>>[vector<16xi32>], vector<16xf32>,
      %sub3A_723 = vector.broadcast %mul3A_19 : f32 to vector<16xf32>
      %sub3A_724 = arith.subf %gather3A_722, %sub3A_723 : vector<16xf32>
      %mul3A_725 = arith.mulf %gather3A_721, %sub3A_724 : vector<16xf32>
      %add3A_726 = arith.addf %add3A_715, %mul3A_725 : vector<16xf32>
      %mul3A_727 = arith.mulf %mul3A_725, %sub3A_724 : vector<16xf32>
      %add3A_728 = arith.addf %add3A_717, %mul3A_727 : vector<16xf32>
      %broadcast_in_dim3A_729 = arith.constant 63 : i32
      %broadcast_in_dim3A_730 = vector.broadcast %broadcast_in_dim3A_729 : i32 to vector<16xi32>
      %gather3A_731 = tpu.vector_load_idx %arg7[%iota3A, %broadcast_in_dim3A_730] : memref<16x64xi32, #tpu.memory_space<vmem>>[vector<16xi32>, vector<16xi32>], vector<16xi32>,
      %gather3A_732 = tpu.vector_load_idx %arg8[%iota3A, %broadcast_in_dim3A_730] : memref<16x64xf32, #tpu.memory_space<vmem>>[vector<16xi32>, vector<16xi32>], vector<16xf32>,
      %gather3A_733 = tpu.vector_load_idx %arg6[%gather3A_731] : memref<100000xf32, #tpu.memory_space<vmem>>[vector<16xi32>], vector<16xf32>,
      %sub3A_734 = vector.broadcast %mul3A_19 : f32 to vector<16xf32>
      %sub3A_735 = arith.subf %gather3A_733, %sub3A_734 : vector<16xf32>
      %mul3A_736 = arith.mulf %gather3A_732, %sub3A_735 : vector<16xf32>
      %add3A_737 = arith.addf %add3A_726, %mul3A_736 : vector<16xf32>
      %mul3A_738 = arith.mulf %mul3A_736, %sub3A_735 : vector<16xf32>
      %add3A_739 = arith.addf %add3A_728, %mul3A_738 : vector<16xf32>
      %get3A = arith.index_cast %mul3A_37 : i32 to index
      %get3A_740 = tpu.vector_load %arg6[%get3A] {strides = array<i32>} : memref<100000xf32, #tpu.memory_space<vmem>>, vector<16xf32>,
      %sub3A_741 = vector.broadcast %mul3A_19 : f32 to vector<16xf32>
      %sub3A_742 = arith.subf %get3A_740, %sub3A_741 : vector<16xf32>
      %mul3A_743 = arith.constant 6.300000e+01 : f32
      %mul3A_744 = vector.broadcast %mul3A_743 : f32 to vector<16xf32>
      %mul3A_745 = arith.mulf %sub3A_742, %mul3A_744 : vector<16xf32>
      %mul3A_746 = arith.mulf %mul3A_745, %add3A_737 : vector<16xf32>
      %div3A = arith.divf %mul3A_746, %add3A_739 : vector<16xf32>
      %abs3A = math.absf %div3A : vector<16xf32>
      %add3A_747 = arith.addf %while3A_34, %abs3A : vector<16xf32>
      scf.yield %add3A_747 : vector<16xf32>
    }
    %swap3A = arith.constant 0 : index
    %swap3A_32 = tpu.vector_load %arg9[%swap3A] {strides = array<i32>} : memref<16xf32, #tpu.memory_space<vmem>>, vector<16xf32>,
    tpu.vector_store %arg9[%swap3A], %while3A_31 {strides = array<i32>} : memref<16xf32, #tpu.memory_space<vmem>>, vector<16xf32>,
    "tpu.region"() ({
      %run_scoped3A = tpu.sem_alloc : memref<!tpu.dma_semaphore, #tpu.memory_space<semaphore_mem>>
      %dma_start3A = arith.constant 0 : i32
      %dma_start3A_33 = tpu.memref_slice %arg5[%add3A, %dma_start3A] : memref<32x16xf32, #tpu.memory_space<hbm>> -> memref<1x16xf32, #tpu.memory_space<hbm>>
      %dma_start3A_34 = tpu.memref_squeeze %dma_start3A_33 : memref<1x16xf32, #tpu.memory_space<hbm>> -> memref<16xf32, #tpu.memory_space<hbm>>
      %dma_start3A_35 = arith.constant 0 : i32
      %dma_start3A_36 = tpu.memref_slice %arg5[%add3A, %dma_start3A_35] : memref<32x16xf32, #tpu.memory_space<hbm>> -> memref<1x16xf32, #tpu.memory_space<hbm>>
      %dma_start3A_37 = tpu.memref_squeeze %dma_start3A_36 : memref<1x16xf32, #tpu.memory_space<hbm>> -> memref<16xf32, #tpu.memory_space<hbm>>
      tpu.enqueue_dma source(%arg9 : memref<16xf32, #tpu.memory_space<vmem>>) target(%dma_start3A_37 : memref<16xf32, #tpu.memory_space<hbm>>) target_semaphore(%run_scoped3A : memref<!tpu.dma_semaphore, #tpu.memory_space<semaphore_mem>>)
      %dma_wait3A = arith.constant 0 : i32
      %dma_wait3A_38 = tpu.memref_slice %arg5[%add3A, %dma_wait3A] : memref<32x16xf32, #tpu.memory_space<hbm>> -> memref<1x16xf32, #tpu.memory_space<hbm>>
      %dma_wait3A_39 = tpu.memref_squeeze %dma_wait3A_38 : memref<1x16xf32, #tpu.memory_space<hbm>> -> memref<16xf32, #tpu.memory_space<hbm>>
      %dma_wait3A_40 = arith.constant 0 : i32
      %dma_wait3A_41 = tpu.memref_slice %arg5[%add3A, %dma_wait3A_40] : memref<32x16xf32, #tpu.memory_space<hbm>> -> memref<1x16xf32, #tpu.memory_space<hbm>>
      %dma_wait3A_42 = tpu.memref_squeeze %dma_wait3A_41 : memref<1x16xf32, #tpu.memory_space<hbm>> -> memref<16xf32, #tpu.memory_space<hbm>>
      tpu.wait_dma2 semaphore(%run_scoped3A : memref<!tpu.dma_semaphore, #tpu.memory_space<semaphore_mem>>) src(%arg9 : memref<16xf32, #tpu.memory_space<vmem>>) dst(%dma_wait3A_42 : memref<16xf32, #tpu.memory_space<hbm>>)
      tpu.yield
    }) : () -> ()
    return
  }
}

</mosaic_0001>

<sc_bundles>
// kernel: kernel.3.cloned.1.call-start
scs
__scs_entry_jumppad:
0x0: {  	(pc) =	sbr.rel $0x88, $3  }
0x1: {  	(tag) =	ssettag $0x0;
	lr =	simm.s32 $0x1  }
0x2: {  	[smem:$0x3F9E] =	sst lr;
	_ =	strace $0xD0000000  }
0x3: {  	_ = 	snop  }
0x4: {  	_ = 	snop  }
0x5: {  	_ = 	snop  }
0x6: {  	_ = 	snop  }
0x7: {  	_ = 	snop  }
__scs_overlays_trampoline_lowered:
0x8: {  	[smem:$0x3FAD] =	sst s0  }
0x9: {  	[smem:$0x3FAE] =	sst s1  }
0xa: {  	[smem:$0x3FAF] =	sst s2  }
0xb: {  	[smem:$0x3FB0] =	sst s3  }
0xc: {  	[smem:$0x3FB1] =	sst s4  }
0xd: {  	[smem:$0x3FB2] =	sst s5  }
0xe: {  	[smem:$0x3FB3] =	sst s6  }
0xf: {  	[smem:$0x3FB4] =	sst s7  }
0x10: {  	[smem:$0x3FB5] =	sst s8  }
0x11: {  	[smem:$0x3FB6] =	sst s9;
	s0 =	simm.s32 @!p0 $0x0  }
0x12: {  	s1 =	sld [smem:$0x3F9C];
	s0 =	simm.s32 @p0 $0x1  }
0x13: {  	[smem:$0x3FB7] =	sst s0;
	s0 =	simm.s32 @!p1 $0x0  }
0x14: {  	s2 =	sld [smem:$0x3F9B];
	s0 =	simm.s32 @p1 $0x1  }
0x15: {  	[smem:$0x3FB8] =	sst s0;
	s0 =	simm.s32 @!p2 $0x0  }
0x16: {  	s3 =	sld [smem:$0x3FDB];
	s0 =	simm.s32 @p2 $0x1  }
0x17: {  	s4 =	simm.s32 $0x1BF5;
	[smem:$0x3FBA] =	sst s0  }
0x18: {  	s0 =	sld [smem:$0x3F9D];
	_ =	swait.ge [sflag:s4], $0x0  }
0x19: {  	s7 =	sld [smem:$0x3F9E]  }
0x1a: {  	s8 =	sadd.s32 $0xFFFFE003, lr  }
0x1b: {  	s9 =	sadd.s32 $0xFFFFFEF7, lr;
	s5 =	simm.s32 $0xFFFFFFFF;
	p2 =	slt.u32 s8, $0xFFFFF086  }
0x1c: {  	p1 =	slt.u32 s9, $0xF7A;
	s5 =	simm.s32 @!p2 $0x0  }
0x1d: {  	s5 =	simm.s32 @p1 $0x1;
	p0 =	seq.s32 s7, s2  }
0x1e: {  	s7 =	smul.u32 @!p0 $0xF7A, s2;
	p2 =	seq.s32 @!p0 s5, $0x0  }
0x1f: {  	s9 =	smul.u32 $0xF7A, s1;
	s8 =	simm.s32 @!p0 $0x1BF5;
	p2 =	por !p2, p0  }
0x20: {  	[sflag:s8] =	ssyncset.s32 @!p0 $0xFFFFF086;
	s6 =	sadd.s32 @!p0 s3, s7;
	s7 =	simm.s32 @!p0 $0x108  }
0x21: {  	s3 =	sadd.s32 s3, s9;
	s6 =	sadd.s32 @!p0 $0x88, s6;
	s7 =	simm.s32 @p2 $0x1082  }
0x22: {  	[simem:s7], [sflag:s8] =	dma.local @!p0 [hbm:s6], $0xF7A  }
0x23: {  	s9 =	sor.u32 $0xD0000000, s2;
	s6 =	simm.s32 $0x108;
	_ =	swait.ge @!p0 [sflag:s8], $0x0  }
0x24: {  	s3 =	sadd.s32 $0x88, s3;
	s6 =	simm.s32 @!p1 $0x1082;
	[sflag:s4] =	ssyncset.s32 $0xFFFFF086  }
0x25: {  	[simem:s6], [sflag:s4] =	dma.local [hbm:s3], $0xF7A  }
0x26: {  	[smem:$0x3F9E] =	sst s1;
	(tag) =	ssettag s2;
	_ =	strace s9  }
0x27: {  	s1 =	sld [smem:$0x3FAE]  }
0x28: {  	s2 =	sld [smem:$0x3FAF]  }
0x29: {  	s4 =	sld [smem:$0x3FB1]  }
0x2a: {  	p0 =	seq.s32 s5, $0x0;
	s5 =	sld [smem:$0x3FB2]  }
0x2b: {  	s6 =	sld [smem:$0x3FB3]  }
0x2c: {  	s7 =	sld [smem:$0x3FB4]  }
0x2d: {  	s3 =	simm.s32 $0x108;
	s8 =	sld [smem:$0x3FB5]  }
0x2e: {  	s3 =	simm.s32 @!p0 $0x1082;
	s9 =	sld [smem:$0x3FB6]  }
0x2f: {  	lr =	sadd.s32 s0, s3;
	s0 =	sld [smem:$0x3FAD]  }
0x30: {  	s3 =	sld [smem:$0x3FB0]  }
0x31: {  	[smem:$0x3FB9] =	sst s10  }
0x32: {  	s10 =	sld [smem:$0x3FB7];
	_ =	sdelay $0x3  }
0x33: {  	p0 =	seq.s32 s10, $0x1;
	s10 =	sld [smem:$0x3FB9];
	_ =	sdelay $0x3  }
0x34: {  	[smem:$0x3FB9] =	sst s10  }
0x35: {  	s10 =	sld [smem:$0x3FB8];
	_ =	sdelay $0x3  }
0x36: {  	p1 =	seq.s32 s10, $0x1;
	s10 =	sld [smem:$0x3FB9];
	_ =	sdelay $0x3  }
0x37: {  	[smem:$0x3FB9] =	sst s10  }
0x38: {  	s10 =	sld [smem:$0x3FBA]  }
0x39: {  	_ = 	snop;
	(pc) =	sbr.ind lr, $3  }
0x3a: {  	_ = 	snop  }
0x3b: {  	_ = 	snop  }
0x3c: {  	p2 =	seq.s32 s10, $0x1;
	s10 =	sld [smem:$0x3FB9]  }
0x3d: {  	_ =	shalt  }
0x3e: {  	_ =	shalt  }
0x3f: {  	_ =	shalt  }
0x40: {  	_ =	shalt  }
0x41: {  	_ =	shalt  }
0x42: {  	_ =	shalt  }
0x43: {  	_ =	shalt  }
0x44: {  	_ =	shalt  }
0x45: {  	_ =	shalt  }
0x46: {  	_ =	shalt  }
0x47: {  	_ =	shalt  }
0x48: {  	_ =	shalt  }
0x49: {  	_ =	shalt  }
0x4a: {  	_ =	shalt  }
0x4b: {  	_ =	shalt  }
0x4c: {  	_ =	shalt  }
0x4d: {  	_ =	shalt  }
0x4e: {  	_ =	shalt  }
0x4f: {  	_ =	shalt  }
0x50: {  	_ =	shalt  }
0x51: {  	_ =	shalt  }
0x52: {  	_ =	shalt  }
0x53: {  	_ =	shalt  }
0x54: {  	_ =	shalt  }
0x55: {  	_ =	shalt  }
0x56: {  	_ =	shalt  }
0x57: {  	_ =	shalt  }
0x58: {  	_ =	shalt  }
0x59: {  	_ =	shalt  }
0x5a: {  	_ =	shalt  }
0x5b: {  	_ =	shalt  }
0x5c: {  	_ =	shalt  }
0x5d: {  	_ =	shalt  }
0x5e: {  	_ =	shalt  }
0x5f: {  	_ =	shalt  }
0x60: {  	_ =	shalt  }
0x61: {  	_ =	shalt  }
0x62: {  	_ =	shalt  }
0x63: {  	_ =	shalt  }
0x64: {  	_ =	shalt  }
0x65: {  	_ =	shalt  }
0x66: {  	_ =	shalt  }
0x67: {  	_ =	shalt  }
0x68: {  	_ =	shalt  }
0x69: {  	_ =	shalt  }
0x6a: {  	_ =	shalt  }
0x6b: {  	_ =	shalt  }
0x6c: {  	_ =	shalt  }
0x6d: {  	_ =	shalt  }
0x6e: {  	_ =	shalt  }
0x6f: {  	_ =	shalt  }
0x70: {  	_ =	shalt  }
0x71: {  	_ =	shalt  }
0x72: {  	_ =	shalt  }
0x73: {  	_ =	shalt  }
0x74: {  	_ =	shalt  }
0x75: {  	_ =	shalt  }
0x76: {  	_ =	shalt  }
0x77: {  	_ =	shalt  }
0x78: {  	_ =	shalt  }
0x79: {  	_ =	shalt  }
0x7a: {  	_ =	shalt  }
0x7b: {  	_ =	shalt  }
0x7c: {  	_ =	shalt  }
0x7d: {  	_ =	shalt  }
0x7e: {  	_ =	shalt  }
0x7f: {  	_ =	shalt  }
0x80: {  	_ =	shalt  }
0x81: {  	_ =	shalt  }
0x82: {  	_ =	shalt  }
0x83: {  	_ =	shalt  }
0x84: {  	_ =	shalt  }
0x85: {  	_ =	shalt  }
0x86: {  	_ =	shalt  }
0x87: {  	_ =	shalt  }
.Lfunc_end0:
.L_simem_size_0:
called_computation_lowered:
.L_overlay_start_0:
0x88: {  	s2 =	sld [smem:$0x3FD9]  }
0x89: {  	s3 =	sld [smem:$0x3FFE];
	_ =	sdelay $0x1  }
0x8a: {  	s1 =	srdreg.scid  }
0x8b: {  	s0 =	sand.u32 $0x1, s1  }
0x8c: {  	s17 =	sshll.u32 s0, $0xA;
	s2 =	sadd.s32 s3, s2  }
0x8d: {  	s2 =	sadd.s32 s2, s17  }
0x8e: {  	[smem:$0x3FC5] =	sst s2  }
0x8f: {  	_ = 	snop  }
0x90: {  	s2 =	sld [smem:$0x3FC9];
	(tm) =	ssettm $0x1  }
0x91: {  	s18 =	sld [smem:$0x3FFB];
	_ =	sdelay $0x3  }
0x92: {  	_ =	strace s18  }
0x93: {  	s3 =	sld [smem:$0x3FFC];
	_ =	sdelay $0x3  }
0x94: {  	_ =	strace s3  }
0x95: {  	s3 =	sld [smem:$0x3FFD];
	_ =	sdelay $0x3  }
0x96: {  	_ =	strace s3  }
0x97: {  	_ =	strace $0x8FFFFFFF  }
0x98: {  	s19 =	sld [smem:$0x3FDB];
	_ =	sdelay $0x1  }
0x99: {  	s4 =	simm.s32 $_scs_section_size  }
0x9a: {  	s5 =	simm.s32 $_size__tile_overlayer_lowered;
	s6 =	simm.s32 $_tile_overlayer_lowered  }
0x9b: {  	s22 =	simm.s32 $0x1BFF;
	s21 =	sshll.u32 s6, $0x1;
	s3 =	sadd.s32 s4, s19  }
0x9c: {  	s7 =	simm.s32 $0x0;
	s20 =	sshll.u32 s5, $0x1;
	s5 =	sadd.s32 s21, s3  }
0x9d: {  	[timem:s7], [sflag:s22] =	dma.local [hbm:s5], s20  }
0x9e: {  	_ =	swait.ge [sflag:s22], s20  }
0x9f: {  	s4 =	ssub.s32 $0x0, s20;
	[sflag:s22] =	ssyncset.done $0x0  }
0xa0: {  	[sflag:s22] =	ssyncadd.s32 s4;
	_ =	sdelay $0x1  }
0xa1: {  	s23 =	simm.s32 $0x1B8B  }
0xa2: {  	_ =	swait.ge [sflag:s23], $0x1  }
0xa3: {  	[sflag:s23] =	ssyncset.done $0x0  }
0xa4: {  	s25 =	simm.s32 $0x1B8E;
	s24 =	sld [smem:$0x3FFE];
	[sflag:s23] =	ssyncadd.s32 $0xFFFFFFFF  }
0xa5: {  	s26 =	simm.s32 $execute0_lowered;
	[smem:$0x3FD2] =	sst s25  }
0xa6: {  	s5 =	sshll.u32 s26, $0x1;
	_ =	strace $0x80000046;
	[dreg:$0x1] =	wrdreg $0xFFFFFFFF  }
0xa7: {  	s28 =	simm.s32 $_size_execute0_lowered;
	s3 =	sadd.s32 s3, s5;
	[dreg:$0x0] =	wrdreg $0x0  }
0xa8: {  	s5 =	sshll.u32 s28, $0x1;
	[dreg:$0x2] =	wrdreg s3  }
0xa9: {  	[dreg:$0x3] =	wrdreg s5  }
0xaa: {  	[dreg:$0x4] =	wrdreg $0xC0  }
0xab: {  	_ =	task [dreg:s7], $0x5FFFF  }
0xac: {  	[dreg:$0x1] =	wrdreg $0xFFFFFFFF  }
0xad: {  	[dreg:$0x0] =	wrdreg $0x60  }
0xae: {  	[dreg:$0x2] =	wrdreg s2  }
0xaf: {  	[dreg:$0x3] =	wrdreg s24  }
0xb0: {  	[dreg:$0x4] =	wrdreg $0x9  }
0xb1: {  	_ =	task.clear_ibuf [dreg:s7], $0x5FFFF;
	_ =	strace $0x90000046  }
0xb2: {  	s29 =	simm.s32 $0x9;
	_ =	strace $0x80000048  }
0xb3: {  	_ =	swait.ge [sflag:s29], $0x1  }
0xb4: {  	[sflag:s29] =	ssyncadd.s32 $0xFFFFFFFF  }
0xb5: {  	_ =	strace $0x90000048  }
0xb6: {  	_ =	sfence  }
0xb7: {  	s30 =	sld [smem:$0x0];
	_ =	sdelay $0x2  }
0xb8: {  	s31 =	sshll.u32 s1, $0xD;
	s1 =	sshrl.u32 s1, $0x2  }
0xb9: {  	s3 =	sand.u32 $0x4000, s31;
	s1 =	sadd.s32 s1, s30  }
0xba: {  	s0 =	sor.u32 s3, s0;
	s1 =	sshll.u32 s1, $0x11  }
0xbb: {  	s0 =	sor.u32 s1, s0  }
0xbc: {  	s0 =	sadd.s32 $0x8F2B, s0  }
0xbd: {  	[sflag:s0] =	ssyncadd.remote.s32 $0x1  }
0xbe: {  	_ =	sfence.sel $0xFFFF  }
0xbf: {  	[dreg:$0x0] =	wrdreg $0xFFFFFFFF;
	(pc) =	sbr.abs _section_cstart, $3  }
0xc0: {  	[dreg:$0x1] =	wrdreg $0xFFFFFFFF  }
0xc1: {  	_ =	task.clear_ibuf [dreg:s7], $0x2FFFF;
	_ =	strace $0x9FFFFFFF  }
0xc2: {  	(tm) =	ssettm $0x7FFFFFFF  }
0xc3: {  	_ =	shalt  }
tec
execute0_lowered:
.L_overlay_start_1:
0x0: {  	(tag) =	ssettag $0x1  }
0x1: {  	v0 =	vlaneseq.u32  }
0x2: {  	v54 =	vmul.u32 $0x80, v0;
	_ =	sdelay $0x1  }
0x3: {  	v1 =	vor.u32 $0x17, v54  }
0x4: {  	[tilespmem:$0x1FD90] =	vst v1;
	v1 =	vor.u32 $0x18, v54  }
0x5: {  	[tilespmem:$0x1FDA0] =	vst v1;
	v1 =	vor.u32 $0x19, v54  }
0x6: {  	[tilespmem:$0x1FDB0] =	vst v1;
	v1 =	vor.u32 $0x1A, v54  }
0x7: {  	[tilespmem:$0x1FDC0] =	vst v1;
	v1 =	vor.u32 $0x1B, v54  }
0x8: {  	s1 =	rddreg [dreg:$0x0];
	[tilespmem:$0x1FDD0] =	vst v1;
	v1 =	vor.u32 $0x1C, v54  }
0x9: {  	s6 =	rddreg [dreg:$0x1];
	s3 =	simm.s32 $0x0;
	[tilespmem:$0x1FDE0] =	vst v1;
	v1 =	vor.u32 $0x1D, v54  }
0xa: {  	s2 =	srdreg.scid;
	[smem:$0x7FF] =	sst s3;
	[tilespmem:$0x1FDF0] =	vst v1;
	v1 =	vor.u32 $0x35, v54  }
0xb: {  	s4 =	sand.u32 $0x1, s2;
	s2 =	rddreg [dreg:$0x2];
	v3 =	vor.u32 $0x1, v54;
	_ =	strace $0x80000047;
	[tilespmem:$0x1FE00] =	vst v1  }
0xc: {  	v5 =	vor.u32 $0x2, v54;
	[tilespmem:$0x1FE60] =	vst v3  }
0xd: {  	v7 =	vor.u32 $0x3, v54;
	[tilespmem:$0x1FE70] =	vst v5  }
0xe: {  	v8 =	vor.u32 $0x4, v54;
	[tilespmem:$0x1FE80] =	vst v7  }
0xf: {  	v10 =	vor.u32 $0x5, v54;
	[tilespmem:$0x1FE90] =	vst v8  }
0x10: {  	v11 =	vor.u32 $0x6, v54;
	[tilespmem:$0x1FEA0] =	vst v10  }
0x11: {  	v12 =	vor.u32 $0x7, v54;
	[tilespmem:$0x1FEB0] =	vst v11  }
0x12: {  	v14 =	vor.u32 $0x8, v54;
	[tilespmem:$0x1FEC0] =	vst v12  }
0x13: {  	v16 =	vor.u32 $0x9, v54;
	[tilespmem:$0x1FED0] =	vst v14  }
0x14: {  	v21 =	vor.u32 $0xA, v54;
	[tilespmem:$0x1FEE0] =	vst v16  }
0x15: {  	v22 =	vor.u32 $0xB, v54;
	[tilespmem:$0x1FEF0] =	vst v21  }
0x16: {  	v20 =	vor.u32 $0xC, v54;
	[tilespmem:$0x1FF00] =	vst v22  }
0x17: {  	v27 =	vor.u32 $0xD, v54;
	[tilespmem:$0x1FF10] =	vst v20  }
0x18: {  	v28 =	vor.u32 $0xE, v54;
	[tilespmem:$0x1FF20] =	vst v27  }
0x19: {  	v32 =	vor.u32 $0x25, v54;
	[tilespmem:$0x1FF30] =	vst v28  }
0x1a: {  	v34 =	vor.u32 $0x2B, v54;
	[tilespmem:$0x1FF40] =	vst v32  }
0x1b: {  	v31 =	vor.u32 $0xF, v54;
	[tilespmem:$0x1FF50] =	vst v34  }
0x1c: {  	v30 =	vor.u32 $0x2D, v54;
	[tilespmem:$0x1FF60] =	vst v31  }
0x1d: {  	v48 =	vor.u32 $0x2A, v54;
	[tilespmem:$0x1FF70] =	vst v30  }
0x1e: {  	v53 =	vor.u32 $0x29, v54;
	[tilespmem:$0x1FF80] =	vst v48  }
0x1f: {  	v29 =	vor.u32 $0x30, v54;
	[tilespmem:$0x1FF90] =	vst v53  }
0x20: {  	v51 =	vor.u32 $0x31, v54;
	[tilespmem:$0x1FFA0] =	vst v29  }
0x21: {  	s0 =	stileid.u32;
	s12 =	simm.s32 $0x18F00;
	s13 =	simm.s32 $0x19700;
	v33 =	vor.u32 $0x10, v54;
	v55 =	vor.u32 $0x32, v54;
	[tilespmem:$0x1FFB0] =	vst v51  }
0x22: {  	s14 =	simm.s32 $0x0;
	s5 =	smul.u32 $0x186, s0;
	s7 =	sshll.u32 s0, $0x1;
	v35 =	vor.u32 $0x11, v54;
	v37 =	vor.u32 $0x12, v54;
	v56 =	vor.u32 $0x33, v54;
	[tilespmem:$0x1FFC0] =	vst v55  }
0x23: {  	s8 =	smul.u32 $0xC3, s4;
	s7 =	sor.u32 s4, s7;
	s4 =	ssub.s32 $0x2, s4;
	v38 =	vor.u32 $0x13, v54;
	v39 =	vor.u32 $0x14, v54;
	v26 =	vor.u32 $0x34, v54;
	[tilespmem:$0x1FFD0] =	vst v56  }
0x24: {  	p0 =	slt.u32 s0, $0x5;
	v58 =	vor.u32 $0x15, v54;
	v52 =	vor.u32 $0x16, v54;
	s9 =	smin.u32 s7, $0xA;
	s11 =	sshrl.u32 s4, $0x1;
	v0 =	vor.u32 $0x26, v54;
	[tilespmem:$0x1FFE0] =	vst v26  }
0x25: {  	v57 =	vor.u32 $0x1E, v54;
	v36 =	vor.u32 $0x1F, v54;
	s7 =	sshll.u32 s7, $0x4;
	s10 =	sadd.s32 s8, s5;
	s31 =	ssub.s32 s4, s11;
	v1 =	vor.u32 $0x36, v54;
	[tilespmem:$0x1FFF0] =	vst v0  }
0x26: {  	v40 =	vor.u32 $0x20, v54;
	v41 =	vor.u32 $0x21, v54;
	s4 =	simm.s32 $0xC4;
	s11 =	simm.s32 $0x18700;
	s10 =	sadd.s32 s9, s10;
	[tilespmem:$0x1FE10] =	vst v1;
	v1 =	vor.u32 $0x37, v54  }
0x27: {  	v42 =	vor.u32 $0x22, v54;
	v43 =	vor.u32 $0x23, v54;
	s9 =	sadd.s32 s5, s9;
	s4 =	simm.s32 @!p0 $0xC3;
	s10 =	sshll.u32 s10, $0x8;
	[tilespmem:$0x1FE20] =	vst v1;
	v1 =	vor.u32 $0x38, v54  }
0x28: {  	v44 =	vor.u32 $0x24, v54;
	v46 =	vor.u32 $0x27, v54;
	s8 =	sadd.s32 s8, s9;
	s10 =	sadd.s32 s10, s6;
	s6 =	sadd.s32 s7, s6;
	[tilespmem:$0x1FE30] =	vst v1;
	v1 =	vor.u32 $0x39, v54  }
0x29: {  	v47 =	vor.u32 $0x28, v54;
	v50 =	vor.u32 $0x2C, v54;
	s7 =	sshll.u32 s8, $0x4;
	s5 =	sadd.s32 $0x30F000, s6;
	s6 =	smax.u32 s31, $0x1;
	[tilespmem:$0x1FE40] =	vst v1;
	v1 =	vor.u32 $0x3A, v54  }
0x2a: {  	v45 =	vor.u32 $0x2E, v54;
	v49 =	vor.u32 $0x2F, v54;
	s8 =	sadd.s32 $0x188600, s10;
	s9 =	sadd.s32 $0x1C00, s10;
	s10 =	simm.s32 $0x1;
	[tilespmem:$0x1FE50] =	vst v1  }
.LBB2_1:
0x2b: {  	[tilespmem:s3], [sflag:$0x1] =	stream.linear.gather [hbm4b:s1+s3], $0x18700, $0x38;
	[tilespmem:$0x19780] =	vst v63  }
0x2c: {  	_ =	swait.ge [sflag:s10], $0x18700  }
0x2d: {  	[sflag:s10] =	ssyncset.done $0x0  }
0x2e: {  	s15 =	simm.s32 $0x50;
	[sflag:s10] =	ssyncadd.s32 $0xFFFE7900  }
0x2f: {  	v59 =	vld [tilespmem:s15+$0xFFFFFFB0];
	_ =	sdelay $0x1  }
0x30: {  	v60 =	vld [tilespmem:s15+$0xFFFFFFC0];
	_ =	sdelay $0x1  }
0x31: {  	v61 =	vimm.f32 $0.0e+00;
	v62 =	vld [tilespmem:s15+$0xFFFFFFD0]  }
0x32: {  	v59 =	vadd.f32 v59, v61  }
0x33: {  	v48 =	vld [tilespmem:s15+$0xFFFFFFE0]  }
0x34: {  	v59 =	vadd.f32 v60, v59  }
0x35: {  	v51 =	vld [tilespmem:s15+$0xFFFFFFF0]  }
0x36: {  	v59 =	vadd.f32 v62, v59  }
0x37: {  	v53 =	vld [tilespmem:s15+$0x0]  }
0x38: {  	v59 =	vadd.f32 v48, v59  }
0x39: {  	v55 =	vld [tilespmem:s15+$0x10]  }
0x3a: {  	v59 =	vadd.f32 v51, v59  }
0x3b: {  	v63 =	vld [tilespmem:s15+$0x20]  }
0x3c: {  	s16 =	sand.u32 $0x3FFE0, s3;
	v60 =	vadd.f32 v53, v59  }
0x3d: {  	v59 =	vld [tilespmem:s16+$0x80]  }
0x3e: {  	v61 =	vadd.f32 v55, v60  }
0x3f: {  	v60 =	vld [tilespmem:s15+$0x40]  }
0x40: {  	s15 =	simm.s32 $0xF0;
	v62 =	vadd.f32 v63, v61  }
0x41: {  	s17 =	simm.s32 $0x140;
	s16 =	simm.s32 $0xA0;
	v61 =	vld [tilespmem:s15+$0xFFFFFFB0]  }
.LBB2_2:
0x42: {  	p0 =	sne.s32 s17, $0x18600;
	v59 =	vadd.f32 v59, v62  }
0x43: {  	v62 =	vld [tilespmem:s15+$0xFFFFFFC0]  }
0x44: {  	v59 =	vadd.f32 v60, v59  }
0x45: {  	v60 =	vld [tilespmem:s15+$0xFFFFFFD0]  }
0x46: {  	v59 =	vadd.f32 v61, v59  }
0x47: {  	v61 =	vld [tilespmem:s15+$0xFFFFFFE0]  }
0x48: {  	v59 =	vadd.f32 v62, v59  }
0x49: {  	v62 =	vld [tilespmem:s15+$0xFFFFFFF0]  }
0x4a: {  	v59 =	vadd.f32 v60, v59  }
0x4b: {  	v60 =	vld [tilespmem:s15+$0x0]  }
0x4c: {  	v59 =	vadd.f32 v61, v59  }
0x4d: {  	v61 =	vld [tilespmem:s15+$0x10]  }
0x4e: {  	v59 =	vadd.f32 v62, v59  }
0x4f: {  	v62 =	vld [tilespmem:s15+$0x20]  }
0x50: {  	s18 =	sand.u32 $0x3FFE0, s16;
	s16 =	smov.u32 s17;
	v60 =	vadd.f32 v60, v59  }
.Ltmp0:
0x51: {  	v59 =	vld [tilespmem:s18+$0x80];
	(pc) =	sbr.rel @p0 .LBB2_2-.Ltmp0, $4  }
0x52: {  	v61 =	vadd.f32 v61, v60  }
0x53: {  	v60 =	vld [tilespmem:s15+$0x40]  }
0x54: {  	s15 =	sadd.s32 $0xA0, s15;
	v62 =	vadd.f32 v62, v61  }
0x55: {  	s17 =	sadd.s32 $0xA0, s17;
	v61 =	vld [tilespmem:s15+$0xFFFFFFB0]  }
0x56: {  	v59 =	vadd.f32 v59, v62  }
0x57: {  	v51 =	vld [tilespmem:s15+$0xFFFFFFC0]  }
0x58: {  	v59 =	vadd.f32 v60, v59  }
0x59: {  	v53 =	vld [tilespmem:s15+$0xFFFFFFD0]  }
0x5a: {  	v59 =	vadd.f32 v61, v59  }
0x5b: {  	v55 =	vld [tilespmem:s15+$0xFFFFFFE0]  }
0x5c: {  	v59 =	vadd.f32 v51, v59  }
0x5d: {  	v32 =	vld [tilespmem:s15+$0xFFFFFFF0]  }
0x5e: {  	v59 =	vadd.f32 v53, v59  }
0x5f: {  	v34 =	vld [tilespmem:s15+$0x0]  }
0x60: {  	v59 =	vadd.f32 v55, v59  }
0x61: {  	v48 =	vld [tilespmem:s15+$0x10]  }
0x62: {  	v59 =	vadd.f32 v32, v59  }
0x63: {  	v51 =	vld [tilespmem:s15+$0x20]  }
0x64: {  	s16 =	sand.u32 $0x3FFE0, s16;
	v59 =	vadd.f32 v34, v59  }
0x65: {  	v53 =	vld [tilespmem:s16+$0x80]  }
0x66: {  	v59 =	vadd.f32 v48, v59  }
0x67: {  	v55 =	vld [tilespmem:s15+$0x40]  }
0x68: {  	v59 =	vadd.f32 v51, v59;
	_ =	sdelay $0x1  }
0x69: {  	v59 =	vadd.f32 v53, v59;
	_ =	sdelay $0x1  }
0x6a: {  	v59 =	vadd.f32 v55, v59;
	_ =	sdelay $0x1  }
0x6b: {  	(xrf2) =	vadd.scan.msk.f32 $0xffff, v59;
	_ =	sdelay $0x9  }
0x6c: {  	v59, _, _ =	vpop (xrf2)  }
0x6d: {  	(v2sf) =	vpush v59, $0xF;
	_ =	sdelay $0xe  }
0x6e: {  	s31 =	spop (v2sf)  }
0x6f: {  	s15 =	smul.f32 $9.999999740e-06, s31  }
0x70: {  	s17 =	smov.u32 s7  }
0x71: {  	v1 =	vimm.f32 $0.0e+00;
	s18 =	smov.u32 s4;
	s16 =	smov.u32 s8;
	v60 =	vmov s15;
	s15 =	smov.u32 s9  }
.LBB2_4:
0x72: {  	_ =	sdelay $0x2  }
0x73: {  	[tilespmem:s11], [sflag:$0x1] =	stream.linear.gather [hbm4b:s16+s3], $0x800, $0x38;
	[tilespmem:$0x19780] =	vst v63  }
0x74: {  	[tilespmem:$0x1FD80] =	vst v1  }
0x75: {  	_ =	swait.ge [sflag:s10], $0x800  }
0x76: {  	[sflag:s10] =	ssyncset.done $0x0  }
0x77: {  	[sflag:s10] =	ssyncadd.s32 $0xFFFFF800  }
0x78: {  	[tilespmem:s12], [sflag:$0x1] =	stream.linear.gather [hbm4b:s15+s3], $0x800, $0x38;
	[tilespmem:$0x19780] =	vst v63  }
0x79: {  	_ =	swait.ge [sflag:s10], $0x800  }
0x7a: {  	v9 =	vld [tilespmem:$0x1FE90]  }
0x7b: {  	v13 =	vld [tilespmem:$0x1FEB0]  }
0x7c: {  	v15 =	vld [tilespmem:$0x1FEC0]  }
0x7d: {  	v17 =	vld [tilespmem:$0x1FED0]  }
0x7e: {  	v19 =	vld [tilespmem:$0x1FEE0]  }
0x7f: {  	v23 =	vld [tilespmem:$0x1FF00]  }
0x80: {  	v25 =	vld [tilespmem:$0x1FF10]  }
0x81: {  	[sflag:s10] =	ssyncset.done $0x0;
	v29 =	vld [tilespmem:$0x1FF30]  }
0x82: {  	v0 =	vld [tilespmem:$0x1FD90];
	[sflag:s10] =	ssyncadd.s32 $0xFFFFF800  }
0x83: {  	v61 =	vld.idx.msk [tilespmem:v54+s11+$0x0], $0xffff  }
0x84: {  	v62 =	vld.idx.msk [tilespmem:v3+s11+$0x0], $0xffff  }
0x85: {  	v63 =	vld.idx.msk [tilespmem:v5+s11+$0x0], $0xffff  }
0x86: {  	v1 =	vld.idx.msk [tilespmem:v54+s12+$0x0], $0xffff  }
0x87: {  	v2 =	vld.idx.msk [tilespmem:v7+s11+$0x0], $0xffff  }
0x88: {  	v3 =	vld [tilespmem:$0x1FE60]  }
0x89: {  	v4 =	vld.idx.msk [tilespmem:v8+s11+$0x0], $0xffff  }
0x8a: {  	v5 =	vld [tilespmem:$0x1FE70]  }
0x8b: {  	v6 =	vld.idx.msk [tilespmem:v10+s11+$0x0], $0xffff  }
0x8c: {  	v7 =	vld [tilespmem:$0x1FE80]  }
0x8d: {  	v8 =	vld.idx.msk [tilespmem:v11+s11+$0x0], $0xffff  }
0x8e: {  	v10 =	vld.idx.msk [tilespmem:v12+s11+$0x0], $0xffff  }
0x8f: {  	v11 =	vld [tilespmem:$0x1FEA0]  }
0x90: {  	v12 =	vld.idx.msk [tilespmem:v14+s11+$0x0], $0xffff  }
0x91: {  	v14 =	vld.idx.msk [tilespmem:v16+s11+$0x0], $0xffff  }
0x92: {  	v16 =	vld.idx.msk [tilespmem:v21+s11+$0x0], $0xffff  }
0x93: {  	v18 =	vld.idx.msk [tilespmem:v22+s11+$0x0], $0xffff  }
0x94: {  	v20 =	vld.idx.msk [tilespmem:v20+s11+$0x0], $0xffff  }
0x95: {  	v21 =	vld [tilespmem:$0x1FEF0]  }
0x96: {  	v22 =	vld.idx.msk [tilespmem:v27+s11+$0x0], $0xffff  }
0x97: {  	v24 =	vld.idx.msk [tilespmem:v28+s11+$0x0], $0xffff  }
0x98: {  	v26 =	vld.idx.msk [tilespmem:v31+s11+$0x0], $0xffff  }
0x99: {  	v27 =	vld [tilespmem:$0x1FF20]  }
0x9a: {  	v28 =	vld.idx.msk [tilespmem:v33+s11+$0x0], $0xffff  }
0x9b: {  	v30 =	vld.idx.msk [tilespmem:v35+s11+$0x0], $0xffff  }
0x9c: {  	v31 =	vld [tilespmem:$0x1FF60]  }
0x9d: {  	v32 =	vld.idx.msk [tilespmem:v37+s11+$0x0], $0xffff  }
0x9e: {  	v55 =	vmov v33;
	v33 =	vld.idx.msk [tilespmem:v33+s12+$0x0], $0xffff  }
0x9f: {  	v34 =	vld.idx.msk [tilespmem:v38+s11+$0x0], $0xffff  }
0xa0: {  	v48 =	vld.idx.msk [tilespmem:v35+s12+$0x0], $0xffff  }
0xa1: {  	v53 =	vmov v42;
	v42 =	vmov v36;
	v36 =	vld.idx.msk [tilespmem:v39+s11+$0x0], $0xffff  }
0xa2: {  	v51 =	vld.idx.msk [tilespmem:v37+s12+$0x0], $0xffff  }
0xa3: {  	v56 =	vmov v35;
	v35 =	vld.idx.msk [tilespmem:v39+s12+$0x0], $0xffff  }
0xa4: {  	v9 =	vld.idx.msk [tilespmem:v9+s12+$0x0], $0xffff  }
0xa5: {  	v13 =	vld.idx.msk [tilespmem:v13+s12+$0x0], $0xffff  }
0xa6: {  	v15 =	vld.idx.msk [tilespmem:v15+s12+$0x0], $0xffff  }
0xa7: {  	v17 =	vld.idx.msk [tilespmem:v17+s12+$0x0], $0xffff  }
0xa8: {  	v19 =	vld.idx.msk [tilespmem:v19+s12+$0x0], $0xffff  }
0xa9: {  	v23 =	vld.idx.msk [tilespmem:v23+s12+$0x0], $0xffff  }
0xaa: {  	v25 =	vld.idx.msk [tilespmem:v25+s12+$0x0], $0xffff  }
0xab: {  	v29 =	vld.idx.msk [tilespmem:v29+s12+$0x0], $0xffff  }
0xac: {  	v61 =	vld.idx.msk [tilespmem:v61+s3+$0x0], $0xffff  }
0xad: {  	v3 =	vld.idx.msk [tilespmem:v3+s12+$0x0], $0xffff  }
0xae: {  	v62 =	vld.idx.msk [tilespmem:v62+s3+$0x0], $0xffff  }
0xaf: {  	v5 =	vld.idx.msk [tilespmem:v5+s12+$0x0], $0xffff  }
0xb0: {  	v63 =	vld.idx.msk [tilespmem:v63+s3+$0x0], $0xffff  }
0xb1: {  	v7 =	vld.idx.msk [tilespmem:v7+s12+$0x0], $0xffff  }
0xb2: {  	v2 =	vld.idx.msk [tilespmem:v2+s3+$0x0], $0xffff  }
0xb3: {  	v4 =	vld.idx.msk [tilespmem:v4+s3+$0x0], $0xffff  }
0xb4: {  	v11 =	vld.idx.msk [tilespmem:v11+s12+$0x0], $0xffff  }
0xb5: {  	v6 =	vld.idx.msk [tilespmem:v6+s3+$0x0], $0xffff  }
0xb6: {  	v8 =	vld.idx.msk [tilespmem:v8+s3+$0x0], $0xffff  }
0xb7: {  	v10 =	vld.idx.msk [tilespmem:v10+s3+$0x0], $0xffff  }
0xb8: {  	v12 =	vld.idx.msk [tilespmem:v12+s3+$0x0], $0xffff  }
0xb9: {  	v14 =	vld.idx.msk [tilespmem:v14+s3+$0x0], $0xffff;
	v61 =	vsub.f32 v61, v60  }
0xba: {  	v21 =	vld.idx.msk [tilespmem:v21+s12+$0x0], $0xffff  }
0xbb: {  	v16 =	vld.idx.msk [tilespmem:v16+s3+$0x0], $0xffff;
	v62 =	vsub.f32 v62, v60;
	v1 =	vmul.f32 v61, v1  }
0xbc: {  	v18 =	vld.idx.msk [tilespmem:v18+s3+$0x0], $0xffff  }
0xbd: {  	v20 =	vld.idx.msk [tilespmem:v20+s3+$0x0], $0xffff;
	v63 =	vsub.f32 v63, v60;
	v3 =	vmul.f32 v62, v3;
	v61 =	vmul.f32 v1, v61  }
0xbe: {  	v27 =	vld.idx.msk [tilespmem:v27+s12+$0x0], $0xffff;
	v2 =	vsub.f32 v2, v60  }
0xbf: {  	v22 =	vld.idx.msk [tilespmem:v22+s3+$0x0], $0xffff;
	v5 =	vmul.f32 v63, v5;
	v62 =	vmul.f32 v3, v62;
	v61 =	vadd.f32 $0.0e+00, v61  }
0xc0: {  	v24 =	vld.idx.msk [tilespmem:v24+s3+$0x0], $0xffff  }
0xc1: {  	v31 =	vld.idx.msk [tilespmem:v31+s12+$0x0], $0xffff;
	v7 =	vmul.f32 v2, v7;
	v59 =	vmul.f32 v5, v63;
	v61 =	vadd.f32 v62, v61  }
0xc2: {  	v4 =	vsub.f32 v4, v60;
	v63 =	vld.idx.msk [tilespmem:v58+s11+$0x0], $0xffff  }
0xc3: {  	v26 =	vld.idx.msk [tilespmem:v26+s3+$0x0], $0xffff;
	v2 =	vmul.f32 v7, v2;
	v61 =	vadd.f32 v59, v61  }
0xc4: {  	v28 =	vld.idx.msk [tilespmem:v28+s3+$0x0], $0xffff;
	v6 =	vsub.f32 v6, v60;
	v9 =	vmul.f32 v4, v9  }
0xc5: {  	v2 =	vadd.f32 v2, v61;
	v61 =	vld.idx.msk [tilespmem:v52+s11+$0x0], $0xffff  }
0xc6: {  	v30 =	vld.idx.msk [tilespmem:v30+s3+$0x0], $0xffff;
	v11 =	vmul.f32 v6, v11;
	v4 =	vmul.f32 v9, v4  }
0xc7: {  	v32 =	vld.idx.msk [tilespmem:v32+s3+$0x0], $0xffff;
	v8 =	vsub.f32 v8, v60  }
0xc8: {  	v34 =	vld.idx.msk [tilespmem:v34+s3+$0x0], $0xffff;
	v2 =	vadd.f32 v4, v2;
	v4 =	vmul.f32 v11, v6  }
0xc9: {  	v36 =	vld.idx.msk [tilespmem:v36+s3+$0x0], $0xffff;
	v10 =	vsub.f32 v10, v60;
	v1 =	vadd.f32 $0.0e+00, v1;
	v6 =	vmul.f32 v8, v13  }
0xca: {  	v12 =	vsub.f32 v12, v60;
	v2 =	vadd.f32 v4, v2;
	v4 =	vld.idx.msk [tilespmem:v63+s3+$0x0], $0xffff  }
0xcb: {  	v1 =	vadd.f32 v3, v1;
	v3 =	vmul.f32 v6, v8;
	v8 =	vmul.f32 v10, v15;
	v63 =	vld [tilespmem:$0x1FDA0]  }
0xcc: {  	v62 =	vld.idx.msk [tilespmem:v38+s12+$0x0], $0xffff  }
0xcd: {  	v1 =	vadd.f32 v5, v1;
	v5 =	vmul.f32 v8, v10;
	v10 =	vmul.f32 v12, v17;
	v17 =	vld.idx.msk [tilespmem:v61+s3+$0x0], $0xffff  }
0xce: {  	v61 =	vld [tilespmem:$0x1FDB0]  }
0xcf: {  	v14 =	vsub.f32 v14, v60;
	v59 =	vld.idx.msk [tilespmem:v58+s12+$0x0], $0xffff;
	v2 =	vadd.f32 v3, v2  }
0xd0: {  	v1 =	vadd.f32 v7, v1;
	v13 =	vld.idx.msk [tilespmem:v0+s11+$0x0], $0xffff  }
0xd1: {  	v2 =	vadd.f32 v5, v2;
	v5 =	vmul.f32 v10, v12;
	v12 =	vmul.f32 v14, v19;
	v19 =	vld.idx.msk [tilespmem:v0+s12+$0x0], $0xffff  }
0xd2: {  	v16 =	vsub.f32 v16, v60;
	v0 =	vld [tilespmem:$0x1FDC0]  }
0xd3: {  	v1 =	vadd.f32 v9, v1;
	v15 =	vld.idx.msk [tilespmem:v63+s11+$0x0], $0xffff  }
0xd4: {  	v2 =	vadd.f32 v5, v2;
	v5 =	vmul.f32 v12, v14;
	v14 =	vmul.f32 v16, v21;
	v21 =	vld.idx.msk [tilespmem:v63+s12+$0x0], $0xffff  }
0xd5: {  	v1 =	vadd.f32 v11, v1;
	v63 =	vld [tilespmem:$0x1FDD0]  }
0xd6: {  	v7 =	vld.idx.msk [tilespmem:v61+s11+$0x0], $0xffff  }
0xd7: {  	v1 =	vadd.f32 v6, v1;
	v6 =	vld.idx.msk [tilespmem:v61+s12+$0x0], $0xffff  }
0xd8: {  	v61 =	vld [tilespmem:$0x1FDE0]  }
0xd9: {  	v3 =	vld.idx.msk [tilespmem:v52+s12+$0x0], $0xffff  }
0xda: {  	v18 =	vsub.f32 v18, v60;
	v9 =	vld.idx.msk [tilespmem:v0+s11+$0x0], $0xffff  }
0xdb: {  	v1 =	vadd.f32 v8, v1;
	v13 =	vld.idx.msk [tilespmem:v13+s3+$0x0], $0xffff;
	v2 =	vadd.f32 v5, v2;
	v11 =	vmul.f32 v14, v16  }
0xdc: {  	v16 =	vsub.f32 v20, v60;
	v5 =	vld.idx.msk [tilespmem:v15+s3+$0x0], $0xffff;
	v15 =	vmul.f32 v18, v23  }
0xdd: {  	v1 =	vadd.f32 v10, v1;
	v2 =	vadd.f32 v11, v2;
	v20 =	vld.idx.msk [tilespmem:v63+s11+$0x0], $0xffff  }
0xde: {  	v11 =	vmul.f32 v15, v18;
	v18 =	vmul.f32 v16, v25;
	v25 =	vsub.f32 v26, v60;
	v26 =	vld.idx.msk [tilespmem:v63+s12+$0x0], $0xffff  }
0xdf: {  	v1 =	vadd.f32 v12, v1;
	v7 =	vld.idx.msk [tilespmem:v7+s3+$0x0], $0xffff  }
0xe0: {  	v23 =	vld.idx.msk [tilespmem:v61+s11+$0x0], $0xffff  }
0xe1: {  	v1 =	vadd.f32 v14, v1;
	v2 =	vadd.f32 v11, v2;
	v11 =	vld.idx.msk [tilespmem:v0+s12+$0x0], $0xffff  }
0xe2: {  	v22 =	vsub.f32 v22, v60;
	v24 =	vsub.f32 v24, v60;
	v9 =	vld.idx.msk [tilespmem:v9+s3+$0x0], $0xffff  }
0xe3: {  	v1 =	vadd.f32 v15, v1;
	v63 =	vsub.f32 v36, v60;
	v36 =	vmov v42;
	v0 =	vld [tilespmem:$0x1FDF0]  }
0xe4: {  	v8 =	vmul.f32 v18, v16;
	v16 =	vmul.f32 v22, v27;
	v27 =	vsub.f32 v28, v60;
	v28 =	vld.idx.msk [tilespmem:v61+s12+$0x0], $0xffff  }
0xe5: {  	v1 =	vadd.f32 v18, v1;
	v18 =	vld.idx.msk [tilespmem:v40+s11+$0x0], $0xffff  }
0xe6: {  	v10 =	vmul.f32 v16, v22;
	v22 =	vmul.f32 v24, v29;
	v29 =	vld.idx.msk [tilespmem:v42+s11+$0x0], $0xffff  }
0xe7: {  	v1 =	vadd.f32 v16, v1;
	v16 =	vld.idx.msk [tilespmem:v41+s11+$0x0], $0xffff  }
0xe8: {  	v2 =	vadd.f32 v8, v2;
	v42 =	vmov v53;
	v53 =	vld [tilespmem:$0x1FF90]  }
0xe9: {  	v61 =	vsub.f32 v34, v60;
	v34 =	vld.idx.msk [tilespmem:v36+s12+$0x0], $0xffff  }
0xea: {  	v12 =	vld.idx.msk [tilespmem:v20+s3+$0x0], $0xffff;
	v2 =	vadd.f32 v10, v2  }
0xeb: {  	v10 =	vmul.f32 v22, v24;
	v20 =	vmul.f32 v25, v31;
	v24 =	vld.idx.msk [tilespmem:v57+s11+$0x0], $0xffff;
	v1 =	vadd.f32 v22, v1  }
0xec: {  	v31 =	vld.idx.msk [tilespmem:v57+s12+$0x0], $0xffff  }
0xed: {  	v2 =	vadd.f32 v10, v2;
	v10 =	vmul.f32 v20, v25;
	v1 =	vadd.f32 v20, v1;
	v20 =	vld.idx.msk [tilespmem:v40+s12+$0x0], $0xffff  }
0xee: {  	v8 =	vld.idx.msk [tilespmem:v0+s11+$0x0], $0xffff  }
0xef: {  	v14 =	vld.idx.msk [tilespmem:v23+s3+$0x0], $0xffff  }
0xf0: {  	v2 =	vadd.f32 v10, v2;
	v10 =	vld.idx.msk [tilespmem:v0+s12+$0x0], $0xffff  }
0xf1: {  	v25 =	vsub.f32 v30, v60;
	v23 =	vmul.f32 v27, v33;
	v0 =	vld [tilespmem:$0x1FFF0]  }
0xf2: {  	v18 =	vld.idx.msk [tilespmem:v18+s3+$0x0], $0xffff  }
0xf3: {  	v15 =	vmul.f32 v23, v27;
	v27 =	vmul.f32 v25, v48;
	v48 =	vld [tilespmem:$0x1FF80]  }
0xf4: {  	v16 =	vld.idx.msk [tilespmem:v16+s3+$0x0], $0xffff  }
0xf5: {  	v30 =	vsub.f32 v32, v60;
	v1 =	vadd.f32 v23, v1;
	v23 =	vld.idx.msk [tilespmem:v42+s12+$0x0], $0xffff  }
0xf6: {  	v24 =	vld.idx.msk [tilespmem:v24+s3+$0x0], $0xffff  }
0xf7: {  	v2 =	vadd.f32 v15, v2;
	v15 =	vmul.f32 v27, v25;
	v25 =	vmul.f32 v30, v51;
	v51 =	vld [tilespmem:$0x1FFB0]  }
0xf8: {  	v1 =	vadd.f32 v27, v1;
	v27 =	vld.idx.msk [tilespmem:v43+s12+$0x0], $0xffff  }
0xf9: {  	v2 =	vadd.f32 v15, v2;
	v15 =	vmul.f32 v25, v30;
	v30 =	vmul.f32 v61, v62;
	v62 =	vld.idx.msk [tilespmem:v43+s11+$0x0], $0xffff  }
0xfa: {  	v8 =	vld.idx.msk [tilespmem:v8+s3+$0x0], $0xffff  }
0xfb: {  	v1 =	vadd.f32 v25, v1;
	v2 =	vadd.f32 v15, v2;
	v15 =	vld.idx.msk [tilespmem:v29+s3+$0x0], $0xffff  }
0xfc: {  	v4 =	vsub.f32 v4, v60;
	v22 =	vmul.f32 v30, v61;
	v61 =	vld.idx.msk [tilespmem:v42+s11+$0x0], $0xffff  }
0xfd: {  	v29 =	vmul.f32 v63, v35;
	v1 =	vadd.f32 v30, v1;
	v30 =	vld.idx.msk [tilespmem:v0+s11+$0x0], $0xffff  }
0xfe: {  	v33 =	vmul.f32 v4, v59;
	v35 =	vmov v56;
	v56 =	vld [tilespmem:$0x1FE20]  }
0xff: {  	v17 =	vsub.f32 v17, v60;
	v2 =	vadd.f32 v22, v2;
	v22 =	vmul.f32 v29, v63;
	v63 =	vld [tilespmem:$0x1FF40]  }
0x100: {  	v13 =	vsub.f32 v13, v60;
	v1 =	vadd.f32 v29, v1;
	v29 =	vld.idx.msk [tilespmem:v46+s11+$0x0], $0xffff  }
0x101: {  	v3 =	vmul.f32 v17, v3;
	v4 =	vmul.f32 v33, v4;
	v2 =	vadd.f32 v22, v2;
	v22 =	vld.idx.msk [tilespmem:v41+s12+$0x0], $0xffff  }
0x102: {  	v19 =	vmul.f32 v13, v19;
	v1 =	vadd.f32 v33, v1;
	v33 =	vmov v55;
	v55 =	vld [tilespmem:$0x1FE00]  }
0x103: {  	v17 =	vmul.f32 v3, v17;
	v5 =	vsub.f32 v5, v60;
	v2 =	vadd.f32 v4, v2;
	v4 =	vld.idx.msk [tilespmem:v44+s11+$0x0], $0xffff  }
0x104: {  	v13 =	vmul.f32 v19, v13;
	v7 =	vsub.f32 v7, v60;
	v1 =	vadd.f32 v3, v1;
	v25 =	vld.idx.msk [tilespmem:v61+s3+$0x0], $0xffff  }
0x105: {  	v9 =	vsub.f32 v9, v60;
	v2 =	vadd.f32 v17, v2;
	v17 =	vmul.f32 v5, v21;
	v61 =	vld [tilespmem:$0x1FFD0]  }
0x106: {  	v1 =	vadd.f32 v19, v1;
	v19 =	vsub.f32 v24, v60;
	v24 =	vld.idx.msk [tilespmem:v53+s11+$0x0], $0xffff  }
0x107: {  	v6 =	vmul.f32 v7, v6;
	v21 =	vld.idx.msk [tilespmem:v63+s11+$0x0], $0xffff;
	v2 =	vadd.f32 v13, v2;
	v5 =	vmul.f32 v17, v5  }
0x108: {  	v11 =	vmul.f32 v9, v11;
	v13 =	vld.idx.msk [tilespmem:v62+s3+$0x0], $0xffff  }
0x109: {  	v7 =	vmul.f32 v6, v7;
	v12 =	vsub.f32 v12, v60;
	v62 =	vld [tilespmem:$0x1FFC0];
	v2 =	vadd.f32 v5, v2  }
0x10a: {  	v1 =	vadd.f32 v17, v1;
	v17 =	vld.idx.msk [tilespmem:v46+s12+$0x0], $0xffff  }
0x10b: {  	v29 =	vld.idx.msk [tilespmem:v29+s3+$0x0], $0xffff;
	v2 =	vadd.f32 v7, v2;
	v7 =	vmul.f32 v11, v9;
	v9 =	vmul.f32 v12, v26  }
0x10c: {  	v5 =	vld.idx.msk [tilespmem:v44+s12+$0x0], $0xffff  }
0x10d: {  	v4 =	vld.idx.msk [tilespmem:v4+s3+$0x0], $0xffff;
	v2 =	vadd.f32 v7, v2;
	v3 =	vmul.f32 v9, v12  }
0x10e: {  	v26 =	vld.idx.msk [tilespmem:v63+s12+$0x0], $0xffff  }
0x10f: {  	v14 =	vsub.f32 v14, v60;
	v2 =	vadd.f32 v3, v2;
	v3 =	vld.idx.msk [tilespmem:v30+s3+$0x0], $0xffff  }
0x110: {  	v1 =	vadd.f32 v6, v1;
	v30 =	vld.idx.msk [tilespmem:v48+s11+$0x0], $0xffff  }
0x111: {  	v8 =	vsub.f32 v8, v60;
	v63 =	vld [tilespmem:$0x1FF50];
	v12 =	vmul.f32 v14, v28  }
0x112: {  	v1 =	vadd.f32 v11, v1;
	v7 =	vld.idx.msk [tilespmem:v47+s11+$0x0], $0xffff  }
0x113: {  	v10 =	vmul.f32 v8, v10;
	v28 =	vld.idx.msk [tilespmem:v0+s12+$0x0], $0xffff;
	v14 =	vmul.f32 v12, v14  }
0x114: {  	v1 =	vadd.f32 v9, v1;
	v9 =	vld.idx.msk [tilespmem:v24+s3+$0x0], $0xffff  }
0x115: {  	v8 =	vmul.f32 v10, v8;
	v24 =	vsub.f32 v25, v60;
	v25 =	vld.idx.msk [tilespmem:v48+s12+$0x0], $0xffff;
	v2 =	vadd.f32 v14, v2  }
0x116: {  	v21 =	vld.idx.msk [tilespmem:v21+s3+$0x0], $0xffff;
	v1 =	vadd.f32 v12, v1  }
0x117: {  	v15 =	vsub.f32 v15, v60;
	v14 =	vmul.f32 v19, v31;
	v2 =	vadd.f32 v8, v2;
	v8 =	vld.idx.msk [tilespmem:v47+s12+$0x0], $0xffff  }
0x118: {  	v1 =	vadd.f32 v10, v1;
	v12 =	vld.idx.msk [tilespmem:v30+s3+$0x0], $0xffff  }
0x119: {  	v18 =	vsub.f32 v18, v60;
	v6 =	vmul.f32 v14, v19;
	v19 =	vmul.f32 v15, v34;
	v30 =	vld [tilespmem:$0x1FF70]  }
0x11a: {  	v16 =	vsub.f32 v16, v60;
	v10 =	vld.idx.msk [tilespmem:v63+s12+$0x0], $0xffff;
	v1 =	vadd.f32 v14, v1  }
0x11b: {  	v14 =	vld.idx.msk [tilespmem:v45+s11+$0x0], $0xffff;
	v2 =	vadd.f32 v6, v2;
	v11 =	vmul.f32 v19, v15;
	v15 =	vmul.f32 v18, v20  }
0x11c: {  	v7 =	vld.idx.msk [tilespmem:v7+s3+$0x0], $0xffff;
	v1 =	vadd.f32 v19, v1  }
0x11d: {  	v6 =	vld.idx.msk [tilespmem:v63+s11+$0x0], $0xffff;
	v2 =	vadd.f32 v11, v2;
	v11 =	vmul.f32 v15, v18;
	v18 =	vmul.f32 v16, v22  }
0x11e: {  	v20 =	vld.idx.msk [tilespmem:v53+s12+$0x0], $0xffff;
	v1 =	vadd.f32 v15, v1  }
0x11f: {  	v63 =	vld [tilespmem:$0x1FE50];
	v2 =	vadd.f32 v11, v2;
	v11 =	vmul.f32 v18, v16  }
0x120: {  	v13 =	vsub.f32 v13, v60;
	v22 =	vld.idx.msk [tilespmem:v50+s11+$0x0], $0xffff;
	v16 =	vmul.f32 v24, v23;
	v1 =	vadd.f32 v18, v1  }
0x121: {  	v4 =	vsub.f32 v4, v60;
	v2 =	vadd.f32 v11, v2;
	v23 =	vld.idx.msk [tilespmem:v30+s11+$0x0], $0xffff  }
0x122: {  	v18 =	vld.idx.msk [tilespmem:v45+s12+$0x0], $0xffff;
	v11 =	vmul.f32 v16, v24;
	v24 =	vmul.f32 v13, v27;
	v1 =	vadd.f32 v16, v1  }
0x123: {  	v14 =	vld.idx.msk [tilespmem:v14+s3+$0x0], $0xffff  }
0x124: {  	v5 =	vmul.f32 v4, v5;
	v21 =	vsub.f32 v21, v60;
	v16 =	vld.idx.msk [tilespmem:v49+s12+$0x0], $0xffff;
	v1 =	vadd.f32 v24, v1  }
0x125: {  	v6 =	vld.idx.msk [tilespmem:v6+s3+$0x0], $0xffff;
	v2 =	vadd.f32 v11, v2;
	v11 =	vmul.f32 v24, v13  }
0x126: {  	v19 =	vmul.f32 v21, v26;
	v13 =	vld.idx.msk [tilespmem:v50+s12+$0x0], $0xffff;
	v1 =	vadd.f32 v5, v1  }
0x127: {  	v4 =	vmul.f32 v5, v4;
	v3 =	vsub.f32 v3, v60;
	v2 =	vadd.f32 v11, v2;
	v11 =	vld.idx.msk [tilespmem:v49+s11+$0x0], $0xffff  }
0x128: {  	v15 =	vmul.f32 v19, v21;
	v1 =	vadd.f32 v19, v1;
	v19 =	vld [tilespmem:$0x1FFE0]  }
0x129: {  	v21 =	vmul.f32 v3, v28;
	v2 =	vadd.f32 v4, v2;
	v4 =	vld.idx.msk [tilespmem:v23+s3+$0x0], $0xffff  }
0x12a: {  	v23 =	vsub.f32 v29, v60;
	v29 =	vld [tilespmem:$0x1FFA0]  }
0x12b: {  	v3 =	vmul.f32 v21, v3;
	v24 =	vld.idx.msk [tilespmem:v61+s11+$0x0], $0xffff  }
0x12c: {  	v7 =	vsub.f32 v7, v60;
	v2 =	vadd.f32 v15, v2;
	v15 =	vmul.f32 v23, v17;
	v17 =	vld.idx.msk [tilespmem:v51+s11+$0x0], $0xffff  }
0x12d: {  	v9 =	vsub.f32 v9, v60;
	v22 =	vld.idx.msk [tilespmem:v22+s3+$0x0], $0xffff  }
0x12e: {  	v8 =	vmul.f32 v7, v8;
	v26 =	vld.idx.msk [tilespmem:v30+s12+$0x0], $0xffff;
	v2 =	vadd.f32 v3, v2;
	v3 =	vmul.f32 v15, v23  }
0x12f: {  	v20 =	vmul.f32 v9, v20;
	v1 =	vadd.f32 v21, v1;
	v21 =	vld.idx.msk [tilespmem:v61+s12+$0x0], $0xffff  }
0x130: {  	v12 =	vsub.f32 v12, v60;
	v7 =	vmul.f32 v8, v7;
	v11 =	vld.idx.msk [tilespmem:v11+s3+$0x0], $0xffff;
	v2 =	vadd.f32 v3, v2  }
0x131: {  	v19 =	vld.idx.msk [tilespmem:v19+s11+$0x0], $0xffff  }
0x132: {  	v27 =	vld.idx.msk [tilespmem:v29+s11+$0x0], $0xffff;
	v2 =	vadd.f32 v7, v2;
	v7 =	vmul.f32 v20, v9;
	v9 =	vmul.f32 v12, v25  }
0x133: {  	v6 =	vsub.f32 v6, v60;
	v3 =	vld.idx.msk [tilespmem:v62+s11+$0x0], $0xffff  }
0x134: {  	v1 =	vadd.f32 v15, v1;
	v2 =	vadd.f32 v7, v2;
	v7 =	vmul.f32 v9, v12;
	v12 =	vld.idx.msk [tilespmem:v17+s3+$0x0], $0xffff  }
0x135: {  	v17 =	vsub.f32 v22, v60;
	v22 =	vld.idx.msk [tilespmem:v24+s3+$0x0], $0xffff  }
0x136: {  	v10 =	vmul.f32 v6, v10;
	v1 =	vadd.f32 v8, v1;
	v24 =	vld [tilespmem:$0x1FE10]  }
0x137: {  	v15 =	vld.idx.msk [tilespmem:v55+s11+$0x0], $0xffff  }
0x138: {  	v6 =	vmul.f32 v10, v6;
	v23 =	vld.idx.msk [tilespmem:v29+s12+$0x0], $0xffff;
	v1 =	vadd.f32 v20, v1  }
0x139: {  	v4 =	vsub.f32 v4, v60;
	v25 =	vld.idx.msk [tilespmem:v51+s12+$0x0], $0xffff;
	v2 =	vadd.f32 v7, v2;
	v13 =	vmul.f32 v17, v13  }
0x13a: {  	v14 =	vsub.f32 v14, v60;
	v1 =	vadd.f32 v9, v1;
	v5 =	vld.idx.msk [tilespmem:v27+s3+$0x0], $0xffff  }
0x13b: {  	v9 =	vld.idx.msk [tilespmem:v55+s12+$0x0], $0xffff;
	v2 =	vadd.f32 v6, v2;
	v6 =	vmul.f32 v13, v17;
	v17 =	vmul.f32 v4, v26  }
0x13c: {  	v11 =	vsub.f32 v11, v60;
	v3 =	vld.idx.msk [tilespmem:v3+s3+$0x0], $0xffff  }
0x13d: {  	v8 =	vmul.f32 v14, v18;
	v26 =	vld [tilespmem:$0x1FFE0];
	v2 =	vadd.f32 v6, v2;
	v4 =	vmul.f32 v17, v4  }
0x13e: {  	v16 =	vmul.f32 v11, v16;
	v1 =	vadd.f32 v10, v1;
	v6 =	vld.idx.msk [tilespmem:v24+s11+$0x0], $0xffff  }
0x13f: {  	v14 =	vmul.f32 v8, v14;
	v2 =	vadd.f32 v4, v2;
	v4 =	vld.idx.msk [tilespmem:v19+s3+$0x0], $0xffff;
	v5 =	vsub.f32 v5, v60  }
0x140: {  	v11 =	vmul.f32 v16, v11;
	v1 =	vadd.f32 v13, v1;
	v19 =	vld.idx.msk [tilespmem:v56+s11+$0x0], $0xffff  }
0x141: {  	v12 =	vsub.f32 v12, v60;
	v2 =	vadd.f32 v14, v2;
	v14 =	vmul.f32 v5, v23;
	v23 =	vld [tilespmem:$0x1FE30]  }
0x142: {  	v1 =	vadd.f32 v17, v1;
	v10 =	vld.idx.msk [tilespmem:v24+s12+$0x0], $0xffff  }
0x143: {  	v24 =	vor.u32 $0x3C, v54;
	v2 =	vadd.f32 v11, v2;
	v11 =	vmul.f32 v12, v25;
	v25 =	vld [tilespmem:$0x1FE40]  }
0x144: {  	v7 =	vld.idx.msk [tilespmem:v62+s12+$0x0], $0xffff;
	v1 =	vadd.f32 v8, v1  }
0x145: {  	v15 =	vld.idx.msk [tilespmem:v15+s3+$0x0], $0xffff  }
0x146: {  	v13 =	vsub.f32 v22, v60;
	v22 =	vld.idx.msk [tilespmem:v56+s12+$0x0], $0xffff;
	v1 =	vadd.f32 v16, v1  }
0x147: {  	v18 =	vld.idx.msk [tilespmem:v26+s12+$0x0], $0xffff  }
0x148: {  	v3 =	vsub.f32 v3, v60;
	v5 =	vmul.f32 v14, v5;
	v1 =	vadd.f32 v14, v1;
	v14 =	vld.idx.msk [tilespmem:v24+s11+$0x0], $0xffff  }
0x149: {  	v20 =	vld.idx.msk [tilespmem:v23+s11+$0x0], $0xffff  }
0x14a: {  	v7 =	vmul.f32 v3, v7;
	v12 =	vmul.f32 v11, v12;
	v17 =	vld.idx.msk [tilespmem:v19+s3+$0x0], $0xffff;
	v2 =	vadd.f32 v5, v2  }
0x14b: {  	v19 =	vor.u32 $0x3B, v54;
	v5 =	vld.idx.msk [tilespmem:v25+s11+$0x0], $0xffff  }
0x14c: {  	v3 =	vmul.f32 v7, v3;
	v6 =	vld.idx.msk [tilespmem:v6+s3+$0x0], $0xffff;
	v2 =	vadd.f32 v12, v2;
	v12 =	vmul.f32 v13, v21  }
0x14d: {  	v4 =	vsub.f32 v4, v60;
	v21 =	vld.idx.msk [tilespmem:v63+s11+$0x0], $0xffff  }
0x14e: {  	v23 =	vld.idx.msk [tilespmem:v23+s12+$0x0], $0xffff;
	v2 =	vadd.f32 v3, v2;
	v3 =	vmul.f32 v12, v13  }
0x14f: {  	v15 =	vsub.f32 v15, v60;
	v13 =	vmul.f32 v4, v18;
	v18 =	vld.idx.msk [tilespmem:v25+s12+$0x0], $0xffff  }
0x150: {  	v16 =	vor.u32 $0x3D, v54;
	v2 =	vadd.f32 v3, v2;
	v3 =	vld.idx.msk [tilespmem:v19+s11+$0x0], $0xffff  }
0x151: {  	v9 =	vmul.f32 v15, v9;
	v6 =	vsub.f32 v6, v60;
	v4 =	vmul.f32 v13, v4;
	v8 =	vld.idx.msk [tilespmem:v20+s3+$0x0], $0xffff  }
0x152: {  	v19 =	vld.idx.msk [tilespmem:v19+s12+$0x0], $0xffff;
	v20 =	vor.u32 $0x3E, v54  }
0x153: {  	v10 =	vmul.f32 v6, v10;
	v2 =	vadd.f32 v4, v2;
	v4 =	vmul.f32 v9, v15;
	v5 =	vld.idx.msk [tilespmem:v5+s3+$0x0], $0xffff  }
0x154: {  	v17 =	vsub.f32 v17, v60;
	v25 =	vor.u32 $0x3F, v54;
	v15 =	vld.idx.msk [tilespmem:v63+s12+$0x0], $0xffff  }
0x155: {  	v1 =	vadd.f32 v11, v1;
	v2 =	vadd.f32 v4, v2;
	v4 =	vmul.f32 v10, v6;
	v6 =	vld.idx.msk [tilespmem:v16+s11+$0x0], $0xffff  }
0x156: {  	v11 =	vmul.f32 v17, v22;
	v21 =	vld.idx.msk [tilespmem:v21+s3+$0x0], $0xffff;
	v8 =	vsub.f32 v8, v60  }
0x157: {  	v1 =	vadd.f32 v7, v1;
	v2 =	vadd.f32 v4, v2;
	v4 =	vld.idx.msk [tilespmem:v20+s11+$0x0], $0xffff  }
0x158: {  	v7 =	vmul.f32 v11, v17;
	v3 =	vld.idx.msk [tilespmem:v3+s3+$0x0], $0xffff;
	v5 =	vsub.f32 v5, v60;
	v17 =	vmul.f32 v8, v23  }
0x159: {  	v1 =	vadd.f32 v12, v1;
	v12 =	vld.idx.msk [tilespmem:v25+s11+$0x0], $0xffff  }
0x15a: {  	v14 =	vld.idx.msk [tilespmem:v14+s3+$0x0], $0xffff;
	v2 =	vadd.f32 v7, v2;
	v7 =	vmul.f32 v17, v8;
	v8 =	vmul.f32 v5, v18  }
0x15b: {  	v18 =	vsub.f32 v21, v60  }
0x15c: {  	v1 =	vadd.f32 v13, v1;
	v2 =	vadd.f32 v7, v2;
	v5 =	vmul.f32 v8, v5;
	v7 =	vld.idx.msk [tilespmem:v24+s12+$0x0], $0xffff  }
0x15d: {  	v6 =	vld.idx.msk [tilespmem:v6+s3+$0x0], $0xffff;
	v3 =	vsub.f32 v3, v60;
	v13 =	vmul.f32 v18, v15  }
0x15e: {  	v1 =	vadd.f32 v9, v1;
	v2 =	vadd.f32 v5, v2;
	v5 =	vld.idx.msk [tilespmem:v16+s12+$0x0], $0xffff  }
0x15f: {  	v14 =	vsub.f32 v14, v60;
	v15 =	vmul.f32 v3, v19;
	v9 =	vmul.f32 v13, v18;
	v4 =	vld.idx.msk [tilespmem:v4+s3+$0x0], $0xffff  }
0x160: {  	v1 =	vadd.f32 v10, v1;
	v10 =	vld.idx.msk [tilespmem:v20+s12+$0x0], $0xffff  }
0x161: {  	v3 =	vmul.f32 v15, v3;
	v2 =	vadd.f32 v9, v2;
	v9 =	vld.idx.msk [tilespmem:v12+s3+$0x0], $0xffff;
	v7 =	vmul.f32 v14, v7  }
0x162: {  	v6 =	vsub.f32 v6, v60  }
0x163: {  	v1 =	vadd.f32 v11, v1;
	v11 =	vld.idx.msk [tilespmem:v25+s12+$0x0], $0xffff;
	v2 =	vadd.f32 v3, v2;
	v3 =	vmul.f32 v7, v14  }
0x164: {  	v5 =	vmul.f32 v6, v5;
	v4 =	vsub.f32 v4, v60  }
0x165: {  	v1 =	vadd.f32 v17, v1;
	v2 =	vadd.f32 v3, v2  }
0x166: {  	v3 =	vmul.f32 v5, v6;
	v6 =	vmul.f32 v4, v10;
	v9 =	vsub.f32 v9, v60  }
0x167: {  	v1 =	vadd.f32 v8, v1  }
0x168: {  	v2 =	vadd.f32 v3, v2;
	v3 =	vmul.f32 v6, v4;
	v4 =	vmul.f32 v9, v11;
	_ =	sdelay $0x1  }
0x169: {  	v1 =	vadd.f32 v13, v1;
	v2 =	vadd.f32 v3, v2;
	v3 =	vmul.f32 v4, v9;
	_ =	sdelay $0x1  }
0x16a: {  	v1 =	vadd.f32 v15, v1;
	v2 =	vadd.f32 v3, v2;
	v3 =	vld [tilespmem:s17+$0x0];
	_ =	sdelay $0x1  }
0x16b: {  	v1 =	vadd.f32 v7, v1;
	(erf) = vrcp.f32 v2;
	_ =	sdelay $0x1  }
0x16c: {  	v31 =	vld [tilespmem:$0x1FF60];
	v1 =	vadd.f32 v5, v1  }
0x16d: {  	v28 =	vld [tilespmem:$0x1FF30];
	v2 =	vsub.f32 v3, v60  }
0x16e: {  	v27 =	vld [tilespmem:$0x1FF20];
	v1 =	vadd.f32 v6, v1  }
0x16f: {  	v22 =	vld [tilespmem:$0x1FF00];
	v2 =	vmul.f32 $6.300000000e+01, v2  }
0x170: {  	v20 =	vld [tilespmem:$0x1FF10];
	v1 =	vadd.f32 v4, v1  }
0x171: {  	v21 =	vld [tilespmem:$0x1FEF0]  }
0x172: {  	v8 =	vld [tilespmem:$0x1FE90];
	v1 =	vmul.f32 v1, v2  }
0x173: {  	v16 =	vld [tilespmem:$0x1FEE0];
	v2 =	vpop (erf)  }
0x174: {  	v1 =	vmul.f32 v2, v1;
	v2 =	vld [tilespmem:$0x1FD80]  }
0x175: {  	v12 =	vld [tilespmem:$0x1FEC0]  }
0x176: {  	v14 =	vld [tilespmem:$0x1FED0]  }
0x177: {  	p0 =	sne.s32 s18, $0x1;
	v7 =	vld [tilespmem:$0x1FE80]  }
.Ltmp1:
0x178: {  	v10 =	vld [tilespmem:$0x1FEA0];
	v1 =	vand.u32 $0x7FFFFFFF, v1;
	(pc) =	sbr.rel @p0 .LBB2_4-.Ltmp1, $4  }
0x179: {  	v5 =	vld [tilespmem:$0x1FE70];
	v2 =	vadd.f32 v1, v2  }
0x17a: {  	v11 =	vld [tilespmem:$0x1FEB0]  }
0x17b: {  	s16 =	sadd.s32 $0x100, s16;
	v3 =	vld [tilespmem:$0x1FE60];
	[tilespmem:$0x1FD80] =	vst v2  }
0x17c: {  	s18 =	sadd.s32 $0xFFFFFFFF, s18;
	s15 =	sadd.s32 $0x100, s15;
	s17 =	sadd.s32 $0x10, s17;
	v1 =	vld [tilespmem:$0x1FD80]  }
0x17d: {  	_ =	sdelay $0x1  }
0x17e: {  	s14 =	sadd.s32 $0x1, s14  }
0x17f: {  	p0 =	sne.s32 s14, s6  }
.Ltmp2:
0x180: {  	[tilespmem:$0x19700] =	vst v1;
	(pc) =	sbr.rel @p0 .LBB2_1-.Ltmp2, $4  }
0x181: {  	[hbm4b:s5+s3] =	stream.linear.scatter [tilespmem:s13], [sflag:$0x1], $0x80, $0x38;
	[tilespmem:$0x19780] =	vst v63  }
0x182: {  	_ =	swait.ge [sflag:s10], $0x80  }
0x183: {  	[sflag:s10] =	ssyncset.done $0x0  }
0x184: {  	[sflag:s10] =	ssyncadd.s32 $0xFFFFFF80  }
0x185: {  	_ =	sfence.sel $0x180000  }
0x186: {  	[bflag:$0x0] =	sbarrier.arrive $0xFFFF  }
0x187: {  	p0 =	sne.s32 s0, $0x0;
	_ =	strace $0x90000047  }
0x188: {  	s0 =	sadd.s32 @!p0 $0x100000, s2;
	[bflag:$0x2] =	sbarrier.arrive $0xFFFF  }
0x189: {  	[sflag:s0] =	ssyncadd.tile.s32 @!p0 $0x1;
	_ =	shalt  }
.Lfunc_end2:
_tile_overlayer_lowered:
.L_overlay_start_2:
0x18a: {  	(tag) =	ssettag $0x2  }
0x18b: {  	s0 =	rddreg [dreg:$0x0];
	s2 =	stileid.u32  }
0x18c: {  	s1 =	rddreg [dreg:$0x1];
	p0 =	sne.s32 s2, $0x0  }
0x18d: {  	s3 =	rddreg [dreg:$0x2];
	[bflag:$0x3] =	sbarrier.arrive $0xFFFF;
	s2 =	simm.s32 @!p0 $0x1C01  }
0x18e: {  	[timem:s3], [sflag:s2] =	dma.local @!p0 [hbm:s0], s1  }
0x18f: {  	s0 =	simm.s32 @!p0 $0x1  }
0x190: {  	_ =	swait.ge @!p0 [sflag:s0], s1  }
0x191: {  	s1 =	ssub.s32 @!p0 $0x0, s1;
	[sflag:s0] =	ssyncset.done @!p0 $0x0  }
0x192: {  	[sflag:s0] =	ssyncadd.s32 @!p0 s1  }
0x193: {  	[bflag:$0x3] =	sbarrier.arrive $0xFFFF  }
0x194: {  	_ =	shalt  }

</sc_bundles>
